<compile_context>
chip_gen: v7x
topology: tpu7x:2x2x1
jax: 0.10.2.dev20260603
libtpu: 0.0.44.dev20260713+nightly
codegen_flags: <defaults>
</compile_context>

<pallas_src>
import functools

import jax
import jax.numpy as jnp
from jax import lax
from jax.experimental import pallas as pl
from jax.experimental.pallas import tpu as pltpu
from jax.experimental.pallas import tpu_sc as plsc

N = 10000
E = 320000
IN_FEATS = 128
H = 4
F = 32
HF = H * F
ROW = 144
NEG_SLOPE = 0.2

NC = 2
NS = 16
NW = NC * NS
EPW = E // NW
CHUNK = 80
NIT = EPW // CHUNK
RPT = N // NS

_f32 = jnp.float32


def _proj_body(feat_ref, wt_ref, c5_ref, c4_ref, hx_ref, er_ref):
    hb = jnp.dot(feat_ref[...], wt_ref[...], preferred_element_type=_f32, precision=lax.Precision.HIGHEST)
    extra = jnp.dot(hb, c5_ref[...], preferred_element_type=_f32, precision=lax.Precision.HIGHEST)
    hx_ref[...] = jnp.concatenate([hb, extra], axis=1)
    er_ref[...] = jnp.dot(hb, c4_ref[...], preferred_element_type=_f32, precision=lax.Precision.HIGHEST)


def _project(feat, Wt, C5, C4):
    bn = 400
    grid = (N // bn,)
    return pl.pallas_call(
        _proj_body,
        grid=grid,
        in_specs=[
            pl.BlockSpec((bn, IN_FEATS), lambda i: (i, 0)),
            pl.BlockSpec((IN_FEATS, HF), lambda i: (0, 0)),
            pl.BlockSpec((HF, 16), lambda i: (0, 0)),
            pl.BlockSpec((HF, 16), lambda i: (0, 0)),
        ],
        out_specs=[
            pl.BlockSpec((bn, ROW), lambda i: (i, 0)),
            pl.BlockSpec((bn, 16), lambda i: (i, 0)),
        ],
        out_shape=[
            jax.ShapeDtypeStruct((N, ROW), _f32),
            jax.ShapeDtypeStruct((N, 16), _f32),
        ],
    )(feat, Wt, C5, C4)


SUP = 25
NSUP = NIT // SUP


def _edge_body(hx_hbm, er_hbm, src_hbm, dst_hbm, out_hbm,
               srcb, dstb, erb0, erb1, buf0, buf1, racc,
               gsem0, gsem1, esem0, esem1):
    c = lax.axis_index("c")
    s = lax.axis_index("s")
    w = c * NS + s

    zero16 = jnp.zeros((16,), _f32)

    def _zr(r, carry):
        for cc in range(ROW // 16):
            buf0[r, pl.ds(cc * 16, 16)] = zero16
        return carry

    lax.fori_loop(0, CHUNK, _zr, 0)
    base = s * RPT
    for k in range(RPT // CHUNK):
        pltpu.sync_copy(buf0, racc.at[pl.ds(base + k * CHUNK, CHUNK)])
    rem = RPT % CHUNK
    if rem:
        pltpu.sync_copy(buf0.at[pl.ds(0, rem)],
                        racc.at[pl.ds(base + RPT - rem, rem)])
    plsc.subcore_barrier()

    lane = lax.iota(jnp.int32, 16)
    bufs = (buf0, buf1)
    erbs = (erb0, erb1)
    gsems = (gsem0, gsem1)
    esems = (esem0, esem1)

    def _issue(itl, b):
        pltpu.async_copy(hx_hbm.at[srcb.at[itl]], bufs[b], gsems[b])
        pltpu.async_copy(er_hbm.at[dstb.at[itl]], erbs[b], esems[b])

    def _wait(b):
        pltpu.make_async_copy(hx_hbm.at[srcb.at[0]], bufs[b], gsems[b]).wait()
        pltpu.make_async_copy(er_hbm.at[dstb.at[0]], erbs[b], esems[b]).wait()

    def _compute(itl, b):
        buf = bufs[b]
        erb = erbs[b]

        @plsc.parallel_loop(0, CHUNK // 16, unroll=5)
        def _grp(g):
            ev = lane + g * 16
            for h in range(H):
                colw = jnp.full((16,), HF + h, jnp.int32)
                el = plsc.load_gather(buf, [ev, colw])
                er = plsc.load_gather(erb, [ev, jnp.full((16,), h, jnp.int32)])
                e = el + er
                e = jnp.where(e > 0, e, _f32(NEG_SLOPE) * e)
                plsc.store_scatter(buf, [ev, colw], jnp.exp(e))

        @plsc.parallel_loop(0, CHUNK, unroll=4)
        def _edge(eix):
            wv = buf[eix, pl.ds(HF, 16)]
            for h in range(H):
                wsc = wv[h]
                for j in range(2):
                    sl = pl.ds(h * F + j * 16, 16)
                    buf[eix, sl] = buf[eix, sl] * wsc

        pltpu.sync_copy(buf, racc.at[dstb.at[itl]], add=True)

    def _sup(sp, carry):
        pltpu.sync_copy(src_hbm.at[w, pl.ds(sp * SUP, SUP)], srcb)
        pltpu.sync_copy(dst_hbm.at[w, pl.ds(sp * SUP, SUP)], dstb)
        _issue(0, 0)
        _issue(1, 1)

        def _pair(j2, carry2):
            for b in range(2):
                itl = j2 * 2 + b
                _wait(b)
                _compute(itl, b)

                @pl.when(itl + 2 < SUP)
                def _():
                    _issue(itl + 2, b)
            return carry2

        lax.fori_loop(0, SUP // 2, _pair, 0)
        _wait((SUP - 1) % 2)
        _compute(SUP - 1, (SUP - 1) % 2)
        return carry

    lax.fori_loop(0, NSUP, _sup, 0)

    plsc.subcore_barrier()
    pltpu.sync_copy(racc.at[pl.ds(base, RPT)], out_hbm.at[c, pl.ds(base, RPT)])


def _edge_pass(hx, ertab, src, dst):
    mesh = plsc.VectorSubcoreMesh(core_axis_name="c", subcore_axis_name="s")
    kern = pl.kernel(
        _edge_body,
        out_type=jax.ShapeDtypeStruct((NC, N, ROW), _f32),
        mesh=mesh,
        scratch_types=[
            pltpu.VMEM((SUP, CHUNK), jnp.int32),
            pltpu.VMEM((SUP, CHUNK), jnp.int32),
            pltpu.VMEM((CHUNK, 16), _f32),
            pltpu.VMEM((CHUNK, 16), _f32),
            pltpu.VMEM((CHUNK, ROW), _f32),
            pltpu.VMEM((CHUNK, ROW), _f32),
            pltpu.VMEM_SHARED((N, ROW), _f32),
            pltpu.SemaphoreType.DMA,
            pltpu.SemaphoreType.DMA,
            pltpu.SemaphoreType.DMA,
            pltpu.SemaphoreType.DMA,
        ],
        compiler_params=pltpu.CompilerParams(
            use_tc_tiling_on_sc=False, needs_layout_passes=False),
    )
    return kern(hx, ertab, src, dst)


def _comb_body(p_ref, b2_ref, o_ref):
    rows = p_ref[0] + p_ref[1]
    dx = jnp.dot(rows, b2_ref[...], preferred_element_type=_f32, precision=lax.Precision.HIGHEST)
    o_ref[...] = rows[:, :HF] / (dx + _f32(1e-16))


def _combine(parts, B2):
    bn = 400
    grid = (N // bn,)
    return pl.pallas_call(
        _comb_body,
        grid=grid,
        in_specs=[
            pl.BlockSpec((NC, bn, ROW), lambda i: (0, i, 0)),
            pl.BlockSpec((ROW, HF), lambda i: (0, 0)),
        ],
        out_specs=pl.BlockSpec((bn, HF), lambda i: (i, 0)),
        out_shape=jax.ShapeDtypeStruct((N, HF), _f32),
    )(parts, B2)


@jax.jit
def kernel(feat, edge_index, W, attn):
    Wt = W.T

    a = attn[0]
    a_l = a[:, :F]
    a_r = a[:, F:]
    C5 = jnp.zeros((HF, 16), _f32)
    C4 = jnp.zeros((HF, 16), _f32)
    for h in range(H):
        C5 = C5.at[h * F:(h + 1) * F, h].set(a_l[h])
        C4 = C4.at[h * F:(h + 1) * F, h].set(a_r[h])
    B2 = jnp.zeros((ROW, HF), _f32)
    for h in range(H):
        B2 = B2.at[HF + h, h * F:(h + 1) * F].set(1.0)

    hx, ertab = _project(feat, Wt, C5, C4)

    src = edge_index[0].reshape(NW, NIT, CHUNK)
    dst = edge_index[1].reshape(NW, NIT, CHUNK)
    parts = _edge_pass(hx, ertab, src, dst)

    out = _combine(parts, B2)
    return out.reshape(N, H, F)

# --- scband reference (transcript-rebuilt; emitter-appended) ---
"""Pipeline reference for scband-gatconv-000-67508295958893 (READ-ONLY COPY).

The authoritative reference and input builder live on the scoring server;
editing this copy changes nothing except your own understanding.
"""

import jax, jax.numpy as jnp
import numpy as np

N = 10000
E = 320000
IN_FEATS = 128
H = 4
F = 32
NEG_SLOPE = 0.2


def setup_inputs(seed: int = 0) -> dict:
    key = jax.random.key(seed)
    k1, k2, k3, k4 = jax.random.split(key, 4)
    feat = jax.random.normal(k1, (N, IN_FEATS), dtype=jnp.float32)
    edge_index = jax.random.randint(k2, (2, E), 0, N, dtype=jnp.int32)
    # fc weight: [out_feats*num_heads, in_feats], xavier-normal-ish scale
    W = jax.random.normal(k3, (H * F, IN_FEATS), dtype=jnp.float32) * (np.sqrt(2.0) * np.sqrt(2.0 / (IN_FEATS + H * F)))
    attn = jax.random.normal(k4, (1, H, 2 * F), dtype=jnp.float32) * (np.sqrt(2.0) * np.sqrt(2.0 / (1 + 2 * F)))
    return {"feat": feat, "edge_index": edge_index, "W": W, "attn": attn}


def reference(feat, edge_index, W, attn):
    src = edge_index[0]
    dst = edge_index[1]
    # fc projection and reshape to [N, H, F]
    h = (feat @ W.T).reshape(-1, H, F)
    # attn split: first F entries act on src features, last F on dst features
    a_l = attn[:, :, :F]  # [1, H, F]
    a_r = attn[:, :, F:]  # [1, H, F]
    el = (h * a_l).sum(axis=-1)  # [N, H]
    er = (h * a_r).sum(axis=-1)  # [N, H]
    # u_add_v then dot with attn == el[src] + er[dst]
    e = el[src] + er[dst]  # [E, H]
    # leaky relu
    e = jnp.where(e > 0, e, NEG_SLOPE * e)
    # edge softmax normalized over incoming edges of each dst node
    emax = jax.ops.segment_max(e, dst, num_segments=N)
    emax = jnp.where(jnp.isfinite(emax), emax, 0.0)
    ee = jnp.exp(e - emax[dst])
    denom = jax.ops.segment_sum(ee, dst, num_segments=N)
    a = ee / (denom[dst] + 1e-16)  # [E, H]
    # message = u_mul_e, aggregate sum into dst
    m = h[src] * a[:, :, None]  # [E, H, F]
    rst = jax.ops.segment_sum(m, dst, num_segments=N)  # [N, H, F]
    return rst

if __name__ == "__main__":
    import jax
    _d = setup_inputs()
    print(jax.jit(kernel)(*tuple(_d.values())))

</pallas_src>

<mosaic_0001>
#map = affine_map<(d0, d1) -> (0, 0)>
#map1 = affine_map<(d0, d1) -> (0, 0, 0)>
module attributes {stable_mosaic.version = 14 : i64} {
  func.func @_edge_body(%arg0: i32, %arg1: i32, %arg2: memref<10000x144xf32, #tpu.memory_space<hbm>>, %arg3: memref<10000x16xf32, #tpu.memory_space<hbm>>, %arg4: memref<32x125x80xi32, #tpu.memory_space<hbm>>, %arg5: memref<32x125x80xi32, #tpu.memory_space<hbm>>, %arg6: memref<2x10000x144xf32, #tpu.memory_space<hbm>>, %arg7: memref<25x80xi32, #tpu.memory_space<vmem>>, %arg8: memref<25x80xi32, #tpu.memory_space<vmem>>, %arg9: memref<80x16xf32, #tpu.memory_space<vmem>>, %arg10: memref<80x16xf32, #tpu.memory_space<vmem>>, %arg11: memref<80x144xf32, #tpu.memory_space<vmem>>, %arg12: memref<80x144xf32, #tpu.memory_space<vmem>>, %arg13: memref<10000x144xf32, #tpu.memory_space<vmem_shared>>, %arg14: memref<!tpu.dma_semaphore, #tpu.memory_space<semaphore_mem>>, %arg15: memref<!tpu.dma_semaphore, #tpu.memory_space<semaphore_mem>>, %arg16: memref<!tpu.dma_semaphore, #tpu.memory_space<semaphore_mem>>, %arg17: memref<!tpu.dma_semaphore, #tpu.memory_space<semaphore_mem>>) attributes {dimension_semantics = [#tpu.dimension_semantics<core_parallel>, #tpu.dimension_semantics<subcore_parallel>], iteration_bounds = array<i64: 2, 16>, scalar_prefetch = 0 : i64, scratch_operands = 11 : i64, tpu.core_type = #tpu.core_type<sc_vector_subcore>, window_params = [{transform_indices = #map}, {transform_indices = #map}, {transform_indices = #map1}, {transform_indices = #map1}, {transform_indices = #map1}]} {
    %mul3A = arith.constant 16 : i32
    %mul3A_0 = arith.muli %arg0, %mul3A : i32
    %add3A = arith.addi %mul3A_0, %arg1 : i32
    %broadcast_in_dim3A = arith.constant 0.000000e+00 : f32
    %broadcast_in_dim3A_1 = vector.broadcast %broadcast_in_dim3A : f32 to vector<16xf32>
    %scan3A = arith.constant 0 : i32
    %scan3A_2 = arith.constant 0 : i32
    %scan3A_3 = arith.constant 80 : i32
    %scan3A_4 = arith.addi %scan3A_2, %scan3A_3 : i32
    %scan3A_5 = arith.constant 1 : i32
    scf.for %scan3A_33 = %scan3A_2 to %scan3A_4 step %scan3A_5  : i32 {
      %swap3A = arith.index_cast %scan3A_33 : i32 to index
      %swap3A_34 = arith.constant 0 : index
      %swap3A_35 = tpu.vector_load %arg11[%swap3A, %swap3A_34] {strides = array<i32>} : memref<80x144xf32, #tpu.memory_space<vmem>>, vector<16xf32>,
      tpu.vector_store %arg11[%swap3A, %swap3A_34], %broadcast_in_dim3A_1 {strides = array<i32>} : memref<80x144xf32, #tpu.memory_space<vmem>>, vector<16xf32>,
      %swap3A_36 = arith.index_cast %scan3A_33 : i32 to index
      %swap3A_37 = arith.constant 16 : index
      %swap3A_38 = tpu.vector_load %arg11[%swap3A_36, %swap3A_37] {strides = array<i32>} : memref<80x144xf32, #tpu.memory_space<vmem>>, vector<16xf32>,
      tpu.vector_store %arg11[%swap3A_36, %swap3A_37], %broadcast_in_dim3A_1 {strides = array<i32>} : memref<80x144xf32, #tpu.memory_space<vmem>>, vector<16xf32>,
      %swap3A_39 = arith.index_cast %scan3A_33 : i32 to index
      %swap3A_40 = arith.constant 32 : index
      %swap3A_41 = tpu.vector_load %arg11[%swap3A_39, %swap3A_40] {strides = array<i32>} : memref<80x144xf32, #tpu.memory_space<vmem>>, vector<16xf32>,
      tpu.vector_store %arg11[%swap3A_39, %swap3A_40], %broadcast_in_dim3A_1 {strides = array<i32>} : memref<80x144xf32, #tpu.memory_space<vmem>>, vector<16xf32>,
      %swap3A_42 = arith.index_cast %scan3A_33 : i32 to index
      %swap3A_43 = arith.constant 48 : index
      %swap3A_44 = tpu.vector_load %arg11[%swap3A_42, %swap3A_43] {strides = array<i32>} : memref<80x144xf32, #tpu.memory_space<vmem>>, vector<16xf32>,
      tpu.vector_store %arg11[%swap3A_42, %swap3A_43], %broadcast_in_dim3A_1 {strides = array<i32>} : memref<80x144xf32, #tpu.memory_space<vmem>>, vector<16xf32>,
      %swap3A_45 = arith.index_cast %scan3A_33 : i32 to index
      %swap3A_46 = arith.constant 64 : index
      %swap3A_47 = tpu.vector_load %arg11[%swap3A_45, %swap3A_46] {strides = array<i32>} : memref<80x144xf32, #tpu.memory_space<vmem>>, vector<16xf32>,
      tpu.vector_store %arg11[%swap3A_45, %swap3A_46], %broadcast_in_dim3A_1 {strides = array<i32>} : memref<80x144xf32, #tpu.memory_space<vmem>>, vector<16xf32>,
      %swap3A_48 = arith.index_cast %scan3A_33 : i32 to index
      %swap3A_49 = arith.constant 80 : index
      %swap3A_50 = tpu.vector_load %arg11[%swap3A_48, %swap3A_49] {strides = array<i32>} : memref<80x144xf32, #tpu.memory_space<vmem>>, vector<16xf32>,
      tpu.vector_store %arg11[%swap3A_48, %swap3A_49], %broadcast_in_dim3A_1 {strides = array<i32>} : memref<80x144xf32, #tpu.memory_space<vmem>>, vector<16xf32>,
      %swap3A_51 = arith.index_cast %scan3A_33 : i32 to index
      %swap3A_52 = arith.constant 96 : index
      %swap3A_53 = tpu.vector_load %arg11[%swap3A_51, %swap3A_52] {strides = array<i32>} : memref<80x144xf32, #tpu.memory_space<vmem>>, vector<16xf32>,
      tpu.vector_store %arg11[%swap3A_51, %swap3A_52], %broadcast_in_dim3A_1 {strides = array<i32>} : memref<80x144xf32, #tpu.memory_space<vmem>>, vector<16xf32>,
      %swap3A_54 = arith.index_cast %scan3A_33 : i32 to index
      %swap3A_55 = arith.constant 112 : index
      %swap3A_56 = tpu.vector_load %arg11[%swap3A_54, %swap3A_55] {strides = array<i32>} : memref<80x144xf32, #tpu.memory_space<vmem>>, vector<16xf32>,
      tpu.vector_store %arg11[%swap3A_54, %swap3A_55], %broadcast_in_dim3A_1 {strides = array<i32>} : memref<80x144xf32, #tpu.memory_space<vmem>>, vector<16xf32>,
      %swap3A_57 = arith.index_cast %scan3A_33 : i32 to index
      %swap3A_58 = arith.constant 128 : index
      %swap3A_59 = tpu.vector_load %arg11[%swap3A_57, %swap3A_58] {strides = array<i32>} : memref<80x144xf32, #tpu.memory_space<vmem>>, vector<16xf32>,
      tpu.vector_store %arg11[%swap3A_57, %swap3A_58], %broadcast_in_dim3A_1 {strides = array<i32>} : memref<80x144xf32, #tpu.memory_space<vmem>>, vector<16xf32>,
    }
    %scan3A_6 = arith.constant 80 : i32
    %mul3A_7 = arith.constant 625 : i32
    %mul3A_8 = arith.muli %arg1, %mul3A_7 : i32
    %add3A_9 = arith.constant 0 : i32
    %add3A_10 = arith.addi %mul3A_8, %add3A_9 : i32
    "tpu.region"() ({
      %run_scoped3A = tpu.sem_alloc : memref<!tpu.dma_semaphore, #tpu.memory_space<semaphore_mem>>
      %dma_start3A = arith.constant 0 : i32
      %dma_start3A_33 = tpu.memref_slice %arg13[%add3A_10, %dma_start3A] : memref<10000x144xf32, #tpu.memory_space<vmem_shared>> -> memref<80x144xf32, #tpu.memory_space<vmem_shared>>
      %dma_start3A_34 = arith.constant 0 : i32
      %dma_start3A_35 = tpu.memref_slice %arg13[%add3A_10, %dma_start3A_34] : memref<10000x144xf32, #tpu.memory_space<vmem_shared>> -> memref<80x144xf32, #tpu.memory_space<vmem_shared>>
      tpu.enqueue_dma source(%arg11 : memref<80x144xf32, #tpu.memory_space<vmem>>) target(%dma_start3A_35 : memref<80x144xf32, #tpu.memory_space<vmem_shared>>) target_semaphore(%run_scoped3A : memref<!tpu.dma_semaphore, #tpu.memory_space<semaphore_mem>>)
      %dma_wait3A = arith.constant 0 : i32
      %dma_wait3A_36 = tpu.memref_slice %arg13[%add3A_10, %dma_wait3A] : memref<10000x144xf32, #tpu.memory_space<vmem_shared>> -> memref<80x144xf32, #tpu.memory_space<vmem_shared>>
      %dma_wait3A_37 = arith.constant 0 : i32
      %dma_wait3A_38 = tpu.memref_slice %arg13[%add3A_10, %dma_wait3A_37] : memref<10000x144xf32, #tpu.memory_space<vmem_shared>> -> memref<80x144xf32, #tpu.memory_space<vmem_shared>>
      tpu.wait_dma2 semaphore(%run_scoped3A : memref<!tpu.dma_semaphore, #tpu.memory_space<semaphore_mem>>) src(%arg11 : memref<80x144xf32, #tpu.memory_space<vmem>>) dst(%dma_wait3A_38 : memref<80x144xf32, #tpu.memory_space<vmem_shared>>)
      tpu.yield
    }) : () -> ()
    %add3A_11 = arith.constant 80 : i32
    %add3A_12 = arith.addi %mul3A_8, %add3A_11 : i32
    "tpu.region"() ({
      %run_scoped3A = tpu.sem_alloc : memref<!tpu.dma_semaphore, #tpu.memory_space<semaphore_mem>>
      %dma_start3A = arith.constant 0 : i32
      %dma_start3A_33 = tpu.memref_slice %arg13[%add3A_12, %dma_start3A] : memref<10000x144xf32, #tpu.memory_space<vmem_shared>> -> memref<80x144xf32, #tpu.memory_space<vmem_shared>>
      %dma_start3A_34 = arith.constant 0 : i32
      %dma_start3A_35 = tpu.memref_slice %arg13[%add3A_12, %dma_start3A_34] : memref<10000x144xf32, #tpu.memory_space<vmem_shared>> -> memref<80x144xf32, #tpu.memory_space<vmem_shared>>
      tpu.enqueue_dma source(%arg11 : memref<80x144xf32, #tpu.memory_space<vmem>>) target(%dma_start3A_35 : memref<80x144xf32, #tpu.memory_space<vmem_shared>>) target_semaphore(%run_scoped3A : memref<!tpu.dma_semaphore, #tpu.memory_space<semaphore_mem>>)
      %dma_wait3A = arith.constant 0 : i32
      %dma_wait3A_36 = tpu.memref_slice %arg13[%add3A_12, %dma_wait3A] : memref<10000x144xf32, #tpu.memory_space<vmem_shared>> -> memref<80x144xf32, #tpu.memory_space<vmem_shared>>
      %dma_wait3A_37 = arith.constant 0 : i32
      %dma_wait3A_38 = tpu.memref_slice %arg13[%add3A_12, %dma_wait3A_37] : memref<10000x144xf32, #tpu.memory_space<vmem_shared>> -> memref<80x144xf32, #tpu.memory_space<vmem_shared>>
      tpu.wait_dma2 semaphore(%run_scoped3A : memref<!tpu.dma_semaphore, #tpu.memory_space<semaphore_mem>>) src(%arg11 : memref<80x144xf32, #tpu.memory_space<vmem>>) dst(%dma_wait3A_38 : memref<80x144xf32, #tpu.memory_space<vmem_shared>>)
      tpu.yield
    }) : () -> ()
    %add3A_13 = arith.constant 160 : i32
    %add3A_14 = arith.addi %mul3A_8, %add3A_13 : i32
    "tpu.region"() ({
      %run_scoped3A = tpu.sem_alloc : memref<!tpu.dma_semaphore, #tpu.memory_space<semaphore_mem>>
      %dma_start3A = arith.constant 0 : i32
      %dma_start3A_33 = tpu.memref_slice %arg13[%add3A_14, %dma_start3A] : memref<10000x144xf32, #tpu.memory_space<vmem_shared>> -> memref<80x144xf32, #tpu.memory_space<vmem_shared>>
      %dma_start3A_34 = arith.constant 0 : i32
      %dma_start3A_35 = tpu.memref_slice %arg13[%add3A_14, %dma_start3A_34] : memref<10000x144xf32, #tpu.memory_space<vmem_shared>> -> memref<80x144xf32, #tpu.memory_space<vmem_shared>>
      tpu.enqueue_dma source(%arg11 : memref<80x144xf32, #tpu.memory_space<vmem>>) target(%dma_start3A_35 : memref<80x144xf32, #tpu.memory_space<vmem_shared>>) target_semaphore(%run_scoped3A : memref<!tpu.dma_semaphore, #tpu.memory_space<semaphore_mem>>)
      %dma_wait3A = arith.constant 0 : i32
      %dma_wait3A_36 = tpu.memref_slice %arg13[%add3A_14, %dma_wait3A] : memref<10000x144xf32, #tpu.memory_space<vmem_shared>> -> memref<80x144xf32, #tpu.memory_space<vmem_shared>>
      %dma_wait3A_37 = arith.constant 0 : i32
      %dma_wait3A_38 = tpu.memref_slice %arg13[%add3A_14, %dma_wait3A_37] : memref<10000x144xf32, #tpu.memory_space<vmem_shared>> -> memref<80x144xf32, #tpu.memory_space<vmem_shared>>
      tpu.wait_dma2 semaphore(%run_scoped3A : memref<!tpu.dma_semaphore, #tpu.memory_space<semaphore_mem>>) src(%arg11 : memref<80x144xf32, #tpu.memory_space<vmem>>) dst(%dma_wait3A_38 : memref<80x144xf32, #tpu.memory_space<vmem_shared>>)
      tpu.yield
    }) : () -> ()
    %add3A_15 = arith.constant 240 : i32
    %add3A_16 = arith.addi %mul3A_8, %add3A_15 : i32
    "tpu.region"() ({
      %run_scoped3A = tpu.sem_alloc : memref<!tpu.dma_semaphore, #tpu.memory_space<semaphore_mem>>
      %dma_start3A = arith.constant 0 : i32
      %dma_start3A_33 = tpu.memref_slice %arg13[%add3A_16, %dma_start3A] : memref<10000x144xf32, #tpu.memory_space<vmem_shared>> -> memref<80x144xf32, #tpu.memory_space<vmem_shared>>
      %dma_start3A_34 = arith.constant 0 : i32
      %dma_start3A_35 = tpu.memref_slice %arg13[%add3A_16, %dma_start3A_34] : memref<10000x144xf32, #tpu.memory_space<vmem_shared>> -> memref<80x144xf32, #tpu.memory_space<vmem_shared>>
      tpu.enqueue_dma source(%arg11 : memref<80x144xf32, #tpu.memory_space<vmem>>) target(%dma_start3A_35 : memref<80x144xf32, #tpu.memory_space<vmem_shared>>) target_semaphore(%run_scoped3A : memref<!tpu.dma_semaphore, #tpu.memory_space<semaphore_mem>>)
      %dma_wait3A = arith.constant 0 : i32
      %dma_wait3A_36 = tpu.memref_slice %arg13[%add3A_16, %dma_wait3A] : memref<10000x144xf32, #tpu.memory_space<vmem_shared>> -> memref<80x144xf32, #tpu.memory_space<vmem_shared>>
      %dma_wait3A_37 = arith.constant 0 : i32
      %dma_wait3A_38 = tpu.memref_slice %arg13[%add3A_16, %dma_wait3A_37] : memref<10000x144xf32, #tpu.memory_space<vmem_shared>> -> memref<80x144xf32, #tpu.memory_space<vmem_shared>>
      tpu.wait_dma2 semaphore(%run_scoped3A : memref<!tpu.dma_semaphore, #tpu.memory_space<semaphore_mem>>) src(%arg11 : memref<80x144xf32, #tpu.memory_space<vmem>>) dst(%dma_wait3A_38 : memref<80x144xf32, #tpu.memory_space<vmem_shared>>)
      tpu.yield
    }) : () -> ()
    %add3A_17 = arith.constant 320 : i32
    %add3A_18 = arith.addi %mul3A_8, %add3A_17 : i32
    "tpu.region"() ({
      %run_scoped3A = tpu.sem_alloc : memref<!tpu.dma_semaphore, #tpu.memory_space<semaphore_mem>>
      %dma_start3A = arith.constant 0 : i32
      %dma_start3A_33 = tpu.memref_slice %arg13[%add3A_18, %dma_start3A] : memref<10000x144xf32, #tpu.memory_space<vmem_shared>> -> memref<80x144xf32, #tpu.memory_space<vmem_shared>>
      %dma_start3A_34 = arith.constant 0 : i32
      %dma_start3A_35 = tpu.memref_slice %arg13[%add3A_18, %dma_start3A_34] : memref<10000x144xf32, #tpu.memory_space<vmem_shared>> -> memref<80x144xf32, #tpu.memory_space<vmem_shared>>
      tpu.enqueue_dma source(%arg11 : memref<80x144xf32, #tpu.memory_space<vmem>>) target(%dma_start3A_35 : memref<80x144xf32, #tpu.memory_space<vmem_shared>>) target_semaphore(%run_scoped3A : memref<!tpu.dma_semaphore, #tpu.memory_space<semaphore_mem>>)
      %dma_wait3A = arith.constant 0 : i32
      %dma_wait3A_36 = tpu.memref_slice %arg13[%add3A_18, %dma_wait3A] : memref<10000x144xf32, #tpu.memory_space<vmem_shared>> -> memref<80x144xf32, #tpu.memory_space<vmem_shared>>
      %dma_wait3A_37 = arith.constant 0 : i32
      %dma_wait3A_38 = tpu.memref_slice %arg13[%add3A_18, %dma_wait3A_37] : memref<10000x144xf32, #tpu.memory_space<vmem_shared>> -> memref<80x144xf32, #tpu.memory_space<vmem_shared>>
      tpu.wait_dma2 semaphore(%run_scoped3A : memref<!tpu.dma_semaphore, #tpu.memory_space<semaphore_mem>>) src(%arg11 : memref<80x144xf32, #tpu.memory_space<vmem>>) dst(%dma_wait3A_38 : memref<80x144xf32, #tpu.memory_space<vmem_shared>>)
      tpu.yield
    }) : () -> ()
    %add3A_19 = arith.constant 400 : i32
    %add3A_20 = arith.addi %mul3A_8, %add3A_19 : i32
    "tpu.region"() ({
      %run_scoped3A = tpu.sem_alloc : memref<!tpu.dma_semaphore, #tpu.memory_space<semaphore_mem>>
      %dma_start3A = arith.constant 0 : i32
      %dma_start3A_33 = tpu.memref_slice %arg13[%add3A_20, %dma_start3A] : memref<10000x144xf32, #tpu.memory_space<vmem_shared>> -> memref<80x144xf32, #tpu.memory_space<vmem_shared>>
      %dma_start3A_34 = arith.constant 0 : i32
      %dma_start3A_35 = tpu.memref_slice %arg13[%add3A_20, %dma_start3A_34] : memref<10000x144xf32, #tpu.memory_space<vmem_shared>> -> memref<80x144xf32, #tpu.memory_space<vmem_shared>>
      tpu.enqueue_dma source(%arg11 : memref<80x144xf32, #tpu.memory_space<vmem>>) target(%dma_start3A_35 : memref<80x144xf32, #tpu.memory_space<vmem_shared>>) target_semaphore(%run_scoped3A : memref<!tpu.dma_semaphore, #tpu.memory_space<semaphore_mem>>)
      %dma_wait3A = arith.constant 0 : i32
      %dma_wait3A_36 = tpu.memref_slice %arg13[%add3A_20, %dma_wait3A] : memref<10000x144xf32, #tpu.memory_space<vmem_shared>> -> memref<80x144xf32, #tpu.memory_space<vmem_shared>>
      %dma_wait3A_37 = arith.constant 0 : i32
      %dma_wait3A_38 = tpu.memref_slice %arg13[%add3A_20, %dma_wait3A_37] : memref<10000x144xf32, #tpu.memory_space<vmem_shared>> -> memref<80x144xf32, #tpu.memory_space<vmem_shared>>
      tpu.wait_dma2 semaphore(%run_scoped3A : memref<!tpu.dma_semaphore, #tpu.memory_space<semaphore_mem>>) src(%arg11 : memref<80x144xf32, #tpu.memory_space<vmem>>) dst(%dma_wait3A_38 : memref<80x144xf32, #tpu.memory_space<vmem_shared>>)
      tpu.yield
    }) : () -> ()
    %add3A_21 = arith.constant 480 : i32
    %add3A_22 = arith.addi %mul3A_8, %add3A_21 : i32
    "tpu.region"() ({
      %run_scoped3A = tpu.sem_alloc : memref<!tpu.dma_semaphore, #tpu.memory_space<semaphore_mem>>
      %dma_start3A = arith.constant 0 : i32
      %dma_start3A_33 = tpu.memref_slice %arg13[%add3A_22, %dma_start3A] : memref<10000x144xf32, #tpu.memory_space<vmem_shared>> -> memref<80x144xf32, #tpu.memory_space<vmem_shared>>
      %dma_start3A_34 = arith.constant 0 : i32
      %dma_start3A_35 = tpu.memref_slice %arg13[%add3A_22, %dma_start3A_34] : memref<10000x144xf32, #tpu.memory_space<vmem_shared>> -> memref<80x144xf32, #tpu.memory_space<vmem_shared>>
      tpu.enqueue_dma source(%arg11 : memref<80x144xf32, #tpu.memory_space<vmem>>) target(%dma_start3A_35 : memref<80x144xf32, #tpu.memory_space<vmem_shared>>) target_semaphore(%run_scoped3A : memref<!tpu.dma_semaphore, #tpu.memory_space<semaphore_mem>>)
      %dma_wait3A = arith.constant 0 : i32
      %dma_wait3A_36 = tpu.memref_slice %arg13[%add3A_22, %dma_wait3A] : memref<10000x144xf32, #tpu.memory_space<vmem_shared>> -> memref<80x144xf32, #tpu.memory_space<vmem_shared>>
      %dma_wait3A_37 = arith.constant 0 : i32
      %dma_wait3A_38 = tpu.memref_slice %arg13[%add3A_22, %dma_wait3A_37] : memref<10000x144xf32, #tpu.memory_space<vmem_shared>> -> memref<80x144xf32, #tpu.memory_space<vmem_shared>>
      tpu.wait_dma2 semaphore(%run_scoped3A : memref<!tpu.dma_semaphore, #tpu.memory_space<semaphore_mem>>) src(%arg11 : memref<80x144xf32, #tpu.memory_space<vmem>>) dst(%dma_wait3A_38 : memref<80x144xf32, #tpu.memory_space<vmem_shared>>)
      tpu.yield
    }) : () -> ()
    %add3A_23 = arith.constant 625 : i32
    %add3A_24 = arith.addi %mul3A_8, %add3A_23 : i32
    %sub3A = arith.constant 65 : i32
    %sub3A_25 = arith.subi %add3A_24, %sub3A : i32
    "tpu.region"() ({
      %run_scoped3A = tpu.sem_alloc : memref<!tpu.dma_semaphore, #tpu.memory_space<semaphore_mem>>
      %dma_start3A = arith.constant 0 : i32
      %dma_start3A_33 = arith.constant 0 : i32
      %dma_start3A_34 = tpu.memref_slice %arg11[%dma_start3A, %dma_start3A_33] : memref<80x144xf32, #tpu.memory_space<vmem>> -> memref<65x144xf32, #tpu.memory_space<vmem>>
      %dma_start3A_35 = arith.constant 0 : i32
      %dma_start3A_36 = tpu.memref_slice %arg13[%sub3A_25, %dma_start3A_35] : memref<10000x144xf32, #tpu.memory_space<vmem_shared>> -> memref<65x144xf32, #tpu.memory_space<vmem_shared>>
      %dma_start3A_37 = arith.constant 0 : i32
      %dma_start3A_38 = tpu.memref_slice %arg13[%sub3A_25, %dma_start3A_37] : memref<10000x144xf32, #tpu.memory_space<vmem_shared>> -> memref<65x144xf32, #tpu.memory_space<vmem_shared>>
      %dma_start3A_39 = arith.constant 0 : i32
      %dma_start3A_40 = arith.constant 0 : i32
      %dma_start3A_41 = tpu.memref_slice %arg11[%dma_start3A_39, %dma_start3A_40] : memref<80x144xf32, #tpu.memory_space<vmem>> -> memref<65x144xf32, #tpu.memory_space<vmem>>
      tpu.enqueue_dma source(%dma_start3A_41 : memref<65x144xf32, #tpu.memory_space<vmem>>) target(%dma_start3A_38 : memref<65x144xf32, #tpu.memory_space<vmem_shared>>) target_semaphore(%run_scoped3A : memref<!tpu.dma_semaphore, #tpu.memory_space<semaphore_mem>>)
      %dma_wait3A = arith.constant 0 : i32
      %dma_wait3A_42 = arith.constant 0 : i32
      %dma_wait3A_43 = tpu.memref_slice %arg11[%dma_wait3A, %dma_wait3A_42] : memref<80x144xf32, #tpu.memory_space<vmem>> -> memref<65x144xf32, #tpu.memory_space<vmem>>
      %dma_wait3A_44 = arith.constant 0 : i32
      %dma_wait3A_45 = tpu.memref_slice %arg13[%sub3A_25, %dma_wait3A_44] : memref<10000x144xf32, #tpu.memory_space<vmem_shared>> -> memref<65x144xf32, #tpu.memory_space<vmem_shared>>
      %dma_wait3A_46 = arith.constant 0 : i32
      %dma_wait3A_47 = tpu.memref_slice %arg13[%sub3A_25, %dma_wait3A_46] : memref<10000x144xf32, #tpu.memory_space<vmem_shared>> -> memref<65x144xf32, #tpu.memory_space<vmem_shared>>
      %dma_wait3A_48 = arith.constant 0 : i32
      %dma_wait3A_49 = arith.constant 0 : i32
      %dma_wait3A_50 = tpu.memref_slice %arg11[%dma_wait3A_48, %dma_wait3A_49] : memref<80x144xf32, #tpu.memory_space<vmem>> -> memref<65x144xf32, #tpu.memory_space<vmem>>
      tpu.wait_dma2 semaphore(%run_scoped3A : memref<!tpu.dma_semaphore, #tpu.memory_space<semaphore_mem>>) src(%dma_wait3A_50 : memref<65x144xf32, #tpu.memory_space<vmem>>) dst(%dma_wait3A_47 : memref<65x144xf32, #tpu.memory_space<vmem_shared>>)
      tpu.yield
    }) : () -> ()
    %barrier3A = arith.constant 0 : index
    tpu.barrier barrier_id(%barrier3A)
    %iota3A = tpu.iota {dimensions = array<i32: 0>} : vector<16xi32>
    %scan3A_26 = arith.constant 0 : i32
    %scan3A_27 = arith.constant 0 : i32
    %scan3A_28 = arith.constant 5 : i32
    %scan3A_29 = arith.addi %scan3A_27, %scan3A_28 : i32
    %scan3A_30 = arith.constant 1 : i32
    scf.for %scan3A_33 = %scan3A_27 to %scan3A_29 step %scan3A_30  : i32 {
      %mul3A_34 = arith.constant 25 : i32
      %mul3A_35 = arith.muli %scan3A_33, %mul3A_34 : i32
      "tpu.region"() ({
        %run_scoped3A_89 = tpu.sem_alloc : memref<!tpu.dma_semaphore, #tpu.memory_space<semaphore_mem>>
        %dma_start3A_90 = arith.constant 0 : i32
        %dma_start3A_91 = tpu.memref_slice %arg4[%add3A, %mul3A_35, %dma_start3A_90] : memref<32x125x80xi32, #tpu.memory_space<hbm>> -> memref<1x25x80xi32, #tpu.memory_space<hbm>>
        %dma_start3A_92 = tpu.memref_squeeze %dma_start3A_91 : memref<1x25x80xi32, #tpu.memory_space<hbm>> -> memref<25x80xi32, #tpu.memory_space<hbm>>
        %dma_start3A_93 = arith.constant 0 : i32
        %dma_start3A_94 = tpu.memref_slice %arg4[%add3A, %mul3A_35, %dma_start3A_93] : memref<32x125x80xi32, #tpu.memory_space<hbm>> -> memref<1x25x80xi32, #tpu.memory_space<hbm>>
        %dma_start3A_95 = tpu.memref_squeeze %dma_start3A_94 : memref<1x25x80xi32, #tpu.memory_space<hbm>> -> memref<25x80xi32, #tpu.memory_space<hbm>>
        tpu.enqueue_dma source(%dma_start3A_95 : memref<25x80xi32, #tpu.memory_space<hbm>>) target(%arg7 : memref<25x80xi32, #tpu.memory_space<vmem>>) target_semaphore(%run_scoped3A_89 : memref<!tpu.dma_semaphore, #tpu.memory_space<semaphore_mem>>)
        %dma_wait3A_96 = arith.constant 0 : i32
        %dma_wait3A_97 = tpu.memref_slice %arg4[%add3A, %mul3A_35, %dma_wait3A_96] : memref<32x125x80xi32, #tpu.memory_space<hbm>> -> memref<1x25x80xi32, #tpu.memory_space<hbm>>
        %dma_wait3A_98 = tpu.memref_squeeze %dma_wait3A_97 : memref<1x25x80xi32, #tpu.memory_space<hbm>> -> memref<25x80xi32, #tpu.memory_space<hbm>>
        %dma_wait3A_99 = arith.constant 0 : i32
        %dma_wait3A_100 = tpu.memref_slice %arg4[%add3A, %mul3A_35, %dma_wait3A_99] : memref<32x125x80xi32, #tpu.memory_space<hbm>> -> memref<1x25x80xi32, #tpu.memory_space<hbm>>
        %dma_wait3A_101 = tpu.memref_squeeze %dma_wait3A_100 : memref<1x25x80xi32, #tpu.memory_space<hbm>> -> memref<25x80xi32, #tpu.memory_space<hbm>>
        tpu.wait_dma2 semaphore(%run_scoped3A_89 : memref<!tpu.dma_semaphore, #tpu.memory_space<semaphore_mem>>) src(%dma_wait3A_101 : memref<25x80xi32, #tpu.memory_space<hbm>>) dst(%arg7 : memref<25x80xi32, #tpu.memory_space<vmem>>)
        tpu.yield
      }) : () -> ()
      %mul3A_36 = arith.constant 25 : i32
      %mul3A_37 = arith.muli %scan3A_33, %mul3A_36 : i32
      "tpu.region"() ({
        %run_scoped3A_89 = tpu.sem_alloc : memref<!tpu.dma_semaphore, #tpu.memory_space<semaphore_mem>>
        %dma_start3A_90 = arith.constant 0 : i32
        %dma_start3A_91 = tpu.memref_slice %arg5[%add3A, %mul3A_37, %dma_start3A_90] : memref<32x125x80xi32, #tpu.memory_space<hbm>> -> memref<1x25x80xi32, #tpu.memory_space<hbm>>
        %dma_start3A_92 = tpu.memref_squeeze %dma_start3A_91 : memref<1x25x80xi32, #tpu.memory_space<hbm>> -> memref<25x80xi32, #tpu.memory_space<hbm>>
        %dma_start3A_93 = arith.constant 0 : i32
        %dma_start3A_94 = tpu.memref_slice %arg5[%add3A, %mul3A_37, %dma_start3A_93] : memref<32x125x80xi32, #tpu.memory_space<hbm>> -> memref<1x25x80xi32, #tpu.memory_space<hbm>>
        %dma_start3A_95 = tpu.memref_squeeze %dma_start3A_94 : memref<1x25x80xi32, #tpu.memory_space<hbm>> -> memref<25x80xi32, #tpu.memory_space<hbm>>
        tpu.enqueue_dma source(%dma_start3A_95 : memref<25x80xi32, #tpu.memory_space<hbm>>) target(%arg8 : memref<25x80xi32, #tpu.memory_space<vmem>>) target_semaphore(%run_scoped3A_89 : memref<!tpu.dma_semaphore, #tpu.memory_space<semaphore_mem>>)
        %dma_wait3A_96 = arith.constant 0 : i32
        %dma_wait3A_97 = tpu.memref_slice %arg5[%add3A, %mul3A_37, %dma_wait3A_96] : memref<32x125x80xi32, #tpu.memory_space<hbm>> -> memref<1x25x80xi32, #tpu.memory_space<hbm>>
        %dma_wait3A_98 = tpu.memref_squeeze %dma_wait3A_97 : memref<1x25x80xi32, #tpu.memory_space<hbm>> -> memref<25x80xi32, #tpu.memory_space<hbm>>
        %dma_wait3A_99 = arith.constant 0 : i32
        %dma_wait3A_100 = tpu.memref_slice %arg5[%add3A, %mul3A_37, %dma_wait3A_99] : memref<32x125x80xi32, #tpu.memory_space<hbm>> -> memref<1x25x80xi32, #tpu.memory_space<hbm>>
        %dma_wait3A_101 = tpu.memref_squeeze %dma_wait3A_100 : memref<1x25x80xi32, #tpu.memory_space<hbm>> -> memref<25x80xi32, #tpu.memory_space<hbm>>
        tpu.wait_dma2 semaphore(%run_scoped3A_89 : memref<!tpu.dma_semaphore, #tpu.memory_space<semaphore_mem>>) src(%dma_wait3A_101 : memref<25x80xi32, #tpu.memory_space<hbm>>) dst(%arg8 : memref<25x80xi32, #tpu.memory_space<vmem>>)
        tpu.yield
      }) : () -> ()
      %dma_start3A = arith.constant 0 : i32
      %dma_start3A_38 = arith.constant 0 : i32
      %dma_start3A_39 = tpu.memref_slice %arg7[%dma_start3A, %dma_start3A_38] : memref<25x80xi32, #tpu.memory_space<vmem>> -> memref<1x80xi32, #tpu.memory_space<vmem>>
      %dma_start3A_40 = tpu.memref_squeeze %dma_start3A_39 : memref<1x80xi32, #tpu.memory_space<vmem>> -> memref<80xi32, #tpu.memory_space<vmem>>
      %dma_start3A_41 = arith.constant 0 : i32
      %dma_start3A_42 = arith.constant 0 : i32
      %dma_start3A_43 = tpu.memref_slice %arg2[%dma_start3A_41, %dma_start3A_42] : memref<10000x144xf32, #tpu.memory_space<hbm>> -> memref<10000x144xf32, #tpu.memory_space<hbm>>
      tpu.enqueue_indirect_dma source(%dma_start3A_43 : memref<10000x144xf32, #tpu.memory_space<hbm>>) target(%arg11 : memref<80x144xf32, #tpu.memory_space<vmem>>) offsets(%dma_start3A_40 : memref<80xi32, #tpu.memory_space<vmem>>) semaphore(%arg14 : memref<!tpu.dma_semaphore, #tpu.memory_space<semaphore_mem>>)
      %dma_start3A_44 = arith.constant 0 : i32
      %dma_start3A_45 = arith.constant 0 : i32
      %dma_start3A_46 = tpu.memref_slice %arg8[%dma_start3A_44, %dma_start3A_45] : memref<25x80xi32, #tpu.memory_space<vmem>> -> memref<1x80xi32, #tpu.memory_space<vmem>>
      %dma_start3A_47 = tpu.memref_squeeze %dma_start3A_46 : memref<1x80xi32, #tpu.memory_space<vmem>> -> memref<80xi32, #tpu.memory_space<vmem>>
      %dma_start3A_48 = arith.constant 0 : i32
      %dma_start3A_49 = arith.constant 0 : i32
      %dma_start3A_50 = tpu.memref_slice %arg3[%dma_start3A_48, %dma_start3A_49] : memref<10000x16xf32, #tpu.memory_space<hbm>> -> memref<10000x16xf32, #tpu.memory_space<hbm>>
      tpu.enqueue_indirect_dma source(%dma_start3A_50 : memref<10000x16xf32, #tpu.memory_space<hbm>>) target(%arg9 : memref<80x16xf32, #tpu.memory_space<vmem>>) offsets(%dma_start3A_47 : memref<80xi32, #tpu.memory_space<vmem>>) semaphore(%arg16 : memref<!tpu.dma_semaphore, #tpu.memory_space<semaphore_mem>>)
      %dma_start3A_51 = arith.constant 1 : i32
      %dma_start3A_52 = arith.constant 0 : i32
      %dma_start3A_53 = tpu.memref_slice %arg7[%dma_start3A_51, %dma_start3A_52] : memref<25x80xi32, #tpu.memory_space<vmem>> -> memref<1x80xi32, #tpu.memory_space<vmem>>
      %dma_start3A_54 = tpu.memref_squeeze %dma_start3A_53 : memref<1x80xi32, #tpu.memory_space<vmem>> -> memref<80xi32, #tpu.memory_space<vmem>>
      %dma_start3A_55 = arith.constant 0 : i32
      %dma_start3A_56 = arith.constant 0 : i32
      %dma_start3A_57 = tpu.memref_slice %arg2[%dma_start3A_55, %dma_start3A_56] : memref<10000x144xf32, #tpu.memory_space<hbm>> -> memref<10000x144xf32, #tpu.memory_space<hbm>>
      tpu.enqueue_indirect_dma source(%dma_start3A_57 : memref<10000x144xf32, #tpu.memory_space<hbm>>) target(%arg12 : memref<80x144xf32, #tpu.memory_space<vmem>>) offsets(%dma_start3A_54 : memref<80xi32, #tpu.memory_space<vmem>>) semaphore(%arg15 : memref<!tpu.dma_semaphore, #tpu.memory_space<semaphore_mem>>)
      %dma_start3A_58 = arith.constant 1 : i32
      %dma_start3A_59 = arith.constant 0 : i32
      %dma_start3A_60 = tpu.memref_slice %arg8[%dma_start3A_58, %dma_start3A_59] : memref<25x80xi32, #tpu.memory_space<vmem>> -> memref<1x80xi32, #tpu.memory_space<vmem>>
      %dma_start3A_61 = tpu.memref_squeeze %dma_start3A_60 : memref<1x80xi32, #tpu.memory_space<vmem>> -> memref<80xi32, #tpu.memory_space<vmem>>
      %dma_start3A_62 = arith.constant 0 : i32
      %dma_start3A_63 = arith.constant 0 : i32
      %dma_start3A_64 = tpu.memref_slice %arg3[%dma_start3A_62, %dma_start3A_63] : memref<10000x16xf32, #tpu.memory_space<hbm>> -> memref<10000x16xf32, #tpu.memory_space<hbm>>
      tpu.enqueue_indirect_dma source(%dma_start3A_64 : memref<10000x16xf32, #tpu.memory_space<hbm>>) target(%arg10 : memref<80x16xf32, #tpu.memory_space<vmem>>) offsets(%dma_start3A_61 : memref<80xi32, #tpu.memory_space<vmem>>) semaphore(%arg17 : memref<!tpu.dma_semaphore, #tpu.memory_space<semaphore_mem>>)
      %scan3A_65 = arith.constant 0 : i32
      %scan3A_66 = arith.constant 0 : i32
      %scan3A_67 = arith.constant 12 : i32
      %scan3A_68 = arith.addi %scan3A_66, %scan3A_67 : i32
      %scan3A_69 = arith.constant 1 : i32
      scf.for %scan3A_89 = %scan3A_66 to %scan3A_68 step %scan3A_69  : i32 {
        %mul3A_90 = arith.constant 2 : i32
        %mul3A_91 = arith.muli %scan3A_89, %mul3A_90 : i32
        %add3A_92 = arith.constant 0 : i32
        %add3A_93 = arith.addi %mul3A_91, %add3A_92 : i32
        %dma_wait3A_94 = arith.constant 0 : i32
        %dma_wait3A_95 = arith.constant 0 : i32
        %dma_wait3A_96 = tpu.memref_slice %arg7[%dma_wait3A_94, %dma_wait3A_95] : memref<25x80xi32, #tpu.memory_space<vmem>> -> memref<1x80xi32, #tpu.memory_space<vmem>>
        %dma_wait3A_97 = tpu.memref_squeeze %dma_wait3A_96 : memref<1x80xi32, #tpu.memory_space<vmem>> -> memref<80xi32, #tpu.memory_space<vmem>>
        %dma_wait3A_98 = arith.constant 0 : i32
        %dma_wait3A_99 = arith.constant 0 : i32
        %dma_wait3A_100 = tpu.memref_slice %arg2[%dma_wait3A_98, %dma_wait3A_99] : memref<10000x144xf32, #tpu.memory_space<hbm>> -> memref<10000x144xf32, #tpu.memory_space<hbm>>
        tpu.wait_indirect_dma semaphore(%arg14 : memref<!tpu.dma_semaphore, #tpu.memory_space<semaphore_mem>>) src(%dma_wait3A_100 : memref<10000x144xf32, #tpu.memory_space<hbm>>) dst(%arg11 : memref<80x144xf32, #tpu.memory_space<vmem>>)
        %dma_wait3A_101 = arith.constant 0 : i32
        %dma_wait3A_102 = arith.constant 0 : i32
        %dma_wait3A_103 = tpu.memref_slice %arg8[%dma_wait3A_101, %dma_wait3A_102] : memref<25x80xi32, #tpu.memory_space<vmem>> -> memref<1x80xi32, #tpu.memory_space<vmem>>
        %dma_wait3A_104 = tpu.memref_squeeze %dma_wait3A_103 : memref<1x80xi32, #tpu.memory_space<vmem>> -> memref<80xi32, #tpu.memory_space<vmem>>
        %dma_wait3A_105 = arith.constant 0 : i32
        %dma_wait3A_106 = arith.constant 0 : i32
        %dma_wait3A_107 = tpu.memref_slice %arg3[%dma_wait3A_105, %dma_wait3A_106] : memref<10000x16xf32, #tpu.memory_space<hbm>> -> memref<10000x16xf32, #tpu.memory_space<hbm>>
        tpu.wait_indirect_dma semaphore(%arg16 : memref<!tpu.dma_semaphore, #tpu.memory_space<semaphore_mem>>) src(%dma_wait3A_107 : memref<10000x16xf32, #tpu.memory_space<hbm>>) dst(%arg9 : memref<80x16xf32, #tpu.memory_space<vmem>>)
        %parallel_loop3A_108 = arith.constant 0 : i32
        %parallel_loop3A_109 = arith.constant 5 : i32
        %parallel_loop3A_110 = arith.constant 1 : i32
        scf.for %parallel_loop3A_149 = %parallel_loop3A_108 to %parallel_loop3A_109 step %parallel_loop3A_110  : i32 {
          %parallel_loop3A_150 = arith.constant 16 : i32
          %parallel_loop3A_151 = arith.muli %parallel_loop3A_149, %parallel_loop3A_150 : i32
          %parallel_loop3A_152 = vector.broadcast %parallel_loop3A_151 : i32 to vector<16xi32>
          %parallel_loop3A_153 = arith.addi %iota3A, %parallel_loop3A_152 : vector<16xi32>
          %parallel_loop3A_154 = arith.constant 128 : i32
          %parallel_loop3A_155 = vector.broadcast %parallel_loop3A_154 : i32 to vector<16xi32>
          %parallel_loop3A_156 = tpu.vector_load_idx %arg11[%parallel_loop3A_153, %parallel_loop3A_155] : memref<80x144xf32, #tpu.memory_space<vmem>>[vector<16xi32>, vector<16xi32>], vector<16xf32>,
          %parallel_loop3A_157 = arith.constant 0 : i32
          %parallel_loop3A_158 = vector.broadcast %parallel_loop3A_157 : i32 to vector<16xi32>
          %parallel_loop3A_159 = tpu.vector_load_idx %arg9[%parallel_loop3A_153, %parallel_loop3A_158] : memref<80x16xf32, #tpu.memory_space<vmem>>[vector<16xi32>, vector<16xi32>], vector<16xf32>,
          %parallel_loop3A_160 = arith.addf %parallel_loop3A_156, %parallel_loop3A_159 : vector<16xf32>
          %parallel_loop3A_161 = arith.constant 0.000000e+00 : f32
          %parallel_loop3A_162 = vector.broadcast %parallel_loop3A_161 : f32 to vector<16xf32>
          %parallel_loop3A_163 = arith.cmpf ogt, %parallel_loop3A_160, %parallel_loop3A_162 : vector<16xf32>
          %parallel_loop3A_164 = arith.constant 2.000000e-01 : f32
          %parallel_loop3A_165 = vector.broadcast %parallel_loop3A_164 : f32 to vector<16xf32>
          %parallel_loop3A_166 = arith.mulf %parallel_loop3A_165, %parallel_loop3A_160 : vector<16xf32>
          %parallel_loop3A_167 = arith.select %parallel_loop3A_163, %parallel_loop3A_160, %parallel_loop3A_166 : vector<16xi1>, vector<16xf32>
          %parallel_loop3A_168 = math.exp %parallel_loop3A_167 : vector<16xf32>
          tpu.vector_store_idx %arg11[%parallel_loop3A_153, %parallel_loop3A_155], %parallel_loop3A_168 : memref<80x144xf32, #tpu.memory_space<vmem>>[vector<16xi32>, vector<16xi32>], vector<16xf32>,
          %parallel_loop3A_169 = arith.constant 129 : i32
          %parallel_loop3A_170 = vector.broadcast %parallel_loop3A_169 : i32 to vector<16xi32>
          %parallel_loop3A_171 = tpu.vector_load_idx %arg11[%parallel_loop3A_153, %parallel_loop3A_170] : memref<80x144xf32, #tpu.memory_space<vmem>>[vector<16xi32>, vector<16xi32>], vector<16xf32>,
          %parallel_loop3A_172 = arith.constant 1 : i32
          %parallel_loop3A_173 = vector.broadcast %parallel_loop3A_172 : i32 to vector<16xi32>
          %parallel_loop3A_174 = tpu.vector_load_idx %arg9[%parallel_loop3A_153, %parallel_loop3A_173] : memref<80x16xf32, #tpu.memory_space<vmem>>[vector<16xi32>, vector<16xi32>], vector<16xf32>,
          %parallel_loop3A_175 = arith.addf %parallel_loop3A_171, %parallel_loop3A_174 : vector<16xf32>
          %parallel_loop3A_176 = arith.constant 0.000000e+00 : f32
          %parallel_loop3A_177 = vector.broadcast %parallel_loop3A_176 : f32 to vector<16xf32>
          %parallel_loop3A_178 = arith.cmpf ogt, %parallel_loop3A_175, %parallel_loop3A_177 : vector<16xf32>
          %parallel_loop3A_179 = arith.constant 2.000000e-01 : f32
          %parallel_loop3A_180 = vector.broadcast %parallel_loop3A_179 : f32 to vector<16xf32>
          %parallel_loop3A_181 = arith.mulf %parallel_loop3A_180, %parallel_loop3A_175 : vector<16xf32>
          %parallel_loop3A_182 = arith.select %parallel_loop3A_178, %parallel_loop3A_175, %parallel_loop3A_181 : vector<16xi1>, vector<16xf32>
          %parallel_loop3A_183 = math.exp %parallel_loop3A_182 : vector<16xf32>
          tpu.vector_store_idx %arg11[%parallel_loop3A_153, %parallel_loop3A_170], %parallel_loop3A_183 : memref<80x144xf32, #tpu.memory_space<vmem>>[vector<16xi32>, vector<16xi32>], vector<16xf32>,
          %parallel_loop3A_184 = arith.constant 130 : i32
          %parallel_loop3A_185 = vector.broadcast %parallel_loop3A_184 : i32 to vector<16xi32>
          %parallel_loop3A_186 = tpu.vector_load_idx %arg11[%parallel_loop3A_153, %parallel_loop3A_185] : memref<80x144xf32, #tpu.memory_space<vmem>>[vector<16xi32>, vector<16xi32>], vector<16xf32>,
          %parallel_loop3A_187 = arith.constant 2 : i32
          %parallel_loop3A_188 = vector.broadcast %parallel_loop3A_187 : i32 to vector<16xi32>
          %parallel_loop3A_189 = tpu.vector_load_idx %arg9[%parallel_loop3A_153, %parallel_loop3A_188] : memref<80x16xf32, #tpu.memory_space<vmem>>[vector<16xi32>, vector<16xi32>], vector<16xf32>,
          %parallel_loop3A_190 = arith.addf %parallel_loop3A_186, %parallel_loop3A_189 : vector<16xf32>
          %parallel_loop3A_191 = arith.constant 0.000000e+00 : f32
          %parallel_loop3A_192 = vector.broadcast %parallel_loop3A_191 : f32 to vector<16xf32>
          %parallel_loop3A_193 = arith.cmpf ogt, %parallel_loop3A_190, %parallel_loop3A_192 : vector<16xf32>
          %parallel_loop3A_194 = arith.constant 2.000000e-01 : f32
          %parallel_loop3A_195 = vector.broadcast %parallel_loop3A_194 : f32 to vector<16xf32>
          %parallel_loop3A_196 = arith.mulf %parallel_loop3A_195, %parallel_loop3A_190 : vector<16xf32>
          %parallel_loop3A_197 = arith.select %parallel_loop3A_193, %parallel_loop3A_190, %parallel_loop3A_196 : vector<16xi1>, vector<16xf32>
          %parallel_loop3A_198 = math.exp %parallel_loop3A_197 : vector<16xf32>
          tpu.vector_store_idx %arg11[%parallel_loop3A_153, %parallel_loop3A_185], %parallel_loop3A_198 : memref<80x144xf32, #tpu.memory_space<vmem>>[vector<16xi32>, vector<16xi32>], vector<16xf32>,
          %parallel_loop3A_199 = arith.constant 131 : i32
          %parallel_loop3A_200 = vector.broadcast %parallel_loop3A_199 : i32 to vector<16xi32>
          %parallel_loop3A_201 = tpu.vector_load_idx %arg11[%parallel_loop3A_153, %parallel_loop3A_200] : memref<80x144xf32, #tpu.memory_space<vmem>>[vector<16xi32>, vector<16xi32>], vector<16xf32>,
          %parallel_loop3A_202 = arith.constant 3 : i32
          %parallel_loop3A_203 = vector.broadcast %parallel_loop3A_202 : i32 to vector<16xi32>
          %parallel_loop3A_204 = tpu.vector_load_idx %arg9[%parallel_loop3A_153, %parallel_loop3A_203] : memref<80x16xf32, #tpu.memory_space<vmem>>[vector<16xi32>, vector<16xi32>], vector<16xf32>,
          %parallel_loop3A_205 = arith.addf %parallel_loop3A_201, %parallel_loop3A_204 : vector<16xf32>
          %parallel_loop3A_206 = arith.constant 0.000000e+00 : f32
          %parallel_loop3A_207 = vector.broadcast %parallel_loop3A_206 : f32 to vector<16xf32>
          %parallel_loop3A_208 = arith.cmpf ogt, %parallel_loop3A_205, %parallel_loop3A_207 : vector<16xf32>
          %parallel_loop3A_209 = arith.constant 2.000000e-01 : f32
          %parallel_loop3A_210 = vector.broadcast %parallel_loop3A_209 : f32 to vector<16xf32>
          %parallel_loop3A_211 = arith.mulf %parallel_loop3A_210, %parallel_loop3A_205 : vector<16xf32>
          %parallel_loop3A_212 = arith.select %parallel_loop3A_208, %parallel_loop3A_205, %parallel_loop3A_211 : vector<16xi1>, vector<16xf32>
          %parallel_loop3A_213 = math.exp %parallel_loop3A_212 : vector<16xf32>
          tpu.vector_store_idx %arg11[%parallel_loop3A_153, %parallel_loop3A_200], %parallel_loop3A_213 : memref<80x144xf32, #tpu.memory_space<vmem>>[vector<16xi32>, vector<16xi32>], vector<16xf32>,
        } {sc.loop_unroll_factor = 5 : i64, sc.parallel_access}
        %parallel_loop3A_111 = arith.constant 0 : i32
        %parallel_loop3A_112 = arith.constant 80 : i32
        %parallel_loop3A_113 = arith.constant 1 : i32
        scf.for %parallel_loop3A_149 = %parallel_loop3A_111 to %parallel_loop3A_112 step %parallel_loop3A_113  : i32 {
          %parallel_loop3A_150 = arith.index_cast %parallel_loop3A_149 : i32 to index
          %parallel_loop3A_151 = arith.constant 128 : index
          %parallel_loop3A_152 = tpu.vector_load %arg11[%parallel_loop3A_150, %parallel_loop3A_151] {strides = array<i32>} : memref<80x144xf32, #tpu.memory_space<vmem>>, vector<16xf32>,
          %parallel_loop3A_153 = vector.extract_strided_slice %parallel_loop3A_152 {offsets = [0], sizes = [1], strides = [1]} : vector<16xf32> to vector<1xf32>
          %parallel_loop3A_154 = vector.extract %parallel_loop3A_153[0] : f32 from vector<1xf32>
          %parallel_loop3A_155 = arith.index_cast %parallel_loop3A_149 : i32 to index
          %parallel_loop3A_156 = arith.constant 0 : index
          %parallel_loop3A_157 = tpu.vector_load %arg11[%parallel_loop3A_155, %parallel_loop3A_156] {strides = array<i32>} : memref<80x144xf32, #tpu.memory_space<vmem>>, vector<16xf32>,
          %parallel_loop3A_158 = vector.broadcast %parallel_loop3A_154 : f32 to vector<16xf32>
          %parallel_loop3A_159 = arith.mulf %parallel_loop3A_157, %parallel_loop3A_158 : vector<16xf32>
          %parallel_loop3A_160 = arith.index_cast %parallel_loop3A_149 : i32 to index
          %parallel_loop3A_161 = arith.constant 0 : index
          %parallel_loop3A_162 = tpu.vector_load %arg11[%parallel_loop3A_160, %parallel_loop3A_161] {strides = array<i32>} : memref<80x144xf32, #tpu.memory_space<vmem>>, vector<16xf32>,
          tpu.vector_store %arg11[%parallel_loop3A_160, %parallel_loop3A_161], %parallel_loop3A_159 {strides = array<i32>} : memref<80x144xf32, #tpu.memory_space<vmem>>, vector<16xf32>,
          %parallel_loop3A_163 = arith.index_cast %parallel_loop3A_149 : i32 to index
          %parallel_loop3A_164 = arith.constant 16 : index
          %parallel_loop3A_165 = tpu.vector_load %arg11[%parallel_loop3A_163, %parallel_loop3A_164] {strides = array<i32>} : memref<80x144xf32, #tpu.memory_space<vmem>>, vector<16xf32>,
          %parallel_loop3A_166 = vector.broadcast %parallel_loop3A_154 : f32 to vector<16xf32>
          %parallel_loop3A_167 = arith.mulf %parallel_loop3A_165, %parallel_loop3A_166 : vector<16xf32>
          %parallel_loop3A_168 = arith.index_cast %parallel_loop3A_149 : i32 to index
          %parallel_loop3A_169 = arith.constant 16 : index
          %parallel_loop3A_170 = tpu.vector_load %arg11[%parallel_loop3A_168, %parallel_loop3A_169] {strides = array<i32>} : memref<80x144xf32, #tpu.memory_space<vmem>>, vector<16xf32>,
          tpu.vector_store %arg11[%parallel_loop3A_168, %parallel_loop3A_169], %parallel_loop3A_167 {strides = array<i32>} : memref<80x144xf32, #tpu.memory_space<vmem>>, vector<16xf32>,
          %parallel_loop3A_171 = vector.extract_strided_slice %parallel_loop3A_152 {offsets = [1], sizes = [1], strides = [1]} : vector<16xf32> to vector<1xf32>
          %parallel_loop3A_172 = vector.extract %parallel_loop3A_171[0] : f32 from vector<1xf32>
          %parallel_loop3A_173 = arith.index_cast %parallel_loop3A_149 : i32 to index
          %parallel_loop3A_174 = arith.constant 32 : index
          %parallel_loop3A_175 = tpu.vector_load %arg11[%parallel_loop3A_173, %parallel_loop3A_174] {strides = array<i32>} : memref<80x144xf32, #tpu.memory_space<vmem>>, vector<16xf32>,
          %parallel_loop3A_176 = vector.broadcast %parallel_loop3A_172 : f32 to vector<16xf32>
          %parallel_loop3A_177 = arith.mulf %parallel_loop3A_175, %parallel_loop3A_176 : vector<16xf32>
          %parallel_loop3A_178 = arith.index_cast %parallel_loop3A_149 : i32 to index
          %parallel_loop3A_179 = arith.constant 32 : index
          %parallel_loop3A_180 = tpu.vector_load %arg11[%parallel_loop3A_178, %parallel_loop3A_179] {strides = array<i32>} : memref<80x144xf32, #tpu.memory_space<vmem>>, vector<16xf32>,
          tpu.vector_store %arg11[%parallel_loop3A_178, %parallel_loop3A_179], %parallel_loop3A_177 {strides = array<i32>} : memref<80x144xf32, #tpu.memory_space<vmem>>, vector<16xf32>,
          %parallel_loop3A_181 = arith.index_cast %parallel_loop3A_149 : i32 to index
          %parallel_loop3A_182 = arith.constant 48 : index
          %parallel_loop3A_183 = tpu.vector_load %arg11[%parallel_loop3A_181, %parallel_loop3A_182] {strides = array<i32>} : memref<80x144xf32, #tpu.memory_space<vmem>>, vector<16xf32>,
          %parallel_loop3A_184 = vector.broadcast %parallel_loop3A_172 : f32 to vector<16xf32>
          %parallel_loop3A_185 = arith.mulf %parallel_loop3A_183, %parallel_loop3A_184 : vector<16xf32>
          %parallel_loop3A_186 = arith.index_cast %parallel_loop3A_149 : i32 to index
          %parallel_loop3A_187 = arith.constant 48 : index
          %parallel_loop3A_188 = tpu.vector_load %arg11[%parallel_loop3A_186, %parallel_loop3A_187] {strides = array<i32>} : memref<80x144xf32, #tpu.memory_space<vmem>>, vector<16xf32>,
          tpu.vector_store %arg11[%parallel_loop3A_186, %parallel_loop3A_187], %parallel_loop3A_185 {strides = array<i32>} : memref<80x144xf32, #tpu.memory_space<vmem>>, vector<16xf32>,
          %parallel_loop3A_189 = vector.extract_strided_slice %parallel_loop3A_152 {offsets = [2], sizes = [1], strides = [1]} : vector<16xf32> to vector<1xf32>
          %parallel_loop3A_190 = vector.extract %parallel_loop3A_189[0] : f32 from vector<1xf32>
          %parallel_loop3A_191 = arith.index_cast %parallel_loop3A_149 : i32 to index
          %parallel_loop3A_192 = arith.constant 64 : index
          %parallel_loop3A_193 = tpu.vector_load %arg11[%parallel_loop3A_191, %parallel_loop3A_192] {strides = array<i32>} : memref<80x144xf32, #tpu.memory_space<vmem>>, vector<16xf32>,
          %parallel_loop3A_194 = vector.broadcast %parallel_loop3A_190 : f32 to vector<16xf32>
          %parallel_loop3A_195 = arith.mulf %parallel_loop3A_193, %parallel_loop3A_194 : vector<16xf32>
          %parallel_loop3A_196 = arith.index_cast %parallel_loop3A_149 : i32 to index
          %parallel_loop3A_197 = arith.constant 64 : index
          %parallel_loop3A_198 = tpu.vector_load %arg11[%parallel_loop3A_196, %parallel_loop3A_197] {strides = array<i32>} : memref<80x144xf32, #tpu.memory_space<vmem>>, vector<16xf32>,
          tpu.vector_store %arg11[%parallel_loop3A_196, %parallel_loop3A_197], %parallel_loop3A_195 {strides = array<i32>} : memref<80x144xf32, #tpu.memory_space<vmem>>, vector<16xf32>,
          %parallel_loop3A_199 = arith.index_cast %parallel_loop3A_149 : i32 to index
          %parallel_loop3A_200 = arith.constant 80 : index
          %parallel_loop3A_201 = tpu.vector_load %arg11[%parallel_loop3A_199, %parallel_loop3A_200] {strides = array<i32>} : memref<80x144xf32, #tpu.memory_space<vmem>>, vector<16xf32>,
          %parallel_loop3A_202 = vector.broadcast %parallel_loop3A_190 : f32 to vector<16xf32>
          %parallel_loop3A_203 = arith.mulf %parallel_loop3A_201, %parallel_loop3A_202 : vector<16xf32>
          %parallel_loop3A_204 = arith.index_cast %parallel_loop3A_149 : i32 to index
          %parallel_loop3A_205 = arith.constant 80 : index
          %parallel_loop3A_206 = tpu.vector_load %arg11[%parallel_loop3A_204, %parallel_loop3A_205] {strides = array<i32>} : memref<80x144xf32, #tpu.memory_space<vmem>>, vector<16xf32>,
          tpu.vector_store %arg11[%parallel_loop3A_204, %parallel_loop3A_205], %parallel_loop3A_203 {strides = array<i32>} : memref<80x144xf32, #tpu.memory_space<vmem>>, vector<16xf32>,
          %parallel_loop3A_207 = vector.extract_strided_slice %parallel_loop3A_152 {offsets = [3], sizes = [1], strides = [1]} : vector<16xf32> to vector<1xf32>
          %parallel_loop3A_208 = vector.extract %parallel_loop3A_207[0] : f32 from vector<1xf32>
          %parallel_loop3A_209 = arith.index_cast %parallel_loop3A_149 : i32 to index
          %parallel_loop3A_210 = arith.constant 96 : index
          %parallel_loop3A_211 = tpu.vector_load %arg11[%parallel_loop3A_209, %parallel_loop3A_210] {strides = array<i32>} : memref<80x144xf32, #tpu.memory_space<vmem>>, vector<16xf32>,
          %parallel_loop3A_212 = vector.broadcast %parallel_loop3A_208 : f32 to vector<16xf32>
          %parallel_loop3A_213 = arith.mulf %parallel_loop3A_211, %parallel_loop3A_212 : vector<16xf32>
          %parallel_loop3A_214 = arith.index_cast %parallel_loop3A_149 : i32 to index
          %parallel_loop3A_215 = arith.constant 96 : index
          %parallel_loop3A_216 = tpu.vector_load %arg11[%parallel_loop3A_214, %parallel_loop3A_215] {strides = array<i32>} : memref<80x144xf32, #tpu.memory_space<vmem>>, vector<16xf32>,
          tpu.vector_store %arg11[%parallel_loop3A_214, %parallel_loop3A_215], %parallel_loop3A_213 {strides = array<i32>} : memref<80x144xf32, #tpu.memory_space<vmem>>, vector<16xf32>,
          %parallel_loop3A_217 = arith.index_cast %parallel_loop3A_149 : i32 to index
          %parallel_loop3A_218 = arith.constant 112 : index
          %parallel_loop3A_219 = tpu.vector_load %arg11[%parallel_loop3A_217, %parallel_loop3A_218] {strides = array<i32>} : memref<80x144xf32, #tpu.memory_space<vmem>>, vector<16xf32>,
          %parallel_loop3A_220 = vector.broadcast %parallel_loop3A_208 : f32 to vector<16xf32>
          %parallel_loop3A_221 = arith.mulf %parallel_loop3A_219, %parallel_loop3A_220 : vector<16xf32>
          %parallel_loop3A_222 = arith.index_cast %parallel_loop3A_149 : i32 to index
          %parallel_loop3A_223 = arith.constant 112 : index
          %parallel_loop3A_224 = tpu.vector_load %arg11[%parallel_loop3A_222, %parallel_loop3A_223] {strides = array<i32>} : memref<80x144xf32, #tpu.memory_space<vmem>>, vector<16xf32>,
          tpu.vector_store %arg11[%parallel_loop3A_222, %parallel_loop3A_223], %parallel_loop3A_221 {strides = array<i32>} : memref<80x144xf32, #tpu.memory_space<vmem>>, vector<16xf32>,
        } {sc.loop_unroll_factor = 4 : i64, sc.parallel_access}
        "tpu.region"() ({
          %run_scoped3A_149 = tpu.sem_alloc : memref<!tpu.dma_semaphore, #tpu.memory_space<semaphore_mem>>
          %dma_start3A_150 = arith.constant 0 : i32
          %dma_start3A_151 = tpu.memref_slice %arg8[%add3A_93, %dma_start3A_150] : memref<25x80xi32, #tpu.memory_space<vmem>> -> memref<1x80xi32, #tpu.memory_space<vmem>>
          %dma_start3A_152 = tpu.memref_squeeze %dma_start3A_151 : memref<1x80xi32, #tpu.memory_space<vmem>> -> memref<80xi32, #tpu.memory_space<vmem>>
          %dma_start3A_153 = arith.constant 0 : i32
          %dma_start3A_154 = arith.constant 0 : i32
          %dma_start3A_155 = tpu.memref_slice %arg13[%dma_start3A_153, %dma_start3A_154] : memref<10000x144xf32, #tpu.memory_space<vmem_shared>> -> memref<10000x144xf32, #tpu.memory_space<vmem_shared>>
          tpu.enqueue_indirect_dma source(%arg11 : memref<80x144xf32, #tpu.memory_space<vmem>>) target(%dma_start3A_155 : memref<10000x144xf32, #tpu.memory_space<vmem_shared>>) offsets(%dma_start3A_152 : memref<80xi32, #tpu.memory_space<vmem>>) semaphore(%run_scoped3A_149 : memref<!tpu.dma_semaphore, #tpu.memory_space<semaphore_mem>>) {add = true}
          %dma_wait3A_156 = arith.constant 0 : i32
          %dma_wait3A_157 = tpu.memref_slice %arg8[%add3A_93, %dma_wait3A_156] : memref<25x80xi32, #tpu.memory_space<vmem>> -> memref<1x80xi32, #tpu.memory_space<vmem>>
          %dma_wait3A_158 = tpu.memref_squeeze %dma_wait3A_157 : memref<1x80xi32, #tpu.memory_space<vmem>> -> memref<80xi32, #tpu.memory_space<vmem>>
          %dma_wait3A_159 = arith.constant 0 : i32
          %dma_wait3A_160 = arith.constant 0 : i32
          %dma_wait3A_161 = tpu.memref_slice %arg13[%dma_wait3A_159, %dma_wait3A_160] : memref<10000x144xf32, #tpu.memory_space<vmem_shared>> -> memref<10000x144xf32, #tpu.memory_space<vmem_shared>>
          tpu.wait_indirect_dma semaphore(%run_scoped3A_149 : memref<!tpu.dma_semaphore, #tpu.memory_space<semaphore_mem>>) src(%arg11 : memref<80x144xf32, #tpu.memory_space<vmem>>) dst(%dma_wait3A_161 : memref<10000x144xf32, #tpu.memory_space<vmem_shared>>)
          tpu.yield
        }) : () -> ()
        %add3A_114 = arith.constant 2 : i32
        %add3A_115 = arith.addi %add3A_93, %add3A_114 : i32
        %lt3A = arith.constant 25 : i32
        %lt3A_116 = arith.cmpi slt, %add3A_115, %lt3A : i32
        %convert_element_type3A = arith.extui %lt3A_116 : i1 to i32
        %cond3A = arith.constant 0 : i32
        %cond3A_117 = arith.cmpi ne, %convert_element_type3A, %cond3A : i32
        scf.if %cond3A_117 {
          %add3A_149 = arith.constant 2 : i32
          %add3A_150 = arith.addi %add3A_93, %add3A_149 : i32
          %dma_start3A_151 = arith.constant 0 : i32
          %dma_start3A_152 = tpu.memref_slice %arg7[%add3A_150, %dma_start3A_151] : memref<25x80xi32, #tpu.memory_space<vmem>> -> memref<1x80xi32, #tpu.memory_space<vmem>>
          %dma_start3A_153 = tpu.memref_squeeze %dma_start3A_152 : memref<1x80xi32, #tpu.memory_space<vmem>> -> memref<80xi32, #tpu.memory_space<vmem>>
          %dma_start3A_154 = arith.constant 0 : i32
          %dma_start3A_155 = arith.constant 0 : i32
          %dma_start3A_156 = tpu.memref_slice %arg2[%dma_start3A_154, %dma_start3A_155] : memref<10000x144xf32, #tpu.memory_space<hbm>> -> memref<10000x144xf32, #tpu.memory_space<hbm>>
          tpu.enqueue_indirect_dma source(%dma_start3A_156 : memref<10000x144xf32, #tpu.memory_space<hbm>>) target(%arg11 : memref<80x144xf32, #tpu.memory_space<vmem>>) offsets(%dma_start3A_153 : memref<80xi32, #tpu.memory_space<vmem>>) semaphore(%arg14 : memref<!tpu.dma_semaphore, #tpu.memory_space<semaphore_mem>>)
          %dma_start3A_157 = arith.constant 0 : i32
          %dma_start3A_158 = tpu.memref_slice %arg8[%add3A_150, %dma_start3A_157] : memref<25x80xi32, #tpu.memory_space<vmem>> -> memref<1x80xi32, #tpu.memory_space<vmem>>
          %dma_start3A_159 = tpu.memref_squeeze %dma_start3A_158 : memref<1x80xi32, #tpu.memory_space<vmem>> -> memref<80xi32, #tpu.memory_space<vmem>>
          %dma_start3A_160 = arith.constant 0 : i32
          %dma_start3A_161 = arith.constant 0 : i32
          %dma_start3A_162 = tpu.memref_slice %arg3[%dma_start3A_160, %dma_start3A_161] : memref<10000x16xf32, #tpu.memory_space<hbm>> -> memref<10000x16xf32, #tpu.memory_space<hbm>>
          tpu.enqueue_indirect_dma source(%dma_start3A_162 : memref<10000x16xf32, #tpu.memory_space<hbm>>) target(%arg9 : memref<80x16xf32, #tpu.memory_space<vmem>>) offsets(%dma_start3A_159 : memref<80xi32, #tpu.memory_space<vmem>>) semaphore(%arg16 : memref<!tpu.dma_semaphore, #tpu.memory_space<semaphore_mem>>)
        } else {
        }
        %mul3A_118 = arith.constant 2 : i32
        %mul3A_119 = arith.muli %scan3A_89, %mul3A_118 : i32
        %add3A_120 = arith.constant 1 : i32
        %add3A_121 = arith.addi %mul3A_119, %add3A_120 : i32
        %dma_wait3A_122 = arith.constant 0 : i32
        %dma_wait3A_123 = arith.constant 0 : i32
        %dma_wait3A_124 = tpu.memref_slice %arg7[%dma_wait3A_122, %dma_wait3A_123] : memref<25x80xi32, #tpu.memory_space<vmem>> -> memref<1x80xi32, #tpu.memory_space<vmem>>
        %dma_wait3A_125 = tpu.memref_squeeze %dma_wait3A_124 : memref<1x80xi32, #tpu.memory_space<vmem>> -> memref<80xi32, #tpu.memory_space<vmem>>
        %dma_wait3A_126 = arith.constant 0 : i32
        %dma_wait3A_127 = arith.constant 0 : i32
        %dma_wait3A_128 = tpu.memref_slice %arg2[%dma_wait3A_126, %dma_wait3A_127] : memref<10000x144xf32, #tpu.memory_space<hbm>> -> memref<10000x144xf32, #tpu.memory_space<hbm>>
        tpu.wait_indirect_dma semaphore(%arg15 : memref<!tpu.dma_semaphore, #tpu.memory_space<semaphore_mem>>) src(%dma_wait3A_128 : memref<10000x144xf32, #tpu.memory_space<hbm>>) dst(%arg12 : memref<80x144xf32, #tpu.memory_space<vmem>>)
        %dma_wait3A_129 = arith.constant 0 : i32
        %dma_wait3A_130 = arith.constant 0 : i32
        %dma_wait3A_131 = tpu.memref_slice %arg8[%dma_wait3A_129, %dma_wait3A_130] : memref<25x80xi32, #tpu.memory_space<vmem>> -> memref<1x80xi32, #tpu.memory_space<vmem>>
        %dma_wait3A_132 = tpu.memref_squeeze %dma_wait3A_131 : memref<1x80xi32, #tpu.memory_space<vmem>> -> memref<80xi32, #tpu.memory_space<vmem>>
        %dma_wait3A_133 = arith.constant 0 : i32
        %dma_wait3A_134 = arith.constant 0 : i32
        %dma_wait3A_135 = tpu.memref_slice %arg3[%dma_wait3A_133, %dma_wait3A_134] : memref<10000x16xf32, #tpu.memory_space<hbm>> -> memref<10000x16xf32, #tpu.memory_space<hbm>>
        tpu.wait_indirect_dma semaphore(%arg17 : memref<!tpu.dma_semaphore, #tpu.memory_space<semaphore_mem>>) src(%dma_wait3A_135 : memref<10000x16xf32, #tpu.memory_space<hbm>>) dst(%arg10 : memref<80x16xf32, #tpu.memory_space<vmem>>)
        %parallel_loop3A_136 = arith.constant 0 : i32
        %parallel_loop3A_137 = arith.constant 5 : i32
        %parallel_loop3A_138 = arith.constant 1 : i32
        scf.for %parallel_loop3A_149 = %parallel_loop3A_136 to %parallel_loop3A_137 step %parallel_loop3A_138  : i32 {
          %parallel_loop3A_150 = arith.constant 16 : i32
          %parallel_loop3A_151 = arith.muli %parallel_loop3A_149, %parallel_loop3A_150 : i32
          %parallel_loop3A_152 = vector.broadcast %parallel_loop3A_151 : i32 to vector<16xi32>
          %parallel_loop3A_153 = arith.addi %iota3A, %parallel_loop3A_152 : vector<16xi32>
          %parallel_loop3A_154 = arith.constant 128 : i32
          %parallel_loop3A_155 = vector.broadcast %parallel_loop3A_154 : i32 to vector<16xi32>
          %parallel_loop3A_156 = tpu.vector_load_idx %arg12[%parallel_loop3A_153, %parallel_loop3A_155] : memref<80x144xf32, #tpu.memory_space<vmem>>[vector<16xi32>, vector<16xi32>], vector<16xf32>,
          %parallel_loop3A_157 = arith.constant 0 : i32
          %parallel_loop3A_158 = vector.broadcast %parallel_loop3A_157 : i32 to vector<16xi32>
          %parallel_loop3A_159 = tpu.vector_load_idx %arg10[%parallel_loop3A_153, %parallel_loop3A_158] : memref<80x16xf32, #tpu.memory_space<vmem>>[vector<16xi32>, vector<16xi32>], vector<16xf32>,
          %parallel_loop3A_160 = arith.addf %parallel_loop3A_156, %parallel_loop3A_159 : vector<16xf32>
          %parallel_loop3A_161 = arith.constant 0.000000e+00 : f32
          %parallel_loop3A_162 = vector.broadcast %parallel_loop3A_161 : f32 to vector<16xf32>
          %parallel_loop3A_163 = arith.cmpf ogt, %parallel_loop3A_160, %parallel_loop3A_162 : vector<16xf32>
          %parallel_loop3A_164 = arith.constant 2.000000e-01 : f32
          %parallel_loop3A_165 = vector.broadcast %parallel_loop3A_164 : f32 to vector<16xf32>
          %parallel_loop3A_166 = arith.mulf %parallel_loop3A_165, %parallel_loop3A_160 : vector<16xf32>
          %parallel_loop3A_167 = arith.select %parallel_loop3A_163, %parallel_loop3A_160, %parallel_loop3A_166 : vector<16xi1>, vector<16xf32>
          %parallel_loop3A_168 = math.exp %parallel_loop3A_167 : vector<16xf32>
          tpu.vector_store_idx %arg12[%parallel_loop3A_153, %parallel_loop3A_155], %parallel_loop3A_168 : memref<80x144xf32, #tpu.memory_space<vmem>>[vector<16xi32>, vector<16xi32>], vector<16xf32>,
          %parallel_loop3A_169 = arith.constant 129 : i32
          %parallel_loop3A_170 = vector.broadcast %parallel_loop3A_169 : i32 to vector<16xi32>
          %parallel_loop3A_171 = tpu.vector_load_idx %arg12[%parallel_loop3A_153, %parallel_loop3A_170] : memref<80x144xf32, #tpu.memory_space<vmem>>[vector<16xi32>, vector<16xi32>], vector<16xf32>,
          %parallel_loop3A_172 = arith.constant 1 : i32
          %parallel_loop3A_173 = vector.broadcast %parallel_loop3A_172 : i32 to vector<16xi32>
          %parallel_loop3A_174 = tpu.vector_load_idx %arg10[%parallel_loop3A_153, %parallel_loop3A_173] : memref<80x16xf32, #tpu.memory_space<vmem>>[vector<16xi32>, vector<16xi32>], vector<16xf32>,
          %parallel_loop3A_175 = arith.addf %parallel_loop3A_171, %parallel_loop3A_174 : vector<16xf32>
          %parallel_loop3A_176 = arith.constant 0.000000e+00 : f32
          %parallel_loop3A_177 = vector.broadcast %parallel_loop3A_176 : f32 to vector<16xf32>
          %parallel_loop3A_178 = arith.cmpf ogt, %parallel_loop3A_175, %parallel_loop3A_177 : vector<16xf32>
          %parallel_loop3A_179 = arith.constant 2.000000e-01 : f32
          %parallel_loop3A_180 = vector.broadcast %parallel_loop3A_179 : f32 to vector<16xf32>
          %parallel_loop3A_181 = arith.mulf %parallel_loop3A_180, %parallel_loop3A_175 : vector<16xf32>
          %parallel_loop3A_182 = arith.select %parallel_loop3A_178, %parallel_loop3A_175, %parallel_loop3A_181 : vector<16xi1>, vector<16xf32>
          %parallel_loop3A_183 = math.exp %parallel_loop3A_182 : vector<16xf32>
          tpu.vector_store_idx %arg12[%parallel_loop3A_153, %parallel_loop3A_170], %parallel_loop3A_183 : memref<80x144xf32, #tpu.memory_space<vmem>>[vector<16xi32>, vector<16xi32>], vector<16xf32>,
          %parallel_loop3A_184 = arith.constant 130 : i32
          %parallel_loop3A_185 = vector.broadcast %parallel_loop3A_184 : i32 to vector<16xi32>
          %parallel_loop3A_186 = tpu.vector_load_idx %arg12[%parallel_loop3A_153, %parallel_loop3A_185] : memref<80x144xf32, #tpu.memory_space<vmem>>[vector<16xi32>, vector<16xi32>], vector<16xf32>,
          %parallel_loop3A_187 = arith.constant 2 : i32
          %parallel_loop3A_188 = vector.broadcast %parallel_loop3A_187 : i32 to vector<16xi32>
          %parallel_loop3A_189 = tpu.vector_load_idx %arg10[%parallel_loop3A_153, %parallel_loop3A_188] : memref<80x16xf32, #tpu.memory_space<vmem>>[vector<16xi32>, vector<16xi32>], vector<16xf32>,
          %parallel_loop3A_190 = arith.addf %parallel_loop3A_186, %parallel_loop3A_189 : vector<16xf32>
          %parallel_loop3A_191 = arith.constant 0.000000e+00 : f32
          %parallel_loop3A_192 = vector.broadcast %parallel_loop3A_191 : f32 to vector<16xf32>
          %parallel_loop3A_193 = arith.cmpf ogt, %parallel_loop3A_190, %parallel_loop3A_192 : vector<16xf32>
          %parallel_loop3A_194 = arith.constant 2.000000e-01 : f32
          %parallel_loop3A_195 = vector.broadcast %parallel_loop3A_194 : f32 to vector<16xf32>
          %parallel_loop3A_196 = arith.mulf %parallel_loop3A_195, %parallel_loop3A_190 : vector<16xf32>
          %parallel_loop3A_197 = arith.select %parallel_loop3A_193, %parallel_loop3A_190, %parallel_loop3A_196 : vector<16xi1>, vector<16xf32>
          %parallel_loop3A_198 = math.exp %parallel_loop3A_197 : vector<16xf32>
          tpu.vector_store_idx %arg12[%parallel_loop3A_153, %parallel_loop3A_185], %parallel_loop3A_198 : memref<80x144xf32, #tpu.memory_space<vmem>>[vector<16xi32>, vector<16xi32>], vector<16xf32>,
          %parallel_loop3A_199 = arith.constant 131 : i32
          %parallel_loop3A_200 = vector.broadcast %parallel_loop3A_199 : i32 to vector<16xi32>
          %parallel_loop3A_201 = tpu.vector_load_idx %arg12[%parallel_loop3A_153, %parallel_loop3A_200] : memref<80x144xf32, #tpu.memory_space<vmem>>[vector<16xi32>, vector<16xi32>], vector<16xf32>,
          %parallel_loop3A_202 = arith.constant 3 : i32
          %parallel_loop3A_203 = vector.broadcast %parallel_loop3A_202 : i32 to vector<16xi32>
          %parallel_loop3A_204 = tpu.vector_load_idx %arg10[%parallel_loop3A_153, %parallel_loop3A_203] : memref<80x16xf32, #tpu.memory_space<vmem>>[vector<16xi32>, vector<16xi32>], vector<16xf32>,
          %parallel_loop3A_205 = arith.addf %parallel_loop3A_201, %parallel_loop3A_204 : vector<16xf32>
          %parallel_loop3A_206 = arith.constant 0.000000e+00 : f32
          %parallel_loop3A_207 = vector.broadcast %parallel_loop3A_206 : f32 to vector<16xf32>
          %parallel_loop3A_208 = arith.cmpf ogt, %parallel_loop3A_205, %parallel_loop3A_207 : vector<16xf32>
          %parallel_loop3A_209 = arith.constant 2.000000e-01 : f32
          %parallel_loop3A_210 = vector.broadcast %parallel_loop3A_209 : f32 to vector<16xf32>
          %parallel_loop3A_211 = arith.mulf %parallel_loop3A_210, %parallel_loop3A_205 : vector<16xf32>
          %parallel_loop3A_212 = arith.select %parallel_loop3A_208, %parallel_loop3A_205, %parallel_loop3A_211 : vector<16xi1>, vector<16xf32>
          %parallel_loop3A_213 = math.exp %parallel_loop3A_212 : vector<16xf32>
          tpu.vector_store_idx %arg12[%parallel_loop3A_153, %parallel_loop3A_200], %parallel_loop3A_213 : memref<80x144xf32, #tpu.memory_space<vmem>>[vector<16xi32>, vector<16xi32>], vector<16xf32>,
        } {sc.loop_unroll_factor = 5 : i64, sc.parallel_access}
        %parallel_loop3A_139 = arith.constant 0 : i32
        %parallel_loop3A_140 = arith.constant 80 : i32
        %parallel_loop3A_141 = arith.constant 1 : i32
        scf.for %parallel_loop3A_149 = %parallel_loop3A_139 to %parallel_loop3A_140 step %parallel_loop3A_141  : i32 {
          %parallel_loop3A_150 = arith.index_cast %parallel_loop3A_149 : i32 to index
          %parallel_loop3A_151 = arith.constant 128 : index
          %parallel_loop3A_152 = tpu.vector_load %arg12[%parallel_loop3A_150, %parallel_loop3A_151] {strides = array<i32>} : memref<80x144xf32, #tpu.memory_space<vmem>>, vector<16xf32>,
          %parallel_loop3A_153 = vector.extract_strided_slice %parallel_loop3A_152 {offsets = [0], sizes = [1], strides = [1]} : vector<16xf32> to vector<1xf32>
          %parallel_loop3A_154 = vector.extract %parallel_loop3A_153[0] : f32 from vector<1xf32>
          %parallel_loop3A_155 = arith.index_cast %parallel_loop3A_149 : i32 to index
          %parallel_loop3A_156 = arith.constant 0 : index
          %parallel_loop3A_157 = tpu.vector_load %arg12[%parallel_loop3A_155, %parallel_loop3A_156] {strides = array<i32>} : memref<80x144xf32, #tpu.memory_space<vmem>>, vector<16xf32>,
          %parallel_loop3A_158 = vector.broadcast %parallel_loop3A_154 : f32 to vector<16xf32>
          %parallel_loop3A_159 = arith.mulf %parallel_loop3A_157, %parallel_loop3A_158 : vector<16xf32>
          %parallel_loop3A_160 = arith.index_cast %parallel_loop3A_149 : i32 to index
          %parallel_loop3A_161 = arith.constant 0 : index
          %parallel_loop3A_162 = tpu.vector_load %arg12[%parallel_loop3A_160, %parallel_loop3A_161] {strides = array<i32>} : memref<80x144xf32, #tpu.memory_space<vmem>>, vector<16xf32>,
          tpu.vector_store %arg12[%parallel_loop3A_160, %parallel_loop3A_161], %parallel_loop3A_159 {strides = array<i32>} : memref<80x144xf32, #tpu.memory_space<vmem>>, vector<16xf32>,
          %parallel_loop3A_163 = arith.index_cast %parallel_loop3A_149 : i32 to index
          %parallel_loop3A_164 = arith.constant 16 : index
          %parallel_loop3A_165 = tpu.vector_load %arg12[%parallel_loop3A_163, %parallel_loop3A_164] {strides = array<i32>} : memref<80x144xf32, #tpu.memory_space<vmem>>, vector<16xf32>,
          %parallel_loop3A_166 = vector.broadcast %parallel_loop3A_154 : f32 to vector<16xf32>
          %parallel_loop3A_167 = arith.mulf %parallel_loop3A_165, %parallel_loop3A_166 : vector<16xf32>
          %parallel_loop3A_168 = arith.index_cast %parallel_loop3A_149 : i32 to index
          %parallel_loop3A_169 = arith.constant 16 : index
          %parallel_loop3A_170 = tpu.vector_load %arg12[%parallel_loop3A_168, %parallel_loop3A_169] {strides = array<i32>} : memref<80x144xf32, #tpu.memory_space<vmem>>, vector<16xf32>,
          tpu.vector_store %arg12[%parallel_loop3A_168, %parallel_loop3A_169], %parallel_loop3A_167 {strides = array<i32>} : memref<80x144xf32, #tpu.memory_space<vmem>>, vector<16xf32>,
          %parallel_loop3A_171 = vector.extract_strided_slice %parallel_loop3A_152 {offsets = [1], sizes = [1], strides = [1]} : vector<16xf32> to vector<1xf32>
          %parallel_loop3A_172 = vector.extract %parallel_loop3A_171[0] : f32 from vector<1xf32>
          %parallel_loop3A_173 = arith.index_cast %parallel_loop3A_149 : i32 to index
          %parallel_loop3A_174 = arith.constant 32 : index
          %parallel_loop3A_175 = tpu.vector_load %arg12[%parallel_loop3A_173, %parallel_loop3A_174] {strides = array<i32>} : memref<80x144xf32, #tpu.memory_space<vmem>>, vector<16xf32>,
          %parallel_loop3A_176 = vector.broadcast %parallel_loop3A_172 : f32 to vector<16xf32>
          %parallel_loop3A_177 = arith.mulf %parallel_loop3A_175, %parallel_loop3A_176 : vector<16xf32>
          %parallel_loop3A_178 = arith.index_cast %parallel_loop3A_149 : i32 to index
          %parallel_loop3A_179 = arith.constant 32 : index
          %parallel_loop3A_180 = tpu.vector_load %arg12[%parallel_loop3A_178, %parallel_loop3A_179] {strides = array<i32>} : memref<80x144xf32, #tpu.memory_space<vmem>>, vector<16xf32>,
          tpu.vector_store %arg12[%parallel_loop3A_178, %parallel_loop3A_179], %parallel_loop3A_177 {strides = array<i32>} : memref<80x144xf32, #tpu.memory_space<vmem>>, vector<16xf32>,
          %parallel_loop3A_181 = arith.index_cast %parallel_loop3A_149 : i32 to index
          %parallel_loop3A_182 = arith.constant 48 : index
          %parallel_loop3A_183 = tpu.vector_load %arg12[%parallel_loop3A_181, %parallel_loop3A_182] {strides = array<i32>} : memref<80x144xf32, #tpu.memory_space<vmem>>, vector<16xf32>,
          %parallel_loop3A_184 = vector.broadcast %parallel_loop3A_172 : f32 to vector<16xf32>
          %parallel_loop3A_185 = arith.mulf %parallel_loop3A_183, %parallel_loop3A_184 : vector<16xf32>
          %parallel_loop3A_186 = arith.index_cast %parallel_loop3A_149 : i32 to index
          %parallel_loop3A_187 = arith.constant 48 : index
          %parallel_loop3A_188 = tpu.vector_load %arg12[%parallel_loop3A_186, %parallel_loop3A_187] {strides = array<i32>} : memref<80x144xf32, #tpu.memory_space<vmem>>, vector<16xf32>,
          tpu.vector_store %arg12[%parallel_loop3A_186, %parallel_loop3A_187], %parallel_loop3A_185 {strides = array<i32>} : memref<80x144xf32, #tpu.memory_space<vmem>>, vector<16xf32>,
          %parallel_loop3A_189 = vector.extract_strided_slice %parallel_loop3A_152 {offsets = [2], sizes = [1], strides = [1]} : vector<16xf32> to vector<1xf32>
          %parallel_loop3A_190 = vector.extract %parallel_loop3A_189[0] : f32 from vector<1xf32>
          %parallel_loop3A_191 = arith.index_cast %parallel_loop3A_149 : i32 to index
          %parallel_loop3A_192 = arith.constant 64 : index
          %parallel_loop3A_193 = tpu.vector_load %arg12[%parallel_loop3A_191, %parallel_loop3A_192] {strides = array<i32>} : memref<80x144xf32, #tpu.memory_space<vmem>>, vector<16xf32>,
          %parallel_loop3A_194 = vector.broadcast %parallel_loop3A_190 : f32 to vector<16xf32>
          %parallel_loop3A_195 = arith.mulf %parallel_loop3A_193, %parallel_loop3A_194 : vector<16xf32>
          %parallel_loop3A_196 = arith.index_cast %parallel_loop3A_149 : i32 to index
          %parallel_loop3A_197 = arith.constant 64 : index
          %parallel_loop3A_198 = tpu.vector_load %arg12[%parallel_loop3A_196, %parallel_loop3A_197] {strides = array<i32>} : memref<80x144xf32, #tpu.memory_space<vmem>>, vector<16xf32>,
          tpu.vector_store %arg12[%parallel_loop3A_196, %parallel_loop3A_197], %parallel_loop3A_195 {strides = array<i32>} : memref<80x144xf32, #tpu.memory_space<vmem>>, vector<16xf32>,
          %parallel_loop3A_199 = arith.index_cast %parallel_loop3A_149 : i32 to index
          %parallel_loop3A_200 = arith.constant 80 : index
          %parallel_loop3A_201 = tpu.vector_load %arg12[%parallel_loop3A_199, %parallel_loop3A_200] {strides = array<i32>} : memref<80x144xf32, #tpu.memory_space<vmem>>, vector<16xf32>,
          %parallel_loop3A_202 = vector.broadcast %parallel_loop3A_190 : f32 to vector<16xf32>
          %parallel_loop3A_203 = arith.mulf %parallel_loop3A_201, %parallel_loop3A_202 : vector<16xf32>
          %parallel_loop3A_204 = arith.index_cast %parallel_loop3A_149 : i32 to index
          %parallel_loop3A_205 = arith.constant 80 : index
          %parallel_loop3A_206 = tpu.vector_load %arg12[%parallel_loop3A_204, %parallel_loop3A_205] {strides = array<i32>} : memref<80x144xf32, #tpu.memory_space<vmem>>, vector<16xf32>,
          tpu.vector_store %arg12[%parallel_loop3A_204, %parallel_loop3A_205], %parallel_loop3A_203 {strides = array<i32>} : memref<80x144xf32, #tpu.memory_space<vmem>>, vector<16xf32>,
          %parallel_loop3A_207 = vector.extract_strided_slice %parallel_loop3A_152 {offsets = [3], sizes = [1], strides = [1]} : vector<16xf32> to vector<1xf32>
          %parallel_loop3A_208 = vector.extract %parallel_loop3A_207[0] : f32 from vector<1xf32>
          %parallel_loop3A_209 = arith.index_cast %parallel_loop3A_149 : i32 to index
          %parallel_loop3A_210 = arith.constant 96 : index
          %parallel_loop3A_211 = tpu.vector_load %arg12[%parallel_loop3A_209, %parallel_loop3A_210] {strides = array<i32>} : memref<80x144xf32, #tpu.memory_space<vmem>>, vector<16xf32>,
          %parallel_loop3A_212 = vector.broadcast %parallel_loop3A_208 : f32 to vector<16xf32>
          %parallel_loop3A_213 = arith.mulf %parallel_loop3A_211, %parallel_loop3A_212 : vector<16xf32>
          %parallel_loop3A_214 = arith.index_cast %parallel_loop3A_149 : i32 to index
          %parallel_loop3A_215 = arith.constant 96 : index
          %parallel_loop3A_216 = tpu.vector_load %arg12[%parallel_loop3A_214, %parallel_loop3A_215] {strides = array<i32>} : memref<80x144xf32, #tpu.memory_space<vmem>>, vector<16xf32>,
          tpu.vector_store %arg12[%parallel_loop3A_214, %parallel_loop3A_215], %parallel_loop3A_213 {strides = array<i32>} : memref<80x144xf32, #tpu.memory_space<vmem>>, vector<16xf32>,
          %parallel_loop3A_217 = arith.index_cast %parallel_loop3A_149 : i32 to index
          %parallel_loop3A_218 = arith.constant 112 : index
          %parallel_loop3A_219 = tpu.vector_load %arg12[%parallel_loop3A_217, %parallel_loop3A_218] {strides = array<i32>} : memref<80x144xf32, #tpu.memory_space<vmem>>, vector<16xf32>,
          %parallel_loop3A_220 = vector.broadcast %parallel_loop3A_208 : f32 to vector<16xf32>
          %parallel_loop3A_221 = arith.mulf %parallel_loop3A_219, %parallel_loop3A_220 : vector<16xf32>
          %parallel_loop3A_222 = arith.index_cast %parallel_loop3A_149 : i32 to index
          %parallel_loop3A_223 = arith.constant 112 : index
          %parallel_loop3A_224 = tpu.vector_load %arg12[%parallel_loop3A_222, %parallel_loop3A_223] {strides = array<i32>} : memref<80x144xf32, #tpu.memory_space<vmem>>, vector<16xf32>,
          tpu.vector_store %arg12[%parallel_loop3A_222, %parallel_loop3A_223], %parallel_loop3A_221 {strides = array<i32>} : memref<80x144xf32, #tpu.memory_space<vmem>>, vector<16xf32>,
        } {sc.loop_unroll_factor = 4 : i64, sc.parallel_access}
        "tpu.region"() ({
          %run_scoped3A_149 = tpu.sem_alloc : memref<!tpu.dma_semaphore, #tpu.memory_space<semaphore_mem>>
          %dma_start3A_150 = arith.constant 0 : i32
          %dma_start3A_151 = tpu.memref_slice %arg8[%add3A_121, %dma_start3A_150] : memref<25x80xi32, #tpu.memory_space<vmem>> -> memref<1x80xi32, #tpu.memory_space<vmem>>
          %dma_start3A_152 = tpu.memref_squeeze %dma_start3A_151 : memref<1x80xi32, #tpu.memory_space<vmem>> -> memref<80xi32, #tpu.memory_space<vmem>>
          %dma_start3A_153 = arith.constant 0 : i32
          %dma_start3A_154 = arith.constant 0 : i32
          %dma_start3A_155 = tpu.memref_slice %arg13[%dma_start3A_153, %dma_start3A_154] : memref<10000x144xf32, #tpu.memory_space<vmem_shared>> -> memref<10000x144xf32, #tpu.memory_space<vmem_shared>>
          tpu.enqueue_indirect_dma source(%arg12 : memref<80x144xf32, #tpu.memory_space<vmem>>) target(%dma_start3A_155 : memref<10000x144xf32, #tpu.memory_space<vmem_shared>>) offsets(%dma_start3A_152 : memref<80xi32, #tpu.memory_space<vmem>>) semaphore(%run_scoped3A_149 : memref<!tpu.dma_semaphore, #tpu.memory_space<semaphore_mem>>) {add = true}
          %dma_wait3A_156 = arith.constant 0 : i32
          %dma_wait3A_157 = tpu.memref_slice %arg8[%add3A_121, %dma_wait3A_156] : memref<25x80xi32, #tpu.memory_space<vmem>> -> memref<1x80xi32, #tpu.memory_space<vmem>>
          %dma_wait3A_158 = tpu.memref_squeeze %dma_wait3A_157 : memref<1x80xi32, #tpu.memory_space<vmem>> -> memref<80xi32, #tpu.memory_space<vmem>>
          %dma_wait3A_159 = arith.constant 0 : i32
          %dma_wait3A_160 = arith.constant 0 : i32
          %dma_wait3A_161 = tpu.memref_slice %arg13[%dma_wait3A_159, %dma_wait3A_160] : memref<10000x144xf32, #tpu.memory_space<vmem_shared>> -> memref<10000x144xf32, #tpu.memory_space<vmem_shared>>
          tpu.wait_indirect_dma semaphore(%run_scoped3A_149 : memref<!tpu.dma_semaphore, #tpu.memory_space<semaphore_mem>>) src(%arg12 : memref<80x144xf32, #tpu.memory_space<vmem>>) dst(%dma_wait3A_161 : memref<10000x144xf32, #tpu.memory_space<vmem_shared>>)
          tpu.yield
        }) : () -> ()
        %add3A_142 = arith.constant 2 : i32
        %add3A_143 = arith.addi %add3A_121, %add3A_142 : i32
        %lt3A_144 = arith.constant 25 : i32
        %lt3A_145 = arith.cmpi slt, %add3A_143, %lt3A_144 : i32
        %convert_element_type3A_146 = arith.extui %lt3A_145 : i1 to i32
        %cond3A_147 = arith.constant 0 : i32
        %cond3A_148 = arith.cmpi ne, %convert_element_type3A_146, %cond3A_147 : i32
        scf.if %cond3A_148 {
          %add3A_149 = arith.constant 2 : i32
          %add3A_150 = arith.addi %add3A_121, %add3A_149 : i32
          %dma_start3A_151 = arith.constant 0 : i32
          %dma_start3A_152 = tpu.memref_slice %arg7[%add3A_150, %dma_start3A_151] : memref<25x80xi32, #tpu.memory_space<vmem>> -> memref<1x80xi32, #tpu.memory_space<vmem>>
          %dma_start3A_153 = tpu.memref_squeeze %dma_start3A_152 : memref<1x80xi32, #tpu.memory_space<vmem>> -> memref<80xi32, #tpu.memory_space<vmem>>
          %dma_start3A_154 = arith.constant 0 : i32
          %dma_start3A_155 = arith.constant 0 : i32
          %dma_start3A_156 = tpu.memref_slice %arg2[%dma_start3A_154, %dma_start3A_155] : memref<10000x144xf32, #tpu.memory_space<hbm>> -> memref<10000x144xf32, #tpu.memory_space<hbm>>
          tpu.enqueue_indirect_dma source(%dma_start3A_156 : memref<10000x144xf32, #tpu.memory_space<hbm>>) target(%arg12 : memref<80x144xf32, #tpu.memory_space<vmem>>) offsets(%dma_start3A_153 : memref<80xi32, #tpu.memory_space<vmem>>) semaphore(%arg15 : memref<!tpu.dma_semaphore, #tpu.memory_space<semaphore_mem>>)
          %dma_start3A_157 = arith.constant 0 : i32
          %dma_start3A_158 = tpu.memref_slice %arg8[%add3A_150, %dma_start3A_157] : memref<25x80xi32, #tpu.memory_space<vmem>> -> memref<1x80xi32, #tpu.memory_space<vmem>>
          %dma_start3A_159 = tpu.memref_squeeze %dma_start3A_158 : memref<1x80xi32, #tpu.memory_space<vmem>> -> memref<80xi32, #tpu.memory_space<vmem>>
          %dma_start3A_160 = arith.constant 0 : i32
          %dma_start3A_161 = arith.constant 0 : i32
          %dma_start3A_162 = tpu.memref_slice %arg3[%dma_start3A_160, %dma_start3A_161] : memref<10000x16xf32, #tpu.memory_space<hbm>> -> memref<10000x16xf32, #tpu.memory_space<hbm>>
          tpu.enqueue_indirect_dma source(%dma_start3A_162 : memref<10000x16xf32, #tpu.memory_space<hbm>>) target(%arg10 : memref<80x16xf32, #tpu.memory_space<vmem>>) offsets(%dma_start3A_159 : memref<80xi32, #tpu.memory_space<vmem>>) semaphore(%arg17 : memref<!tpu.dma_semaphore, #tpu.memory_space<semaphore_mem>>)
        } else {
        }
      }
      %scan3A_70 = arith.constant 12 : i32
      %dma_wait3A = arith.constant 0 : i32
      %dma_wait3A_71 = arith.constant 0 : i32
      %dma_wait3A_72 = tpu.memref_slice %arg7[%dma_wait3A, %dma_wait3A_71] : memref<25x80xi32, #tpu.memory_space<vmem>> -> memref<1x80xi32, #tpu.memory_space<vmem>>
      %dma_wait3A_73 = tpu.memref_squeeze %dma_wait3A_72 : memref<1x80xi32, #tpu.memory_space<vmem>> -> memref<80xi32, #tpu.memory_space<vmem>>
      %dma_wait3A_74 = arith.constant 0 : i32
      %dma_wait3A_75 = arith.constant 0 : i32
      %dma_wait3A_76 = tpu.memref_slice %arg2[%dma_wait3A_74, %dma_wait3A_75] : memref<10000x144xf32, #tpu.memory_space<hbm>> -> memref<10000x144xf32, #tpu.memory_space<hbm>>
      tpu.wait_indirect_dma semaphore(%arg14 : memref<!tpu.dma_semaphore, #tpu.memory_space<semaphore_mem>>) src(%dma_wait3A_76 : memref<10000x144xf32, #tpu.memory_space<hbm>>) dst(%arg11 : memref<80x144xf32, #tpu.memory_space<vmem>>)
      %dma_wait3A_77 = arith.constant 0 : i32
      %dma_wait3A_78 = arith.constant 0 : i32
      %dma_wait3A_79 = tpu.memref_slice %arg8[%dma_wait3A_77, %dma_wait3A_78] : memref<25x80xi32, #tpu.memory_space<vmem>> -> memref<1x80xi32, #tpu.memory_space<vmem>>
      %dma_wait3A_80 = tpu.memref_squeeze %dma_wait3A_79 : memref<1x80xi32, #tpu.memory_space<vmem>> -> memref<80xi32, #tpu.memory_space<vmem>>
      %dma_wait3A_81 = arith.constant 0 : i32
      %dma_wait3A_82 = arith.constant 0 : i32
      %dma_wait3A_83 = tpu.memref_slice %arg3[%dma_wait3A_81, %dma_wait3A_82] : memref<10000x16xf32, #tpu.memory_space<hbm>> -> memref<10000x16xf32, #tpu.memory_space<hbm>>
      tpu.wait_indirect_dma semaphore(%arg16 : memref<!tpu.dma_semaphore, #tpu.memory_space<semaphore_mem>>) src(%dma_wait3A_83 : memref<10000x16xf32, #tpu.memory_space<hbm>>) dst(%arg9 : memref<80x16xf32, #tpu.memory_space<vmem>>)
      %parallel_loop3A = arith.constant 0 : i32
      %parallel_loop3A_84 = arith.constant 5 : i32
      %parallel_loop3A_85 = arith.constant 1 : i32
      scf.for %parallel_loop3A_89 = %parallel_loop3A to %parallel_loop3A_84 step %parallel_loop3A_85  : i32 {
        %parallel_loop3A_90 = arith.constant 16 : i32
        %parallel_loop3A_91 = arith.muli %parallel_loop3A_89, %parallel_loop3A_90 : i32
        %parallel_loop3A_92 = vector.broadcast %parallel_loop3A_91 : i32 to vector<16xi32>
        %parallel_loop3A_93 = arith.addi %iota3A, %parallel_loop3A_92 : vector<16xi32>
        %parallel_loop3A_94 = arith.constant 128 : i32
        %parallel_loop3A_95 = vector.broadcast %parallel_loop3A_94 : i32 to vector<16xi32>
        %parallel_loop3A_96 = tpu.vector_load_idx %arg11[%parallel_loop3A_93, %parallel_loop3A_95] : memref<80x144xf32, #tpu.memory_space<vmem>>[vector<16xi32>, vector<16xi32>], vector<16xf32>,
        %parallel_loop3A_97 = arith.constant 0 : i32
        %parallel_loop3A_98 = vector.broadcast %parallel_loop3A_97 : i32 to vector<16xi32>
        %parallel_loop3A_99 = tpu.vector_load_idx %arg9[%parallel_loop3A_93, %parallel_loop3A_98] : memref<80x16xf32, #tpu.memory_space<vmem>>[vector<16xi32>, vector<16xi32>], vector<16xf32>,
        %parallel_loop3A_100 = arith.addf %parallel_loop3A_96, %parallel_loop3A_99 : vector<16xf32>
        %parallel_loop3A_101 = arith.constant 0.000000e+00 : f32
        %parallel_loop3A_102 = vector.broadcast %parallel_loop3A_101 : f32 to vector<16xf32>
        %parallel_loop3A_103 = arith.cmpf ogt, %parallel_loop3A_100, %parallel_loop3A_102 : vector<16xf32>
        %parallel_loop3A_104 = arith.constant 2.000000e-01 : f32
        %parallel_loop3A_105 = vector.broadcast %parallel_loop3A_104 : f32 to vector<16xf32>
        %parallel_loop3A_106 = arith.mulf %parallel_loop3A_105, %parallel_loop3A_100 : vector<16xf32>
        %parallel_loop3A_107 = arith.select %parallel_loop3A_103, %parallel_loop3A_100, %parallel_loop3A_106 : vector<16xi1>, vector<16xf32>
        %parallel_loop3A_108 = math.exp %parallel_loop3A_107 : vector<16xf32>
        tpu.vector_store_idx %arg11[%parallel_loop3A_93, %parallel_loop3A_95], %parallel_loop3A_108 : memref<80x144xf32, #tpu.memory_space<vmem>>[vector<16xi32>, vector<16xi32>], vector<16xf32>,
        %parallel_loop3A_109 = arith.constant 129 : i32
        %parallel_loop3A_110 = vector.broadcast %parallel_loop3A_109 : i32 to vector<16xi32>
        %parallel_loop3A_111 = tpu.vector_load_idx %arg11[%parallel_loop3A_93, %parallel_loop3A_110] : memref<80x144xf32, #tpu.memory_space<vmem>>[vector<16xi32>, vector<16xi32>], vector<16xf32>,
        %parallel_loop3A_112 = arith.constant 1 : i32
        %parallel_loop3A_113 = vector.broadcast %parallel_loop3A_112 : i32 to vector<16xi32>
        %parallel_loop3A_114 = tpu.vector_load_idx %arg9[%parallel_loop3A_93, %parallel_loop3A_113] : memref<80x16xf32, #tpu.memory_space<vmem>>[vector<16xi32>, vector<16xi32>], vector<16xf32>,
        %parallel_loop3A_115 = arith.addf %parallel_loop3A_111, %parallel_loop3A_114 : vector<16xf32>
        %parallel_loop3A_116 = arith.constant 0.000000e+00 : f32
        %parallel_loop3A_117 = vector.broadcast %parallel_loop3A_116 : f32 to vector<16xf32>
        %parallel_loop3A_118 = arith.cmpf ogt, %parallel_loop3A_115, %parallel_loop3A_117 : vector<16xf32>
        %parallel_loop3A_119 = arith.constant 2.000000e-01 : f32
        %parallel_loop3A_120 = vector.broadcast %parallel_loop3A_119 : f32 to vector<16xf32>
        %parallel_loop3A_121 = arith.mulf %parallel_loop3A_120, %parallel_loop3A_115 : vector<16xf32>
        %parallel_loop3A_122 = arith.select %parallel_loop3A_118, %parallel_loop3A_115, %parallel_loop3A_121 : vector<16xi1>, vector<16xf32>
        %parallel_loop3A_123 = math.exp %parallel_loop3A_122 : vector<16xf32>
        tpu.vector_store_idx %arg11[%parallel_loop3A_93, %parallel_loop3A_110], %parallel_loop3A_123 : memref<80x144xf32, #tpu.memory_space<vmem>>[vector<16xi32>, vector<16xi32>], vector<16xf32>,
        %parallel_loop3A_124 = arith.constant 130 : i32
        %parallel_loop3A_125 = vector.broadcast %parallel_loop3A_124 : i32 to vector<16xi32>
        %parallel_loop3A_126 = tpu.vector_load_idx %arg11[%parallel_loop3A_93, %parallel_loop3A_125] : memref<80x144xf32, #tpu.memory_space<vmem>>[vector<16xi32>, vector<16xi32>], vector<16xf32>,
        %parallel_loop3A_127 = arith.constant 2 : i32
        %parallel_loop3A_128 = vector.broadcast %parallel_loop3A_127 : i32 to vector<16xi32>
        %parallel_loop3A_129 = tpu.vector_load_idx %arg9[%parallel_loop3A_93, %parallel_loop3A_128] : memref<80x16xf32, #tpu.memory_space<vmem>>[vector<16xi32>, vector<16xi32>], vector<16xf32>,
        %parallel_loop3A_130 = arith.addf %parallel_loop3A_126, %parallel_loop3A_129 : vector<16xf32>
        %parallel_loop3A_131 = arith.constant 0.000000e+00 : f32
        %parallel_loop3A_132 = vector.broadcast %parallel_loop3A_131 : f32 to vector<16xf32>
        %parallel_loop3A_133 = arith.cmpf ogt, %parallel_loop3A_130, %parallel_loop3A_132 : vector<16xf32>
        %parallel_loop3A_134 = arith.constant 2.000000e-01 : f32
        %parallel_loop3A_135 = vector.broadcast %parallel_loop3A_134 : f32 to vector<16xf32>
        %parallel_loop3A_136 = arith.mulf %parallel_loop3A_135, %parallel_loop3A_130 : vector<16xf32>
        %parallel_loop3A_137 = arith.select %parallel_loop3A_133, %parallel_loop3A_130, %parallel_loop3A_136 : vector<16xi1>, vector<16xf32>
        %parallel_loop3A_138 = math.exp %parallel_loop3A_137 : vector<16xf32>
        tpu.vector_store_idx %arg11[%parallel_loop3A_93, %parallel_loop3A_125], %parallel_loop3A_138 : memref<80x144xf32, #tpu.memory_space<vmem>>[vector<16xi32>, vector<16xi32>], vector<16xf32>,
        %parallel_loop3A_139 = arith.constant 131 : i32
        %parallel_loop3A_140 = vector.broadcast %parallel_loop3A_139 : i32 to vector<16xi32>
        %parallel_loop3A_141 = tpu.vector_load_idx %arg11[%parallel_loop3A_93, %parallel_loop3A_140] : memref<80x144xf32, #tpu.memory_space<vmem>>[vector<16xi32>, vector<16xi32>], vector<16xf32>,
        %parallel_loop3A_142 = arith.constant 3 : i32
        %parallel_loop3A_143 = vector.broadcast %parallel_loop3A_142 : i32 to vector<16xi32>
        %parallel_loop3A_144 = tpu.vector_load_idx %arg9[%parallel_loop3A_93, %parallel_loop3A_143] : memref<80x16xf32, #tpu.memory_space<vmem>>[vector<16xi32>, vector<16xi32>], vector<16xf32>,
        %parallel_loop3A_145 = arith.addf %parallel_loop3A_141, %parallel_loop3A_144 : vector<16xf32>
        %parallel_loop3A_146 = arith.constant 0.000000e+00 : f32
        %parallel_loop3A_147 = vector.broadcast %parallel_loop3A_146 : f32 to vector<16xf32>
        %parallel_loop3A_148 = arith.cmpf ogt, %parallel_loop3A_145, %parallel_loop3A_147 : vector<16xf32>
        %parallel_loop3A_149 = arith.constant 2.000000e-01 : f32
        %parallel_loop3A_150 = vector.broadcast %parallel_loop3A_149 : f32 to vector<16xf32>
        %parallel_loop3A_151 = arith.mulf %parallel_loop3A_150, %parallel_loop3A_145 : vector<16xf32>
        %parallel_loop3A_152 = arith.select %parallel_loop3A_148, %parallel_loop3A_145, %parallel_loop3A_151 : vector<16xi1>, vector<16xf32>
        %parallel_loop3A_153 = math.exp %parallel_loop3A_152 : vector<16xf32>
        tpu.vector_store_idx %arg11[%parallel_loop3A_93, %parallel_loop3A_140], %parallel_loop3A_153 : memref<80x144xf32, #tpu.memory_space<vmem>>[vector<16xi32>, vector<16xi32>], vector<16xf32>,
      } {sc.loop_unroll_factor = 5 : i64, sc.parallel_access}
      %parallel_loop3A_86 = arith.constant 0 : i32
      %parallel_loop3A_87 = arith.constant 80 : i32
      %parallel_loop3A_88 = arith.constant 1 : i32
      scf.for %parallel_loop3A_89 = %parallel_loop3A_86 to %parallel_loop3A_87 step %parallel_loop3A_88  : i32 {
        %parallel_loop3A_90 = arith.index_cast %parallel_loop3A_89 : i32 to index
        %parallel_loop3A_91 = arith.constant 128 : index
        %parallel_loop3A_92 = tpu.vector_load %arg11[%parallel_loop3A_90, %parallel_loop3A_91] {strides = array<i32>} : memref<80x144xf32, #tpu.memory_space<vmem>>, vector<16xf32>,
        %parallel_loop3A_93 = vector.extract_strided_slice %parallel_loop3A_92 {offsets = [0], sizes = [1], strides = [1]} : vector<16xf32> to vector<1xf32>
        %parallel_loop3A_94 = vector.extract %parallel_loop3A_93[0] : f32 from vector<1xf32>
        %parallel_loop3A_95 = arith.index_cast %parallel_loop3A_89 : i32 to index
        %parallel_loop3A_96 = arith.constant 0 : index
        %parallel_loop3A_97 = tpu.vector_load %arg11[%parallel_loop3A_95, %parallel_loop3A_96] {strides = array<i32>} : memref<80x144xf32, #tpu.memory_space<vmem>>, vector<16xf32>,
        %parallel_loop3A_98 = vector.broadcast %parallel_loop3A_94 : f32 to vector<16xf32>
        %parallel_loop3A_99 = arith.mulf %parallel_loop3A_97, %parallel_loop3A_98 : vector<16xf32>
        %parallel_loop3A_100 = arith.index_cast %parallel_loop3A_89 : i32 to index
        %parallel_loop3A_101 = arith.constant 0 : index
        %parallel_loop3A_102 = tpu.vector_load %arg11[%parallel_loop3A_100, %parallel_loop3A_101] {strides = array<i32>} : memref<80x144xf32, #tpu.memory_space<vmem>>, vector<16xf32>,
        tpu.vector_store %arg11[%parallel_loop3A_100, %parallel_loop3A_101], %parallel_loop3A_99 {strides = array<i32>} : memref<80x144xf32, #tpu.memory_space<vmem>>, vector<16xf32>,
        %parallel_loop3A_103 = arith.index_cast %parallel_loop3A_89 : i32 to index
        %parallel_loop3A_104 = arith.constant 16 : index
        %parallel_loop3A_105 = tpu.vector_load %arg11[%parallel_loop3A_103, %parallel_loop3A_104] {strides = array<i32>} : memref<80x144xf32, #tpu.memory_space<vmem>>, vector<16xf32>,
        %parallel_loop3A_106 = vector.broadcast %parallel_loop3A_94 : f32 to vector<16xf32>
        %parallel_loop3A_107 = arith.mulf %parallel_loop3A_105, %parallel_loop3A_106 : vector<16xf32>
        %parallel_loop3A_108 = arith.index_cast %parallel_loop3A_89 : i32 to index
        %parallel_loop3A_109 = arith.constant 16 : index
        %parallel_loop3A_110 = tpu.vector_load %arg11[%parallel_loop3A_108, %parallel_loop3A_109] {strides = array<i32>} : memref<80x144xf32, #tpu.memory_space<vmem>>, vector<16xf32>,
        tpu.vector_store %arg11[%parallel_loop3A_108, %parallel_loop3A_109], %parallel_loop3A_107 {strides = array<i32>} : memref<80x144xf32, #tpu.memory_space<vmem>>, vector<16xf32>,
        %parallel_loop3A_111 = vector.extract_strided_slice %parallel_loop3A_92 {offsets = [1], sizes = [1], strides = [1]} : vector<16xf32> to vector<1xf32>
        %parallel_loop3A_112 = vector.extract %parallel_loop3A_111[0] : f32 from vector<1xf32>
        %parallel_loop3A_113 = arith.index_cast %parallel_loop3A_89 : i32 to index
        %parallel_loop3A_114 = arith.constant 32 : index
        %parallel_loop3A_115 = tpu.vector_load %arg11[%parallel_loop3A_113, %parallel_loop3A_114] {strides = array<i32>} : memref<80x144xf32, #tpu.memory_space<vmem>>, vector<16xf32>,
        %parallel_loop3A_116 = vector.broadcast %parallel_loop3A_112 : f32 to vector<16xf32>
        %parallel_loop3A_117 = arith.mulf %parallel_loop3A_115, %parallel_loop3A_116 : vector<16xf32>
        %parallel_loop3A_118 = arith.index_cast %parallel_loop3A_89 : i32 to index
        %parallel_loop3A_119 = arith.constant 32 : index
        %parallel_loop3A_120 = tpu.vector_load %arg11[%parallel_loop3A_118, %parallel_loop3A_119] {strides = array<i32>} : memref<80x144xf32, #tpu.memory_space<vmem>>, vector<16xf32>,
        tpu.vector_store %arg11[%parallel_loop3A_118, %parallel_loop3A_119], %parallel_loop3A_117 {strides = array<i32>} : memref<80x144xf32, #tpu.memory_space<vmem>>, vector<16xf32>,
        %parallel_loop3A_121 = arith.index_cast %parallel_loop3A_89 : i32 to index
        %parallel_loop3A_122 = arith.constant 48 : index
        %parallel_loop3A_123 = tpu.vector_load %arg11[%parallel_loop3A_121, %parallel_loop3A_122] {strides = array<i32>} : memref<80x144xf32, #tpu.memory_space<vmem>>, vector<16xf32>,
        %parallel_loop3A_124 = vector.broadcast %parallel_loop3A_112 : f32 to vector<16xf32>
        %parallel_loop3A_125 = arith.mulf %parallel_loop3A_123, %parallel_loop3A_124 : vector<16xf32>
        %parallel_loop3A_126 = arith.index_cast %parallel_loop3A_89 : i32 to index
        %parallel_loop3A_127 = arith.constant 48 : index
        %parallel_loop3A_128 = tpu.vector_load %arg11[%parallel_loop3A_126, %parallel_loop3A_127] {strides = array<i32>} : memref<80x144xf32, #tpu.memory_space<vmem>>, vector<16xf32>,
        tpu.vector_store %arg11[%parallel_loop3A_126, %parallel_loop3A_127], %parallel_loop3A_125 {strides = array<i32>} : memref<80x144xf32, #tpu.memory_space<vmem>>, vector<16xf32>,
        %parallel_loop3A_129 = vector.extract_strided_slice %parallel_loop3A_92 {offsets = [2], sizes = [1], strides = [1]} : vector<16xf32> to vector<1xf32>
        %parallel_loop3A_130 = vector.extract %parallel_loop3A_129[0] : f32 from vector<1xf32>
        %parallel_loop3A_131 = arith.index_cast %parallel_loop3A_89 : i32 to index
        %parallel_loop3A_132 = arith.constant 64 : index
        %parallel_loop3A_133 = tpu.vector_load %arg11[%parallel_loop3A_131, %parallel_loop3A_132] {strides = array<i32>} : memref<80x144xf32, #tpu.memory_space<vmem>>, vector<16xf32>,
        %parallel_loop3A_134 = vector.broadcast %parallel_loop3A_130 : f32 to vector<16xf32>
        %parallel_loop3A_135 = arith.mulf %parallel_loop3A_133, %parallel_loop3A_134 : vector<16xf32>
        %parallel_loop3A_136 = arith.index_cast %parallel_loop3A_89 : i32 to index
        %parallel_loop3A_137 = arith.constant 64 : index
        %parallel_loop3A_138 = tpu.vector_load %arg11[%parallel_loop3A_136, %parallel_loop3A_137] {strides = array<i32>} : memref<80x144xf32, #tpu.memory_space<vmem>>, vector<16xf32>,
        tpu.vector_store %arg11[%parallel_loop3A_136, %parallel_loop3A_137], %parallel_loop3A_135 {strides = array<i32>} : memref<80x144xf32, #tpu.memory_space<vmem>>, vector<16xf32>,
        %parallel_loop3A_139 = arith.index_cast %parallel_loop3A_89 : i32 to index
        %parallel_loop3A_140 = arith.constant 80 : index
        %parallel_loop3A_141 = tpu.vector_load %arg11[%parallel_loop3A_139, %parallel_loop3A_140] {strides = array<i32>} : memref<80x144xf32, #tpu.memory_space<vmem>>, vector<16xf32>,
        %parallel_loop3A_142 = vector.broadcast %parallel_loop3A_130 : f32 to vector<16xf32>
        %parallel_loop3A_143 = arith.mulf %parallel_loop3A_141, %parallel_loop3A_142 : vector<16xf32>
        %parallel_loop3A_144 = arith.index_cast %parallel_loop3A_89 : i32 to index
        %parallel_loop3A_145 = arith.constant 80 : index
        %parallel_loop3A_146 = tpu.vector_load %arg11[%parallel_loop3A_144, %parallel_loop3A_145] {strides = array<i32>} : memref<80x144xf32, #tpu.memory_space<vmem>>, vector<16xf32>,
        tpu.vector_store %arg11[%parallel_loop3A_144, %parallel_loop3A_145], %parallel_loop3A_143 {strides = array<i32>} : memref<80x144xf32, #tpu.memory_space<vmem>>, vector<16xf32>,
        %parallel_loop3A_147 = vector.extract_strided_slice %parallel_loop3A_92 {offsets = [3], sizes = [1], strides = [1]} : vector<16xf32> to vector<1xf32>
        %parallel_loop3A_148 = vector.extract %parallel_loop3A_147[0] : f32 from vector<1xf32>
        %parallel_loop3A_149 = arith.index_cast %parallel_loop3A_89 : i32 to index
        %parallel_loop3A_150 = arith.constant 96 : index
        %parallel_loop3A_151 = tpu.vector_load %arg11[%parallel_loop3A_149, %parallel_loop3A_150] {strides = array<i32>} : memref<80x144xf32, #tpu.memory_space<vmem>>, vector<16xf32>,
        %parallel_loop3A_152 = vector.broadcast %parallel_loop3A_148 : f32 to vector<16xf32>
        %parallel_loop3A_153 = arith.mulf %parallel_loop3A_151, %parallel_loop3A_152 : vector<16xf32>
        %parallel_loop3A_154 = arith.index_cast %parallel_loop3A_89 : i32 to index
        %parallel_loop3A_155 = arith.constant 96 : index
        %parallel_loop3A_156 = tpu.vector_load %arg11[%parallel_loop3A_154, %parallel_loop3A_155] {strides = array<i32>} : memref<80x144xf32, #tpu.memory_space<vmem>>, vector<16xf32>,
        tpu.vector_store %arg11[%parallel_loop3A_154, %parallel_loop3A_155], %parallel_loop3A_153 {strides = array<i32>} : memref<80x144xf32, #tpu.memory_space<vmem>>, vector<16xf32>,
        %parallel_loop3A_157 = arith.index_cast %parallel_loop3A_89 : i32 to index
        %parallel_loop3A_158 = arith.constant 112 : index
        %parallel_loop3A_159 = tpu.vector_load %arg11[%parallel_loop3A_157, %parallel_loop3A_158] {strides = array<i32>} : memref<80x144xf32, #tpu.memory_space<vmem>>, vector<16xf32>,
        %parallel_loop3A_160 = vector.broadcast %parallel_loop3A_148 : f32 to vector<16xf32>
        %parallel_loop3A_161 = arith.mulf %parallel_loop3A_159, %parallel_loop3A_160 : vector<16xf32>
        %parallel_loop3A_162 = arith.index_cast %parallel_loop3A_89 : i32 to index
        %parallel_loop3A_163 = arith.constant 112 : index
        %parallel_loop3A_164 = tpu.vector_load %arg11[%parallel_loop3A_162, %parallel_loop3A_163] {strides = array<i32>} : memref<80x144xf32, #tpu.memory_space<vmem>>, vector<16xf32>,
        tpu.vector_store %arg11[%parallel_loop3A_162, %parallel_loop3A_163], %parallel_loop3A_161 {strides = array<i32>} : memref<80x144xf32, #tpu.memory_space<vmem>>, vector<16xf32>,
      } {sc.loop_unroll_factor = 4 : i64, sc.parallel_access}
      %run_scoped3A = arith.constant 24 : i32
      "tpu.region"() ({
        %run_scoped3A_89 = tpu.sem_alloc : memref<!tpu.dma_semaphore, #tpu.memory_space<semaphore_mem>>
        %dma_start3A_90 = arith.constant 0 : i32
        %dma_start3A_91 = tpu.memref_slice %arg8[%run_scoped3A, %dma_start3A_90] : memref<25x80xi32, #tpu.memory_space<vmem>> -> memref<1x80xi32, #tpu.memory_space<vmem>>
        %dma_start3A_92 = tpu.memref_squeeze %dma_start3A_91 : memref<1x80xi32, #tpu.memory_space<vmem>> -> memref<80xi32, #tpu.memory_space<vmem>>
        %dma_start3A_93 = arith.constant 0 : i32
        %dma_start3A_94 = arith.constant 0 : i32
        %dma_start3A_95 = tpu.memref_slice %arg13[%dma_start3A_93, %dma_start3A_94] : memref<10000x144xf32, #tpu.memory_space<vmem_shared>> -> memref<10000x144xf32, #tpu.memory_space<vmem_shared>>
        tpu.enqueue_indirect_dma source(%arg11 : memref<80x144xf32, #tpu.memory_space<vmem>>) target(%dma_start3A_95 : memref<10000x144xf32, #tpu.memory_space<vmem_shared>>) offsets(%dma_start3A_92 : memref<80xi32, #tpu.memory_space<vmem>>) semaphore(%run_scoped3A_89 : memref<!tpu.dma_semaphore, #tpu.memory_space<semaphore_mem>>) {add = true}
        %dma_wait3A_96 = arith.constant 0 : i32
        %dma_wait3A_97 = tpu.memref_slice %arg8[%run_scoped3A, %dma_wait3A_96] : memref<25x80xi32, #tpu.memory_space<vmem>> -> memref<1x80xi32, #tpu.memory_space<vmem>>
        %dma_wait3A_98 = tpu.memref_squeeze %dma_wait3A_97 : memref<1x80xi32, #tpu.memory_space<vmem>> -> memref<80xi32, #tpu.memory_space<vmem>>
        %dma_wait3A_99 = arith.constant 0 : i32
        %dma_wait3A_100 = arith.constant 0 : i32
        %dma_wait3A_101 = tpu.memref_slice %arg13[%dma_wait3A_99, %dma_wait3A_100] : memref<10000x144xf32, #tpu.memory_space<vmem_shared>> -> memref<10000x144xf32, #tpu.memory_space<vmem_shared>>
        tpu.wait_indirect_dma semaphore(%run_scoped3A_89 : memref<!tpu.dma_semaphore, #tpu.memory_space<semaphore_mem>>) src(%arg11 : memref<80x144xf32, #tpu.memory_space<vmem>>) dst(%dma_wait3A_101 : memref<10000x144xf32, #tpu.memory_space<vmem_shared>>)
        tpu.yield
      }) : () -> ()
    }
    %scan3A_31 = arith.constant 5 : i32
    %barrier3A_32 = arith.constant 0 : index
    tpu.barrier barrier_id(%barrier3A_32)
    "tpu.region"() ({
      %run_scoped3A = tpu.sem_alloc : memref<!tpu.dma_semaphore, #tpu.memory_space<semaphore_mem>>
      %dma_start3A = arith.constant 0 : i32
      %dma_start3A_33 = tpu.memref_slice %arg6[%arg0, %mul3A_8, %dma_start3A] : memref<2x10000x144xf32, #tpu.memory_space<hbm>> -> memref<1x625x144xf32, #tpu.memory_space<hbm>>
      %dma_start3A_34 = tpu.memref_squeeze %dma_start3A_33 : memref<1x625x144xf32, #tpu.memory_space<hbm>> -> memref<625x144xf32, #tpu.memory_space<hbm>>
      %dma_start3A_35 = arith.constant 0 : i32
      %dma_start3A_36 = tpu.memref_slice %arg13[%mul3A_8, %dma_start3A_35] : memref<10000x144xf32, #tpu.memory_space<vmem_shared>> -> memref<625x144xf32, #tpu.memory_space<vmem_shared>>
      tpu.enqueue_dma source(%dma_start3A_36 : memref<625x144xf32, #tpu.memory_space<vmem_shared>>) target(%dma_start3A_34 : memref<625x144xf32, #tpu.memory_space<hbm>>) target_semaphore(%run_scoped3A : memref<!tpu.dma_semaphore, #tpu.memory_space<semaphore_mem>>)
      %dma_wait3A = arith.constant 0 : i32
      %dma_wait3A_37 = tpu.memref_slice %arg6[%arg0, %mul3A_8, %dma_wait3A] : memref<2x10000x144xf32, #tpu.memory_space<hbm>> -> memref<1x625x144xf32, #tpu.memory_space<hbm>>
      %dma_wait3A_38 = tpu.memref_squeeze %dma_wait3A_37 : memref<1x625x144xf32, #tpu.memory_space<hbm>> -> memref<625x144xf32, #tpu.memory_space<hbm>>
      %dma_wait3A_39 = arith.constant 0 : i32
      %dma_wait3A_40 = tpu.memref_slice %arg13[%mul3A_8, %dma_wait3A_39] : memref<10000x144xf32, #tpu.memory_space<vmem_shared>> -> memref<625x144xf32, #tpu.memory_space<vmem_shared>>
      tpu.wait_dma2 semaphore(%run_scoped3A : memref<!tpu.dma_semaphore, #tpu.memory_space<semaphore_mem>>) src(%dma_wait3A_40 : memref<625x144xf32, #tpu.memory_space<vmem_shared>>) dst(%dma_wait3A_38 : memref<625x144xf32, #tpu.memory_space<hbm>>)
      tpu.yield
    }) : () -> ()
    return
  }
}

module attributes {stable_mosaic.version = 14 : i64} {
  func.func @_proj_body(%arg0: i32, %arg1: memref<400x128xf32, #tpu.memory_space<vmem>>, %arg2: memref<128x128xf32, #tpu.memory_space<vmem>>, %arg3: memref<128x16xf32, #tpu.memory_space<vmem>>, %arg4: memref<128x16xf32, #tpu.memory_space<vmem>>, %arg5: memref<400x144xf32, #tpu.memory_space<vmem>>, %arg6: memref<400x16xf32, #tpu.memory_space<vmem>>) attributes {dimension_semantics = [#tpu.dimension_semantics<arbitrary>], iteration_bounds = array<i64: 25>, scalar_prefetch = 0 : i64, scratch_operands = 0 : i64, tpu.core_type = #tpu.core_type<tc>, window_params = [{transform_indices = @transform_0, window_bounds = array<i64: 400, 128>}, {pipeline_mode = #tpu.pipeline_mode<synchronous>, transform_indices = @transform_1, window_bounds = array<i64: 128, 128>}, {pipeline_mode = #tpu.pipeline_mode<synchronous>, transform_indices = @transform_2, window_bounds = array<i64: 128, 16>}, {pipeline_mode = #tpu.pipeline_mode<synchronous>, transform_indices = @transform_3, window_bounds = array<i64: 128, 16>}, {transform_indices = @transform_4, window_bounds = array<i64: 400, 144>}, {transform_indices = @transform_5, window_bounds = array<i64: 400, 16>}]} {
    %get3A = arith.constant 0 : index
    %get3A_0 = arith.constant 0 : index
    %get3A_1 = vector.load %arg1[%get3A, %get3A_0] : memref<400x128xf32, #tpu.memory_space<vmem>>, vector<400x128xf32>
    %get3A_2 = arith.constant 0 : index
    %get3A_3 = arith.constant 0 : index
    %get3A_4 = vector.load %arg2[%get3A_2, %get3A_3] : memref<128x128xf32, #tpu.memory_space<vmem>>, vector<128x128xf32>
    %dot_general3A = arith.constant dense<0.000000e+00> : vector<400x128xf32>
    %dot_general3A_5 = tpu.matmul %get3A_1, %get3A_4, %dot_general3A {dimension_numbers = #tpu.dot_dimension_numbers<[1], [0], [0], [1], [0, 0, 1, 1], [], []>, precision = #tpu.contract_precision<fp32>, transpose_lhs_hint = false} : vector<400x128xf32>, vector<128x128xf32>, vector<400x128xf32> -> vector<400x128xf32>
    %get3A_6 = arith.constant 0 : index
    %get3A_7 = arith.constant 0 : index
    %get3A_8 = vector.load %arg3[%get3A_6, %get3A_7] : memref<128x16xf32, #tpu.memory_space<vmem>>, vector<128x16xf32>
    %dot_general3A_9 = arith.constant dense<0.000000e+00> : vector<400x16xf32>
    %dot_general3A_10 = tpu.matmul %dot_general3A_5, %get3A_8, %dot_general3A_9 {dimension_numbers = #tpu.dot_dimension_numbers<[1], [0], [0], [1], [0, 0, 1, 1], [], []>, precision = #tpu.contract_precision<fp32>, transpose_lhs_hint = false} : vector<400x128xf32>, vector<128x16xf32>, vector<400x16xf32> -> vector<400x16xf32>
    %concatenate3A = tpu.concatenate %dot_general3A_5, %dot_general3A_10 in 1 : vector<400x128xf32>, vector<400x16xf32> -> vector<400x144xf32>
    %swap3A = arith.constant 0 : index
    %swap3A_11 = arith.constant 0 : index
    %swap3A_12 = vector.load %arg5[%swap3A, %swap3A_11] : memref<400x144xf32, #tpu.memory_space<vmem>>, vector<400x144xf32>
    tpu.vector_store %arg5[%swap3A, %swap3A_11], %concatenate3A {strides = array<i32>} : memref<400x144xf32, #tpu.memory_space<vmem>>, vector<400x144xf32>,
    %get3A_13 = arith.constant 0 : index
    %get3A_14 = arith.constant 0 : index
    %get3A_15 = vector.load %arg4[%get3A_13, %get3A_14] : memref<128x16xf32, #tpu.memory_space<vmem>>, vector<128x16xf32>
    %dot_general3A_16 = arith.constant dense<0.000000e+00> : vector<400x16xf32>
    %dot_general3A_17 = tpu.matmul %dot_general3A_5, %get3A_15, %dot_general3A_16 {dimension_numbers = #tpu.dot_dimension_numbers<[1], [0], [0], [1], [0, 0, 1, 1], [], []>, precision = #tpu.contract_precision<fp32>, transpose_lhs_hint = false} : vector<400x128xf32>, vector<128x16xf32>, vector<400x16xf32> -> vector<400x16xf32>
    %swap3A_18 = arith.constant 0 : index
    %swap3A_19 = arith.constant 0 : index
    %swap3A_20 = vector.load %arg6[%swap3A_18, %swap3A_19] : memref<400x16xf32, #tpu.memory_space<vmem>>, vector<400x16xf32>
    tpu.vector_store %arg6[%swap3A_18, %swap3A_19], %dot_general3A_17 {strides = array<i32>} : memref<400x16xf32, #tpu.memory_space<vmem>>, vector<400x16xf32>,
    return
  }
  func.func @transform_0(%arg0: i32) -> (i32, i32) {
    %c0_i32 = arith.constant 0 : i32
    %c0_i32_0 = arith.constant 0 : i32
    return %arg0, %c0_i32 : i32, i32
  }
  func.func @transform_1(%arg0: i32) -> (i32, i32) {
    %c0_i32 = arith.constant 0 : i32
    %c0_i32_0 = arith.constant 0 : i32
    %c0_i32_1 = arith.constant 0 : i32
    return %c0_i32, %c0_i32_0 : i32, i32
  }
  func.func @transform_2(%arg0: i32) -> (i32, i32) {
    %c0_i32 = arith.constant 0 : i32
    %c0_i32_0 = arith.constant 0 : i32
    %c0_i32_1 = arith.constant 0 : i32
    return %c0_i32, %c0_i32_0 : i32, i32
  }
  func.func @transform_3(%arg0: i32) -> (i32, i32) {
    %c0_i32 = arith.constant 0 : i32
    %c0_i32_0 = arith.constant 0 : i32
    %c0_i32_1 = arith.constant 0 : i32
    return %c0_i32, %c0_i32_0 : i32, i32
  }
  func.func @transform_4(%arg0: i32) -> (i32, i32) {
    %c0_i32 = arith.constant 0 : i32
    %c0_i32_0 = arith.constant 0 : i32
    return %arg0, %c0_i32 : i32, i32
  }
  func.func @transform_5(%arg0: i32) -> (i32, i32) {
    %c0_i32 = arith.constant 0 : i32
    %c0_i32_0 = arith.constant 0 : i32
    return %arg0, %c0_i32 : i32, i32
  }
}

module attributes {stable_mosaic.version = 14 : i64} {
  func.func @_comb_body(%arg0: i32, %arg1: memref<2x400x144xf32, #tpu.memory_space<vmem>>, %arg2: memref<144x128xf32, #tpu.memory_space<vmem>>, %arg3: memref<400x128xf32, #tpu.memory_space<vmem>>) attributes {dimension_semantics = [#tpu.dimension_semantics<arbitrary>], iteration_bounds = array<i64: 25>, scalar_prefetch = 0 : i64, scratch_operands = 0 : i64, tpu.core_type = #tpu.core_type<tc>, window_params = [{transform_indices = @transform_0, window_bounds = array<i64: 2, 400, 144>}, {pipeline_mode = #tpu.pipeline_mode<synchronous>, transform_indices = @transform_1, window_bounds = array<i64: 144, 128>}, {transform_indices = @transform_2, window_bounds = array<i64: 400, 128>}]} {
    %get3A = arith.constant 0 : index
    %get3A_0 = arith.constant 0 : index
    %get3A_1 = arith.constant 0 : index
    %get3A_2 = vector.load %arg1[%get3A, %get3A_0, %get3A_1] : memref<2x400x144xf32, #tpu.memory_space<vmem>>, vector<1x400x144xf32>
    %get3A_3 = vector.shape_cast %get3A_2 : vector<1x400x144xf32> to vector<400x144xf32>
    %get3A_4 = arith.constant 1 : index
    %get3A_5 = arith.constant 0 : index
    %get3A_6 = arith.constant 0 : index
    %get3A_7 = vector.load %arg1[%get3A_4, %get3A_5, %get3A_6] : memref<2x400x144xf32, #tpu.memory_space<vmem>>, vector<1x400x144xf32>
    %get3A_8 = vector.shape_cast %get3A_7 : vector<1x400x144xf32> to vector<400x144xf32>
    %add3A = arith.addf %get3A_3, %get3A_8 : vector<400x144xf32>
    %get3A_9 = arith.constant 0 : index
    %get3A_10 = arith.constant 0 : index
    %get3A_11 = vector.load %arg2[%get3A_9, %get3A_10] : memref<144x128xf32, #tpu.memory_space<vmem>>, vector<144x128xf32>
    %dot_general3A = arith.constant dense<0.000000e+00> : vector<400x128xf32>
    %dot_general3A_12 = tpu.matmul %add3A, %get3A_11, %dot_general3A {dimension_numbers = #tpu.dot_dimension_numbers<[1], [0], [0], [1], [0, 0, 1, 1], [], []>, precision = #tpu.contract_precision<fp32>, transpose_lhs_hint = false} : vector<400x144xf32>, vector<144x128xf32>, vector<400x128xf32> -> vector<400x128xf32>
    %slice3A = vector.extract_strided_slice %add3A {offsets = [0, 0], sizes = [400, 128], strides = [1, 1]} : vector<400x144xf32> to vector<400x128xf32>
    %add3A_13 = arith.constant 1.000000e-16 : f32
    %add3A_14 = vector.broadcast %add3A_13 : f32 to vector<400x128xf32>
    %add3A_15 = arith.addf %dot_general3A_12, %add3A_14 : vector<400x128xf32>
    %div3A = arith.divf %slice3A, %add3A_15 : vector<400x128xf32>
    %swap3A = arith.constant 0 : index
    %swap3A_16 = arith.constant 0 : index
    %swap3A_17 = vector.load %arg3[%swap3A, %swap3A_16] : memref<400x128xf32, #tpu.memory_space<vmem>>, vector<400x128xf32>
    tpu.vector_store %arg3[%swap3A, %swap3A_16], %div3A {strides = array<i32>} : memref<400x128xf32, #tpu.memory_space<vmem>>, vector<400x128xf32>,
    return
  }
  func.func @transform_0(%arg0: i32) -> (i32, i32, i32) {
    %c0_i32 = arith.constant 0 : i32
    %c0_i32_0 = arith.constant 0 : i32
    %c0_i32_1 = arith.constant 0 : i32
    return %c0_i32, %arg0, %c0_i32_0 : i32, i32, i32
  }
  func.func @transform_1(%arg0: i32) -> (i32, i32) {
    %c0_i32 = arith.constant 0 : i32
    %c0_i32_0 = arith.constant 0 : i32
    %c0_i32_1 = arith.constant 0 : i32
    return %c0_i32, %c0_i32_0 : i32, i32
  }
  func.func @transform_2(%arg0: i32) -> (i32, i32) {
    %c0_i32 = arith.constant 0 : i32
    %c0_i32_0 = arith.constant 0 : i32
    return %arg0, %c0_i32 : i32, i32
  }
}

</mosaic_0001>

<sc_bundles>
// kernel: kernel.5.cloned.1.call-start
scs
__scs_entry_jumppad:
0x0: {  	(pc) =	sbr.rel $0x88, $3  }
0x1: {  	(tag) =	ssettag $0x0;
	lr =	simm.s32 $0x1  }
0x2: {  	[smem:$0x3F9D] =	sst lr;
	_ =	strace $0xD0000000  }
0x3: {  	_ = 	snop  }
0x4: {  	_ = 	snop  }
0x5: {  	_ = 	snop  }
0x6: {  	_ = 	snop  }
0x7: {  	_ = 	snop  }
__scs_overlays_trampoline_lowered:
0x8: {  	[smem:$0x3FAC] =	sst s0  }
0x9: {  	[smem:$0x3FAD] =	sst s1  }
0xa: {  	[smem:$0x3FAE] =	sst s2  }
0xb: {  	[smem:$0x3FAF] =	sst s3  }
0xc: {  	[smem:$0x3FB0] =	sst s4  }
0xd: {  	[smem:$0x3FB1] =	sst s5  }
0xe: {  	[smem:$0x3FB2] =	sst s6  }
0xf: {  	[smem:$0x3FB3] =	sst s7  }
0x10: {  	[smem:$0x3FB4] =	sst s8  }
0x11: {  	[smem:$0x3FB5] =	sst s9;
	s0 =	simm.s32 @!p0 $0x0  }
0x12: {  	s1 =	sld [smem:$0x3F9B];
	s0 =	simm.s32 @p0 $0x1  }
0x13: {  	[smem:$0x3FB6] =	sst s0;
	s0 =	simm.s32 @!p1 $0x0  }
0x14: {  	s2 =	sld [smem:$0x3F9A];
	s0 =	simm.s32 @p1 $0x1  }
0x15: {  	[smem:$0x3FB7] =	sst s0;
	s0 =	simm.s32 @!p2 $0x0  }
0x16: {  	s3 =	sld [smem:$0x3FDB];
	s0 =	simm.s32 @p2 $0x1  }
0x17: {  	s4 =	simm.s32 $0x1BF5;
	[smem:$0x3FB9] =	sst s0  }
0x18: {  	s0 =	sld [smem:$0x3F9C];
	_ =	swait.ge [sflag:s4], $0x0  }
0x19: {  	s7 =	sld [smem:$0x3F9D]  }
0x1a: {  	s8 =	sadd.s32 $0xFFFFE003, lr  }
0x1b: {  	s9 =	sadd.s32 $0xFFFFFEF7, lr;
	s5 =	simm.s32 $0xFFFFFFFF;
	p2 =	slt.u32 s8, $0xFFFFF086  }
0x1c: {  	p1 =	slt.u32 s9, $0xF7A;
	s5 =	simm.s32 @!p2 $0x0  }
0x1d: {  	s5 =	simm.s32 @p1 $0x1;
	p0 =	seq.s32 s7, s2  }
0x1e: {  	s7 =	smul.u32 @!p0 $0xF7A, s2;
	p2 =	seq.s32 @!p0 s5, $0x0  }
0x1f: {  	s9 =	smul.u32 $0xF7A, s1;
	s8 =	simm.s32 @!p0 $0x1BF5;
	p2 =	por !p2, p0  }
0x20: {  	[sflag:s8] =	ssyncset.s32 @!p0 $0xFFFFF086;
	s6 =	sadd.s32 @!p0 s3, s7;
	s7 =	simm.s32 @!p0 $0x108  }
0x21: {  	s3 =	sadd.s32 s3, s9;
	s6 =	sadd.s32 @!p0 $0x88, s6;
	s7 =	simm.s32 @p2 $0x1082  }
0x22: {  	[simem:s7], [sflag:s8] =	dma.local @!p0 [hbm:s6], $0xF7A  }
0x23: {  	s9 =	sor.u32 $0xD0000000, s2;
	s6 =	simm.s32 $0x108;
	_ =	swait.ge @!p0 [sflag:s8], $0x0  }
0x24: {  	s3 =	sadd.s32 $0x88, s3;
	s6 =	simm.s32 @!p1 $0x1082;
	[sflag:s4] =	ssyncset.s32 $0xFFFFF086  }
0x25: {  	[simem:s6], [sflag:s4] =	dma.local [hbm:s3], $0xF7A  }
0x26: {  	[smem:$0x3F9D] =	sst s1;
	(tag) =	ssettag s2;
	_ =	strace s9  }
0x27: {  	s1 =	sld [smem:$0x3FAD]  }
0x28: {  	s2 =	sld [smem:$0x3FAE]  }
0x29: {  	s4 =	sld [smem:$0x3FB0]  }
0x2a: {  	p0 =	seq.s32 s5, $0x0;
	s5 =	sld [smem:$0x3FB1]  }
0x2b: {  	s6 =	sld [smem:$0x3FB2]  }
0x2c: {  	s7 =	sld [smem:$0x3FB3]  }
0x2d: {  	s3 =	simm.s32 $0x108;
	s8 =	sld [smem:$0x3FB4]  }
0x2e: {  	s3 =	simm.s32 @!p0 $0x1082;
	s9 =	sld [smem:$0x3FB5]  }
0x2f: {  	lr =	sadd.s32 s0, s3;
	s0 =	sld [smem:$0x3FAC]  }
0x30: {  	s3 =	sld [smem:$0x3FAF]  }
0x31: {  	[smem:$0x3FB8] =	sst s10  }
0x32: {  	s10 =	sld [smem:$0x3FB6];
	_ =	sdelay $0x3  }
0x33: {  	p0 =	seq.s32 s10, $0x1;
	s10 =	sld [smem:$0x3FB8];
	_ =	sdelay $0x3  }
0x34: {  	[smem:$0x3FB8] =	sst s10  }
0x35: {  	s10 =	sld [smem:$0x3FB7];
	_ =	sdelay $0x3  }
0x36: {  	p1 =	seq.s32 s10, $0x1;
	s10 =	sld [smem:$0x3FB8];
	_ =	sdelay $0x3  }
0x37: {  	[smem:$0x3FB8] =	sst s10  }
0x38: {  	s10 =	sld [smem:$0x3FB9]  }
0x39: {  	_ = 	snop;
	(pc) =	sbr.ind lr, $3  }
0x3a: {  	_ = 	snop  }
0x3b: {  	_ = 	snop  }
0x3c: {  	p2 =	seq.s32 s10, $0x1;
	s10 =	sld [smem:$0x3FB8]  }
0x3d: {  	_ =	shalt  }
0x3e: {  	_ =	shalt  }
0x3f: {  	_ =	shalt  }
0x40: {  	_ =	shalt  }
0x41: {  	_ =	shalt  }
0x42: {  	_ =	shalt  }
0x43: {  	_ =	shalt  }
0x44: {  	_ =	shalt  }
0x45: {  	_ =	shalt  }
0x46: {  	_ =	shalt  }
0x47: {  	_ =	shalt  }
0x48: {  	_ =	shalt  }
0x49: {  	_ =	shalt  }
0x4a: {  	_ =	shalt  }
0x4b: {  	_ =	shalt  }
0x4c: {  	_ =	shalt  }
0x4d: {  	_ =	shalt  }
0x4e: {  	_ =	shalt  }
0x4f: {  	_ =	shalt  }
0x50: {  	_ =	shalt  }
0x51: {  	_ =	shalt  }
0x52: {  	_ =	shalt  }
0x53: {  	_ =	shalt  }
0x54: {  	_ =	shalt  }
0x55: {  	_ =	shalt  }
0x56: {  	_ =	shalt  }
0x57: {  	_ =	shalt  }
0x58: {  	_ =	shalt  }
0x59: {  	_ =	shalt  }
0x5a: {  	_ =	shalt  }
0x5b: {  	_ =	shalt  }
0x5c: {  	_ =	shalt  }
0x5d: {  	_ =	shalt  }
0x5e: {  	_ =	shalt  }
0x5f: {  	_ =	shalt  }
0x60: {  	_ =	shalt  }
0x61: {  	_ =	shalt  }
0x62: {  	_ =	shalt  }
0x63: {  	_ =	shalt  }
0x64: {  	_ =	shalt  }
0x65: {  	_ =	shalt  }
0x66: {  	_ =	shalt  }
0x67: {  	_ =	shalt  }
0x68: {  	_ =	shalt  }
0x69: {  	_ =	shalt  }
0x6a: {  	_ =	shalt  }
0x6b: {  	_ =	shalt  }
0x6c: {  	_ =	shalt  }
0x6d: {  	_ =	shalt  }
0x6e: {  	_ =	shalt  }
0x6f: {  	_ =	shalt  }
0x70: {  	_ =	shalt  }
0x71: {  	_ =	shalt  }
0x72: {  	_ =	shalt  }
0x73: {  	_ =	shalt  }
0x74: {  	_ =	shalt  }
0x75: {  	_ =	shalt  }
0x76: {  	_ =	shalt  }
0x77: {  	_ =	shalt  }
0x78: {  	_ =	shalt  }
0x79: {  	_ =	shalt  }
0x7a: {  	_ =	shalt  }
0x7b: {  	_ =	shalt  }
0x7c: {  	_ =	shalt  }
0x7d: {  	_ =	shalt  }
0x7e: {  	_ =	shalt  }
0x7f: {  	_ =	shalt  }
0x80: {  	_ =	shalt  }
0x81: {  	_ =	shalt  }
0x82: {  	_ =	shalt  }
0x83: {  	_ =	shalt  }
0x84: {  	_ =	shalt  }
0x85: {  	_ =	shalt  }
0x86: {  	_ =	shalt  }
0x87: {  	_ =	shalt  }
.Lfunc_end0:
.L_simem_size_0:
called_computation_lowered:
.L_overlay_start_0:
0x88: {  	s2 =	sld [smem:$0x3FD9]  }
0x89: {  	s3 =	sld [smem:$0x3FFE];
	_ =	sdelay $0x1  }
0x8a: {  	s1 =	srdreg.scid  }
0x8b: {  	s0 =	sand.u32 $0x1, s1  }
0x8c: {  	s17 =	sshll.u32 s0, $0xA;
	s2 =	sadd.s32 s3, s2  }
0x8d: {  	s2 =	sadd.s32 s2, s17  }
0x8e: {  	[smem:$0x3FC4] =	sst s2  }
0x8f: {  	_ = 	snop  }
0x90: {  	s2 =	sld [smem:$0x3FD0];
	(tm) =	ssettm $0x1  }
0x91: {  	s18 =	sld [smem:$0x3FFB];
	_ =	sdelay $0x3  }
0x92: {  	_ =	strace s18  }
0x93: {  	s3 =	sld [smem:$0x3FFC];
	_ =	sdelay $0x3  }
0x94: {  	_ =	strace s3  }
0x95: {  	s3 =	sld [smem:$0x3FFD];
	_ =	sdelay $0x3  }
0x96: {  	_ =	strace s3  }
0x97: {  	_ =	strace $0x8FFFFFFF  }
0x98: {  	s19 =	sld [smem:$0x3FDB];
	_ =	sdelay $0x1  }
0x99: {  	s4 =	simm.s32 $_scs_section_size  }
0x9a: {  	s5 =	simm.s32 $_size__tile_overlayer_lowered;
	s6 =	simm.s32 $_tile_overlayer_lowered  }
0x9b: {  	s22 =	simm.s32 $0x1BFF;
	s21 =	sshll.u32 s6, $0x1;
	s3 =	sadd.s32 s4, s19  }
0x9c: {  	s7 =	simm.s32 $0x0;
	s20 =	sshll.u32 s5, $0x1;
	s5 =	sadd.s32 s21, s3  }
0x9d: {  	[timem:s7], [sflag:s22] =	dma.local [hbm:s5], s20  }
0x9e: {  	_ =	swait.ge [sflag:s22], s20  }
0x9f: {  	s4 =	ssub.s32 $0x0, s20;
	[sflag:s22] =	ssyncset.done $0x0  }
0xa0: {  	[sflag:s22] =	ssyncadd.s32 s4;
	_ =	sdelay $0x1  }
0xa1: {  	s23 =	simm.s32 $0x1B8B  }
0xa2: {  	_ =	swait.ge [sflag:s23], $0x1  }
0xa3: {  	[sflag:s23] =	ssyncset.done $0x0  }
0xa4: {  	s25 =	simm.s32 $0x1B8E;
	s24 =	sld [smem:$0x3FFE];
	[sflag:s23] =	ssyncadd.s32 $0xFFFFFFFF  }
0xa5: {  	s26 =	simm.s32 $execute0_lowered;
	[smem:$0x3FD2] =	sst s25  }
0xa6: {  	s5 =	sshll.u32 s26, $0x1;
	_ =	strace $0x80000046;
	[dreg:$0x1] =	wrdreg $0xFFFFFFFF  }
0xa7: {  	s28 =	simm.s32 $_size_execute0_lowered;
	s3 =	sadd.s32 s3, s5;
	[dreg:$0x0] =	wrdreg $0x0  }
0xa8: {  	s5 =	sshll.u32 s28, $0x1;
	[dreg:$0x2] =	wrdreg s3  }
0xa9: {  	[dreg:$0x3] =	wrdreg s5  }
0xaa: {  	[dreg:$0x4] =	wrdreg $0xC0  }
0xab: {  	_ =	task [dreg:s7], $0x5FFFF  }
0xac: {  	[dreg:$0x1] =	wrdreg $0xFFFFFFFF  }
0xad: {  	[dreg:$0x0] =	wrdreg $0x60  }
0xae: {  	[dreg:$0x2] =	wrdreg s24  }
0xaf: {  	[dreg:$0x3] =	wrdreg s2  }
0xb0: {  	[dreg:$0x4] =	wrdreg $0x73A00  }
0xb1: {  	[dreg:$0x5] =	wrdreg $0x9  }
0xb2: {  	_ =	task.clear_ibuf [dreg:s7], $0x6FFFF;
	_ =	strace $0x90000046  }
0xb3: {  	s29 =	simm.s32 $0x9;
	_ =	strace $0x80000048  }
0xb4: {  	_ =	swait.ge [sflag:s29], $0x1  }
0xb5: {  	[sflag:s29] =	ssyncadd.s32 $0xFFFFFFFF  }
0xb6: {  	_ =	strace $0x90000048  }
0xb7: {  	_ =	sfence  }
0xb8: {  	s30 =	sld [smem:$0x0];
	_ =	sdelay $0x2  }
0xb9: {  	s31 =	sshll.u32 s1, $0xD;
	s1 =	sshrl.u32 s1, $0x2  }
0xba: {  	s3 =	sand.u32 $0x4000, s31;
	s1 =	sadd.s32 s1, s30  }
0xbb: {  	s0 =	sor.u32 s3, s0;
	s1 =	sshll.u32 s1, $0x11  }
0xbc: {  	s0 =	sor.u32 s1, s0  }
0xbd: {  	s0 =	sadd.s32 $0x8F2B, s0  }
0xbe: {  	[sflag:s0] =	ssyncadd.remote.s32 $0x1  }
0xbf: {  	_ =	sfence.sel $0xFFFF  }
0xc0: {  	[dreg:$0x0] =	wrdreg $0xFFFFFFFF;
	(pc) =	sbr.abs _section_cstart, $3  }
0xc1: {  	[dreg:$0x1] =	wrdreg $0xFFFFFFFF  }
0xc2: {  	_ =	task.clear_ibuf [dreg:s7], $0x2FFFF;
	_ =	strace $0x9FFFFFFF  }
0xc3: {  	(tm) =	ssettm $0x7FFFFFFF  }
tec
execute0_lowered:
.L_overlay_start_1:
0x0: {  	(tag) =	ssettag $0x1  }
0x1: {  	s0 =	rddreg [dreg:$0x0]  }
0x2: {  	s1 =	rddreg [dreg:$0x1];
	s2 =	srdreg.scid  }
0x3: {  	s12 =	stileid.u32;
	s3 =	rddreg [dreg:$0x2]  }
0x4: {  	s4 =	simm.s32 $0x0;
	s19 =	simm.s32 $0x19A0;
	s28 =	simm.s32 $0x1  }
0x5: {  	v0 =	vlaneseq.u32;
	s29 =	simm.s32 $0x3;
	s30 =	simm.s32 $0x2;
	s8 =	smul.u32 $0x15F90, s12  }
0x6: {  	s31 =	simm.s32 $0x4;
	s2 =	sand.u32 $0x1, s2;
	v39 =	vmul.u32 $0x90, v0;
	v0 =	vmul.u32 $0x10, v0;
	s10 =	smul.u32 $0x57E40, s12  }
0x7: {  	v1 =	vimm.f32 $0.0e+00;
	[smem:$0x7FF] =	sst s4;
	s5 =	sadd.s32 $0xA200, s0;
	s6 =	smul.u32 $0x15F900, s2  }
0x8: {  	_ =	strace $0x80000047;
	s20 =	ssub.s32 $0x2, s2;
	v2 =	vadd.s32 $0x80, v39;
	v3 =	vadd.s32 $0x81, v39;
	v4 =	vor.u32 $0x1, v0;
	s10 =	sshrl.u32 s10, $0x2  }
0x9: {  	s2 =	sshll.u32 s2, $0x4;
	v5 =	vadd.s32 $0x82, v39;
	v7 =	vadd.s32 $0x83, v39;
	v9 =	vadd.s32 $0x980, v39;
	s11 =	sshrl.u32 s20, $0x1;
	s10 =	sadd.s32 s10, s3  }
0xa: {  	v10 =	vor.u32 $0x100, v0;
	v11 =	vadd.s32 $0x981, v39;
	v12 =	vor.u32 $0x101, v0;
	s2 =	sor.u32 s12, s2;
	s7 =	sadd.s32 s8, s6;
	s21 =	sadd.s32 $0x2D00, s10  }
0xb: {  	v13 =	vadd.s32 $0x982, v39;
	v14 =	vor.u32 $0x102, v0;
	v15 =	vadd.s32 $0x983, v39;
	s6 =	sadd.s32 $0x36200, s0;
	s22 =	sadd.s32 $0x5A00, s10;
	[dreg:$0x4] =	wrdreg s21  }
0xc: {  	v16 =	vor.u32 $0x103, v0;
	v17 =	vadd.s32 $0x1280, v39;
	v18 =	vor.u32 $0x200, v0;
	s8 =	sadd.s32 s8, s3;
	s23 =	sadd.s32 $0x8700, s10;
	[dreg:$0x5] =	wrdreg s22  }
0xd: {  	v19 =	vadd.s32 $0x1281, v39;
	v20 =	vor.u32 $0x201, v0;
	v21 =	vadd.s32 $0x1282, v39;
	s16 =	smul.u32 $0x2710, s2;
	s24 =	sadd.s32 $0xB400, s10;
	[dreg:$0x6] =	wrdreg s23  }
0xe: {  	v22 =	vor.u32 $0x202, v0;
	v23 =	vadd.s32 $0x1283, v39;
	v24 =	vor.u32 $0x203, v0;
	s2 =	simm.s32 $0xF50;
	s25 =	sadd.s32 $0xE100, s10;
	[dreg:$0x7] =	wrdreg s24  }
0xf: {  	v25 =	vadd.s32 $0x1B80, v39;
	v26 =	vor.u32 $0x300, v0;
	v27 =	vadd.s32 $0x1B81, v39;
	s9 =	sshrl.u32 s7, $0x3;
	s26 =	sadd.s32 $0x10E00, s10;
	[dreg:$0x8] =	wrdreg s25  }
0x10: {  	v28 =	vor.u32 $0x301, v0;
	v29 =	vadd.s32 $0x1B82, v39;
	v30 =	vor.u32 $0x302, v0;
	s7 =	sadd.s32 $0x400, s0;
	s10 =	sadd.s32 $0x13B00, s10;
	[dreg:$0x9] =	wrdreg s26  }
0x11: {  	v31 =	vadd.s32 $0x1B83, v39;
	v32 =	vor.u32 $0x303, v0;
	v33 =	vadd.s32 $0x2480, v39;
	s0 =	sadd.s32 s9, s0;
	s9 =	ssub.s32 s20, s11;
	[dreg:$0xa] =	wrdreg s10  }
0x12: {  	v34 =	vor.u32 $0x400, v0;
	v35 =	vadd.s32 $0x2481, v39;
	[tilespmem:$0x1FFD0] =	vst v4;
	v4 =	vor.u32 $0x2, v0;
	s20 =	simm.s32 $0x5;
	s21 =	simm.s32 $0x7D0;
	s22 =	simm.s32 $0x50  }
0x13: {  	v36 =	vor.u32 $0x401, v0;
	v37 =	vadd.s32 $0x2482, v39;
	[tilespmem:$0x1FFE0] =	vst v4;
	v4 =	vor.u32 $0x3, v0;
	s23 =	simm.s32 $0xFA0;
	s24 =	simm.s32 $0x46A0;
	s25 =	simm.s32 $0x820  }
0x14: {  	v38 =	vor.u32 $0x402, v0;
	v39 =	vadd.s32 $0x2483, v39;
	v8 =	vmovc v0;
	v40 =	vor.u32 $0x403, v0;
	[tilespmem:$0x1FFF0] =	vst v4;
	s26 =	simm.s32 $0x14A0;
	s17 =	sadd.s32 $0x3B200, s0;
	s18 =	smax.u32 s9, $0x1  }
.LBB2_1:
0x15: {  	s0 =	simm.s32 $0x0;
	s9 =	simm.s32 $0x240  }
.LBB2_2:
0x16: {  	p0 =	sne.s32 s9, $0xB1C0;
	[tilespmem:s0+$0x1A20] =	vst v1  }
0x17: {  	[tilespmem:s0+$0x19A0] =	vst v1  }
0x18: {  	[tilespmem:s0+$0x19B0] =	vst v1  }
0x19: {  	[tilespmem:s0+$0x19C0] =	vst v1  }
.Ltmp0:
0x1a: {  	[tilespmem:s0+$0x19D0] =	vst v1;
	(pc) =	sbr.rel @p0 .LBB2_2-.Ltmp0, $4  }
0x1b: {  	[tilespmem:s0+$0x19E0] =	vst v1  }
0x1c: {  	[tilespmem:s0+$0x19F0] =	vst v1  }
0x1d: {  	[tilespmem:s0+$0x1A00] =	vst v1  }
0x1e: {  	[tilespmem:s0+$0x1A10] =	vst v1;
	s0 =	sshra.s32 s9, $0x2;
	s9 =	sadd.s32 $0x240, s9  }
0x1f: {  	[tilespmem:s0+$0x1A20] =	vst v1  }
0x20: {  	[tilespmem:s0+$0x19A0] =	vst v1  }
0x21: {  	[tilespmem:s0+$0x19B0] =	vst v1  }
0x22: {  	[tilespmem:s0+$0x19C0] =	vst v1  }
0x23: {  	[tilespmem:s0+$0x19D0] =	vst v1  }
0x24: {  	[tilespmem:s0+$0x19E0] =	vst v1  }
0x25: {  	[tilespmem:s0+$0x19F0] =	vst v1  }
0x26: {  	[tilespmem:s0+$0x1A00] =	vst v1  }
0x27: {  	[tilespmem:s0+$0x1A10] =	vst v1  }
0x28: {  	[spmem:s8] =	stream.linear.scatter [tilespmem:s19], [sflag:$0x5], $0x2D00, $0x38;
	[tilespmem:$0x1D330] =	vst v63  }
0x29: {  	_ =	swait.ge [sflag:s20], $0x2D00  }
0x2a: {  	[sflag:s20] =	ssyncset.done $0x0  }
0x2b: {  	s9 =	rddreg [dreg:$0x4];
	[sflag:s20] =	ssyncadd.s32 $0xFFFFD300  }
0x2c: {  	[spmem:s9] =	stream.linear.scatter [tilespmem:s19], [sflag:$0x5], $0x2D00, $0x38;
	[tilespmem:$0x1D330] =	vst v63  }
0x2d: {  	_ =	swait.ge [sflag:s20], $0x2D00  }
0x2e: {  	[sflag:s20] =	ssyncset.done $0x0  }
0x2f: {  	s10 =	rddreg [dreg:$0x5];
	[sflag:s20] =	ssyncadd.s32 $0xFFFFD300  }
0x30: {  	[spmem:s10] =	stream.linear.scatter [tilespmem:s19], [sflag:$0x5], $0x2D00, $0x38;
	[tilespmem:$0x1D330] =	vst v63  }
0x31: {  	_ =	swait.ge [sflag:s20], $0x2D00  }
0x32: {  	[sflag:s20] =	ssyncset.done $0x0  }
0x33: {  	s11 =	rddreg [dreg:$0x6];
	[sflag:s20] =	ssyncadd.s32 $0xFFFFD300  }
0x34: {  	[spmem:s11] =	stream.linear.scatter [tilespmem:s19], [sflag:$0x5], $0x2D00, $0x38;
	[tilespmem:$0x1D330] =	vst v63  }
0x35: {  	_ =	swait.ge [sflag:s20], $0x2D00  }
0x36: {  	[sflag:s20] =	ssyncset.done $0x0  }
0x37: {  	s12 =	rddreg [dreg:$0x7];
	[sflag:s20] =	ssyncadd.s32 $0xFFFFD300  }
0x38: {  	[spmem:s12] =	stream.linear.scatter [tilespmem:s19], [sflag:$0x5], $0x2D00, $0x38;
	[tilespmem:$0x1D330] =	vst v63  }
0x39: {  	_ =	swait.ge [sflag:s20], $0x2D00  }
0x3a: {  	[sflag:s20] =	ssyncset.done $0x0  }
0x3b: {  	s13 =	rddreg [dreg:$0x8];
	[sflag:s20] =	ssyncadd.s32 $0xFFFFD300  }
0x3c: {  	[spmem:s13] =	stream.linear.scatter [tilespmem:s19], [sflag:$0x5], $0x2D00, $0x38;
	[tilespmem:$0x1D330] =	vst v63  }
0x3d: {  	_ =	swait.ge [sflag:s20], $0x2D00  }
0x3e: {  	[sflag:s20] =	ssyncset.done $0x0  }
0x3f: {  	s14 =	rddreg [dreg:$0x9];
	[sflag:s20] =	ssyncadd.s32 $0xFFFFD300  }
0x40: {  	[spmem:s14] =	stream.linear.scatter [tilespmem:s19], [sflag:$0x5], $0x2D00, $0x38;
	[tilespmem:$0x1D330] =	vst v63  }
0x41: {  	_ =	swait.ge [sflag:s20], $0x2D00  }
0x42: {  	[sflag:s20] =	ssyncset.done $0x0  }
0x43: {  	s15 =	rddreg [dreg:$0xa];
	[sflag:s20] =	ssyncadd.s32 $0xFFFFD300  }
0x44: {  	[spmem:s15] =	stream.linear.scatter [tilespmem:s19], [sflag:$0x5], $0x2490, $0x38;
	[tilespmem:$0x1D330] =	vst v63  }
0x45: {  	_ =	swait.ge [sflag:s20], $0x2490  }
0x46: {  	[sflag:s20] =	ssyncset.done $0x0  }
0x47: {  	[sflag:s20] =	ssyncadd.s32 $0xFFFFDB70  }
0x48: {  	s0 =	simm.s32 $0x0;
	s9 =	simm.s32 $0x0;
	[bflag:$0x0] =	sbarrier.arrive $0xFFFF  }
.LBB2_4:
0x49: {  	s10 =	smul.u32 $0x7D0, s9;
	_ =	sdelay $0x1  }
0x4a: {  	s10 =	sadd.s32 s16, s10  }
0x4b: {  	s10 =	sshrl.u32 s10, $0x3  }
0x4c: {  	s11 =	sadd.s32 s7, s10  }
0x4d: {  	[tilespmem:s0], [sflag:$0x5] =	stream.linear.gather [hbm4b:s11+s0], $0x7D0, $0x38;
	[tilespmem:$0x1D330] =	vst v63  }
0x4e: {  	_ =	swait.ge [sflag:s20], $0x7D0  }
0x4f: {  	[sflag:s20] =	ssyncset.done $0x0  }
0x50: {  	s10 =	sadd.s32 s1, s10;
	[sflag:s20] =	ssyncadd.s32 $0xFFFFF830  }
0x51: {  	[tilespmem:s21], [sflag:$0x5] =	stream.linear.gather [hbm4b:s10+s0], $0x7D0, $0x38;
	[tilespmem:$0x1D330] =	vst v63  }
0x52: {  	_ =	swait.ge [sflag:s20], $0x7D0  }
0x53: {  	[sflag:s20] =	ssyncset.done $0x0  }
0x54: {  	[sflag:s20] =	ssyncadd.s32 $0xFFFFF830  }
0x55: {  	[tilespmem:s19], [sflag:$0x1] =	stream.indirect.gather [hbm4b:s5+s22], $0x90, s0, s22, $0xb8;
	[tilespmem:$0x1D330] =	vst v63  }
0x56: {  	_ = 	snop  }
0x57: {  	[tilespmem:s23], [sflag:$0x3] =	stream.indirect.gather [hbm4b:s6+s22], $0x10, s21, s22, $0xb8;
	[tilespmem:$0x1D330] =	vst v63  }
0x58: {  	_ = 	snop  }
0x59: {  	[tilespmem:s24], [sflag:$0x2] =	stream.indirect.gather [hbm4b:s5+s22], $0x90, s22, s22, $0xb8;
	[tilespmem:$0x1D330] =	vst v63  }
0x5a: {  	s10 =	simm.s32 $0x0  }
0x5b: {  	[tilespmem:s26], [sflag:$0x4] =	stream.indirect.gather [hbm4b:s6+s22], $0x10, s25, s22, $0xb8;
	[tilespmem:$0x1D330] =	vst v63  }
.LBB2_5:
0x5c: {  	_ =	swait.ge [sflag:s28], $0x2D00  }
0x5d: {  	[sflag:s28] =	ssyncset.done $0x0  }
0x5e: {  	[sflag:s28] =	ssyncadd.s32 $0xFFFFD300  }
0x5f: {  	_ =	swait.ge [sflag:s29], $0x500  }
0x60: {  	[sflag:s29] =	ssyncset.done $0x0  }
0x61: {  	[sflag:s29] =	ssyncadd.s32 $0xFFFFFB00  }
0x62: {  	v41 =	vld.idx.msk [tilespmem:v2+s19+$0x0], $0xffff  }
0x63: {  	v42 =	vld.idx.msk [tilespmem:v8+s23+$0x0], $0xffff;
	_ =	sdelay $0x4  }
0x64: {  	v41 =	vadd.f32 v42, v41;
	_ =	sdelay $0x1  }
0x65: {  	v42 =	vmul.f32 $2.000000030e-01, v41  }
0x66: {  	vm0 =	vgt.f32 v41, $0.0e+00  }
0x67: {  	v41 =	vsel vm0, v41, v42  }
0x68: {  	v41 =	vmul.f32 $1.442695020e+00, v41;
	_ =	sdelay $0x1  }
0x69: {  	(erf) = vpow2.f32 v41;
	_ =	sdelay $0x3  }
0x6a: {  	v0 =	vld [tilespmem:$0x1FFD0];
	_ =	sdelay $0x4  }
0x6b: {  	v41 =	vpop (erf)  }
0x6c: {  	[tilespmem:v2+s19+$0x0] =	vst.idx.msk $0xffff, v41  }
0x6d: {  	v41 =	vld.idx.msk [tilespmem:v3+s19+$0x0], $0xffff  }
0x6e: {  	v49 =	vld.idx.msk [tilespmem:v0+s23+$0x0], $0xffff;
	_ =	sdelay $0x4  }
0x6f: {  	v41 =	vadd.f32 v49, v41;
	_ =	sdelay $0x1  }
0x70: {  	v42 =	vmul.f32 $2.000000030e-01, v41  }
0x71: {  	vm9 =	vgt.f32 v41, $0.0e+00  }
0x72: {  	v41 =	vsel vm9, v41, v42  }
0x73: {  	v41 =	vmul.f32 $1.442695020e+00, v41;
	_ =	sdelay $0x1  }
0x74: {  	(erf) = vpow2.f32 v41;
	_ =	sdelay $0x3  }
0x75: {  	v0 =	vld [tilespmem:$0x1FFE0];
	_ =	sdelay $0x4  }
0x76: {  	v41 =	vpop (erf)  }
0x77: {  	[tilespmem:v3+s19+$0x0] =	vst.idx.msk $0xffff, v41  }
0x78: {  	v41 =	vld.idx.msk [tilespmem:v5+s19+$0x0], $0xffff  }
0x79: {  	v50 =	vld.idx.msk [tilespmem:v0+s23+$0x0], $0xffff;
	_ =	sdelay $0x4  }
0x7a: {  	v41 =	vadd.f32 v50, v41;
	_ =	sdelay $0x1  }
0x7b: {  	v42 =	vmul.f32 $2.000000030e-01, v41  }
0x7c: {  	vm10 =	vgt.f32 v41, $0.0e+00  }
0x7d: {  	v41 =	vsel vm10, v41, v42  }
0x7e: {  	v41 =	vmul.f32 $1.442695020e+00, v41;
	_ =	sdelay $0x1  }
0x7f: {  	(erf) = vpow2.f32 v41;
	_ =	sdelay $0x3  }
0x80: {  	v0 =	vld [tilespmem:$0x1FFF0];
	_ =	sdelay $0x4  }
0x81: {  	v41 =	vpop (erf)  }
0x82: {  	v43 =	vld.idx.msk [tilespmem:v9+s19+$0x0], $0xffff;
	[tilespmem:v5+s19+$0x0] =	vst.idx.msk $0xffff, v41  }
0x83: {  	v41 =	vld.idx.msk [tilespmem:v7+s19+$0x0], $0xffff  }
0x84: {  	v51 =	vld.idx.msk [tilespmem:v0+s23+$0x0], $0xffff  }
0x85: {  	v44 =	vld.idx.msk [tilespmem:v10+s23+$0x0], $0xffff;
	_ =	sdelay $0x3  }
0x86: {  	v41 =	vadd.f32 v51, v41  }
0x87: {  	v52 =	vadd.f32 v44, v43  }
0x88: {  	v53 =	vmul.f32 $2.000000030e-01, v41  }
0x89: {  	v44 =	vmul.f32 $2.000000030e-01, v52;
	vm11 =	vgt.f32 v41, $0.0e+00  }
0x8a: {  	vm12 =	vgt.f32 v52, $0.0e+00;
	v41 =	vsel vm11, v41, v53  }
0x8b: {  	v42 =	vsel vm12, v52, v44;
	v41 =	vmul.f32 $1.442695020e+00, v41  }
0x8c: {  	v42 =	vmul.f32 $1.442695020e+00, v42  }
0x8d: {  	(erf) = vpow2.f32 v41  }
0x8e: {  	(erf) = vpow2.f32 v42;
	_ =	sdelay $0x7  }
0x8f: {  	v41 =	vpop (erf)  }
0x90: {  	v42 =	vpop (erf)  }
0x91: {  	[tilespmem:v9+s19+$0x0] =	vst.idx.msk $0xffff, v42  }
0x92: {  	v42 =	vld.idx.msk [tilespmem:v11+s19+$0x0], $0xffff  }
0x93: {  	v54 =	vld.idx.msk [tilespmem:v12+s23+$0x0], $0xffff;
	_ =	sdelay $0x4  }
0x94: {  	v42 =	vadd.f32 v54, v42;
	_ =	sdelay $0x1  }
0x95: {  	v43 =	vmul.f32 $2.000000030e-01, v42  }
0x96: {  	vm13 =	vgt.f32 v42, $0.0e+00  }
0x97: {  	v42 =	vsel vm13, v42, v43  }
0x98: {  	v42 =	vmul.f32 $1.442695020e+00, v42;
	_ =	sdelay $0x1  }
0x99: {  	(erf) = vpow2.f32 v42;
	_ =	sdelay $0x8  }
0x9a: {  	v42 =	vpop (erf)  }
0x9b: {  	[tilespmem:v11+s19+$0x0] =	vst.idx.msk $0xffff, v42  }
0x9c: {  	v42 =	vld.idx.msk [tilespmem:v13+s19+$0x0], $0xffff  }
0x9d: {  	v55 =	vld.idx.msk [tilespmem:v14+s23+$0x0], $0xffff;
	_ =	sdelay $0x4  }
0x9e: {  	v42 =	vadd.f32 v55, v42;
	_ =	sdelay $0x1  }
0x9f: {  	v43 =	vmul.f32 $2.000000030e-01, v42  }
0xa0: {  	vm14 =	vgt.f32 v42, $0.0e+00  }
0xa1: {  	v42 =	vsel vm14, v42, v43  }
0xa2: {  	v42 =	vmul.f32 $1.442695020e+00, v42;
	_ =	sdelay $0x1  }
0xa3: {  	(erf) = vpow2.f32 v42;
	_ =	sdelay $0x8  }
0xa4: {  	v42 =	vpop (erf)  }
0xa5: {  	v57 =	vld.idx.msk [tilespmem:v17+s19+$0x0], $0xffff;
	[tilespmem:v13+s19+$0x0] =	vst.idx.msk $0xffff, v42  }
0xa6: {  	v42 =	vld.idx.msk [tilespmem:v15+s19+$0x0], $0xffff  }
0xa7: {  	v56 =	vld.idx.msk [tilespmem:v16+s23+$0x0], $0xffff  }
0xa8: {  	v45 =	vld.idx.msk [tilespmem:v18+s23+$0x0], $0xffff;
	_ =	sdelay $0x3  }
0xa9: {  	v42 =	vadd.f32 v56, v42  }
0xaa: {  	v58 =	vadd.f32 v45, v57  }
0xab: {  	v59 =	vmul.f32 $2.000000030e-01, v42  }
0xac: {  	v45 =	vmul.f32 $2.000000030e-01, v58;
	vm15 =	vgt.f32 v42, $0.0e+00  }
0xad: {  	vm4 =	vgt.f32 v58, $0.0e+00;
	v42 =	vsel vm15, v42, v59  }
0xae: {  	v43 =	vsel vm4, v58, v45;
	v42 =	vmul.f32 $1.442695020e+00, v42  }
0xaf: {  	v43 =	vmul.f32 $1.442695020e+00, v43  }
0xb0: {  	(erf) = vpow2.f32 v42  }
0xb1: {  	(erf) = vpow2.f32 v43;
	_ =	sdelay $0x7  }
0xb2: {  	v42 =	vpop (erf)  }
0xb3: {  	v43 =	vpop (erf)  }
0xb4: {  	[tilespmem:v17+s19+$0x0] =	vst.idx.msk $0xffff, v43  }
0xb5: {  	v43 =	vld.idx.msk [tilespmem:v19+s19+$0x0], $0xffff  }
0xb6: {  	v60 =	vld.idx.msk [tilespmem:v20+s23+$0x0], $0xffff;
	_ =	sdelay $0x4  }
0xb7: {  	v43 =	vadd.f32 v60, v43;
	_ =	sdelay $0x1  }
0xb8: {  	v44 =	vmul.f32 $2.000000030e-01, v43  }
0xb9: {  	vm5 =	vgt.f32 v43, $0.0e+00  }
0xba: {  	v43 =	vsel vm5, v43, v44  }
0xbb: {  	v43 =	vmul.f32 $1.442695020e+00, v43;
	_ =	sdelay $0x1  }
0xbc: {  	(erf) = vpow2.f32 v43;
	_ =	sdelay $0x8  }
0xbd: {  	v43 =	vpop (erf)  }
0xbe: {  	[tilespmem:v19+s19+$0x0] =	vst.idx.msk $0xffff, v43  }
0xbf: {  	v43 =	vld.idx.msk [tilespmem:v21+s19+$0x0], $0xffff  }
0xc0: {  	v61 =	vld.idx.msk [tilespmem:v22+s23+$0x0], $0xffff;
	_ =	sdelay $0x4  }
0xc1: {  	v43 =	vadd.f32 v61, v43;
	_ =	sdelay $0x1  }
0xc2: {  	v44 =	vmul.f32 $2.000000030e-01, v43  }
0xc3: {  	vm6 =	vgt.f32 v43, $0.0e+00  }
0xc4: {  	v43 =	vsel vm6, v43, v44  }
0xc5: {  	v43 =	vmul.f32 $1.442695020e+00, v43;
	_ =	sdelay $0x1  }
0xc6: {  	(erf) = vpow2.f32 v43;
	_ =	sdelay $0x8  }
0xc7: {  	v43 =	vpop (erf)  }
0xc8: {  	v63 =	vld.idx.msk [tilespmem:v25+s19+$0x0], $0xffff;
	[tilespmem:v21+s19+$0x0] =	vst.idx.msk $0xffff, v43  }
0xc9: {  	v43 =	vld.idx.msk [tilespmem:v23+s19+$0x0], $0xffff  }
0xca: {  	v62 =	vld.idx.msk [tilespmem:v24+s23+$0x0], $0xffff  }
0xcb: {  	v46 =	vld.idx.msk [tilespmem:v26+s23+$0x0], $0xffff;
	_ =	sdelay $0x3  }
0xcc: {  	v43 =	vadd.f32 v62, v43  }
0xcd: {  	v48 =	vadd.f32 v46, v63  }
0xce: {  	v49 =	vmul.f32 $2.000000030e-01, v43  }
0xcf: {  	v46 =	vmul.f32 $2.000000030e-01, v48;
	vm7 =	vgt.f32 v43, $0.0e+00  }
0xd0: {  	vm8 =	vgt.f32 v48, $0.0e+00;
	v43 =	vsel vm7, v43, v49  }
0xd1: {  	v44 =	vsel vm8, v48, v46;
	v43 =	vmul.f32 $1.442695020e+00, v43  }
0xd2: {  	v44 =	vmul.f32 $1.442695020e+00, v44  }
0xd3: {  	(erf) = vpow2.f32 v43  }
0xd4: {  	(erf) = vpow2.f32 v44;
	_ =	sdelay $0x7  }
0xd5: {  	v43 =	vpop (erf)  }
0xd6: {  	v44 =	vpop (erf)  }
0xd7: {  	[tilespmem:v25+s19+$0x0] =	vst.idx.msk $0xffff, v44  }
0xd8: {  	v44 =	vld.idx.msk [tilespmem:v27+s19+$0x0], $0xffff  }
0xd9: {  	v50 =	vld.idx.msk [tilespmem:v28+s23+$0x0], $0xffff;
	_ =	sdelay $0x4  }
0xda: {  	v44 =	vadd.f32 v50, v44;
	_ =	sdelay $0x1  }
0xdb: {  	v45 =	vmul.f32 $2.000000030e-01, v44  }
0xdc: {  	vm9 =	vgt.f32 v44, $0.0e+00  }
0xdd: {  	v44 =	vsel vm9, v44, v45  }
0xde: {  	v44 =	vmul.f32 $1.442695020e+00, v44;
	_ =	sdelay $0x1  }
0xdf: {  	(erf) = vpow2.f32 v44;
	_ =	sdelay $0x8  }
0xe0: {  	v44 =	vpop (erf)  }
0xe1: {  	[tilespmem:v27+s19+$0x0] =	vst.idx.msk $0xffff, v44  }
0xe2: {  	v44 =	vld.idx.msk [tilespmem:v29+s19+$0x0], $0xffff  }
0xe3: {  	v51 =	vld.idx.msk [tilespmem:v30+s23+$0x0], $0xffff;
	_ =	sdelay $0x4  }
0xe4: {  	v44 =	vadd.f32 v51, v44;
	_ =	sdelay $0x1  }
0xe5: {  	v45 =	vmul.f32 $2.000000030e-01, v44  }
0xe6: {  	vm10 =	vgt.f32 v44, $0.0e+00  }
0xe7: {  	v44 =	vsel vm10, v44, v45  }
0xe8: {  	v44 =	vmul.f32 $1.442695020e+00, v44;
	_ =	sdelay $0x1  }
0xe9: {  	(erf) = vpow2.f32 v44;
	_ =	sdelay $0x8  }
0xea: {  	v44 =	vpop (erf)  }
0xeb: {  	v47 =	vld.idx.msk [tilespmem:v34+s23+$0x0], $0xffff;
	[tilespmem:v29+s19+$0x0] =	vst.idx.msk $0xffff, v44  }
0xec: {  	v44 =	vld.idx.msk [tilespmem:v31+s19+$0x0], $0xffff  }
0xed: {  	v52 =	vld.idx.msk [tilespmem:v32+s23+$0x0], $0xffff  }
0xee: {  	v53 =	vld.idx.msk [tilespmem:v33+s19+$0x0], $0xffff;
	_ =	sdelay $0x3  }
0xef: {  	v44 =	vadd.f32 v52, v44  }
0xf0: {  	v54 =	vadd.f32 v47, v53  }
0xf1: {  	v55 =	vmul.f32 $2.000000030e-01, v44  }
0xf2: {  	v47 =	vmul.f32 $2.000000030e-01, v54;
	vm11 =	vgt.f32 v44, $0.0e+00  }
0xf3: {  	vm12 =	vgt.f32 v54, $0.0e+00;
	v44 =	vsel vm11, v44, v55  }
0xf4: {  	v45 =	vsel vm12, v54, v47;
	v44 =	vmul.f32 $1.442695020e+00, v44  }
0xf5: {  	v45 =	vmul.f32 $1.442695020e+00, v45  }
0xf6: {  	(erf) = vpow2.f32 v44  }
0xf7: {  	(erf) = vpow2.f32 v45;
	_ =	sdelay $0x7  }
0xf8: {  	v44 =	vpop (erf)  }
0xf9: {  	v45 =	vpop (erf)  }
0xfa: {  	[tilespmem:v33+s19+$0x0] =	vst.idx.msk $0xffff, v45  }
0xfb: {  	v45 =	vld.idx.msk [tilespmem:v35+s19+$0x0], $0xffff  }
0xfc: {  	v56 =	vld.idx.msk [tilespmem:v36+s23+$0x0], $0xffff;
	_ =	sdelay $0x4  }
0xfd: {  	v45 =	vadd.f32 v56, v45;
	_ =	sdelay $0x1  }
0xfe: {  	v46 =	vmul.f32 $2.000000030e-01, v45  }
0xff: {  	vm13 =	vgt.f32 v45, $0.0e+00  }
0x100: {  	v45 =	vsel vm13, v45, v46  }
0x101: {  	v45 =	vmul.f32 $1.442695020e+00, v45;
	_ =	sdelay $0x1  }
0x102: {  	(erf) = vpow2.f32 v45;
	_ =	sdelay $0x8  }
0x103: {  	v45 =	vpop (erf)  }
0x104: {  	[tilespmem:v35+s19+$0x0] =	vst.idx.msk $0xffff, v45  }
0x105: {  	v45 =	vld.idx.msk [tilespmem:v37+s19+$0x0], $0xffff  }
0x106: {  	v57 =	vld.idx.msk [tilespmem:v38+s23+$0x0], $0xffff;
	_ =	sdelay $0x4  }
0x107: {  	v45 =	vadd.f32 v57, v45;
	_ =	sdelay $0x1  }
0x108: {  	v46 =	vmul.f32 $2.000000030e-01, v45  }
0x109: {  	vm14 =	vgt.f32 v45, $0.0e+00  }
0x10a: {  	v45 =	vsel vm14, v45, v46  }
0x10b: {  	v45 =	vmul.f32 $1.442695020e+00, v45;
	_ =	sdelay $0x1  }
0x10c: {  	(erf) = vpow2.f32 v45;
	_ =	sdelay $0x8  }
0x10d: {  	v45 =	vpop (erf)  }
0x10e: {  	[tilespmem:v37+s19+$0x0] =	vst.idx.msk $0xffff, v45  }
0x10f: {  	v45 =	vld.idx.msk [tilespmem:v39+s19+$0x0], $0xffff  }
0x110: {  	v58 =	vld.idx.msk [tilespmem:v40+s23+$0x0], $0xffff;
	_ =	sdelay $0x4  }
0x111: {  	v45 =	vadd.f32 v58, v45;
	_ =	sdelay $0x1  }
0x112: {  	v46 =	vmul.f32 $2.000000030e-01, v45  }
0x113: {  	vm15 =	vgt.f32 v45, $0.0e+00  }
0x114: {  	v45 =	vsel vm15, v45, v46  }
0x115: {  	v45 =	vmul.f32 $1.442695020e+00, v45;
	_ =	sdelay $0x1  }
0x116: {  	(erf) = vpow2.f32 v45;
	_ =	sdelay $0x5  }
0x117: {  	[tilespmem:v7+s19+$0x0] =	vst.idx.msk $0xffff, v41  }
0x118: {  	[tilespmem:v15+s19+$0x0] =	vst.idx.msk $0xffff, v42  }
0x119: {  	[tilespmem:v23+s19+$0x0] =	vst.idx.msk $0xffff, v43  }
0x11a: {  	[tilespmem:v31+s19+$0x0] =	vst.idx.msk $0xffff, v44;
	v59 =	vpop (erf)  }
0x11b: {  	s11 =	simm.s32 $0x1AC0;
	[tilespmem:v39+s19+$0x0] =	vst.idx.msk $0xffff, v59  }
0x11c: {  	v42 =	vld [tilespmem:s11+$0x110]  }
0x11d: {  	v43 =	vld [tilespmem:s11+$0xFFFFFFF0]  }
0x11e: {  	v44 =	vld [tilespmem:s11+$0x100]  }
0x11f: {  	v45 =	vld [tilespmem:s11+$0x80]  }
0x120: {  	v60 =	vld [tilespmem:s11+$0xFFFFFF60]  }
0x121: {  	v61 =	vld [tilespmem:s11+$0xFFFFFEE0]  }
0x122: {  	v48 =	vld [tilespmem:s11+$0xFFFFFEF0]  }
0x123: {  	v49 =	vld [tilespmem:s11+$0xFFFFFF00]  }
0x124: {  	v50 =	vld [tilespmem:s11+$0xFFFFFF10]  }
0x125: {  	v51 =	vld [tilespmem:s11+$0xFFFFFF20]  }
0x126: {  	v52 =	vld [tilespmem:s11+$0xFFFFFF30];
	v41 =	vbroadcast v42, $0x3  }
0x127: {  	v54 =	vld [tilespmem:s11+$0xFFFFFF40];
	v53 =	vbroadcast v60, $0x0  }
0x128: {  	v55 =	vld [tilespmem:s11+$0xFFFFFF50];
	v44 =	vmul.f32 v44, v41  }
0x129: {  	v57 =	vld [tilespmem:s11+$0xFFFFFF70];
	v56 =	vbroadcast v60, $0x1;
	v47 =	vmul.f32 v53, v61  }
0x12a: {  	v63 =	vld [tilespmem:s11+$0xFFFFFF80];
	v59 =	vbroadcast v60, $0x2;
	v62 =	vmul.f32 v48, v53;
	[tilespmem:s11+$0x100] =	vst v44  }
0x12b: {  	v49 =	vmul.f32 v49, v56;
	v50 =	vmul.f32 v50, v56;
	v56 =	vld [tilespmem:s11+$0x20];
	[tilespmem:s11+$0xFFFFFEE0] =	vst v47  }
0x12c: {  	v47 =	vld [tilespmem:s11+$0xFFFFFF90];
	[tilespmem:s11+$0xFFFFFEF0] =	vst v62  }
0x12d: {  	v46 =	vbroadcast v60, $0x3;
	v51 =	vmul.f32 v51, v59;
	v44 =	vld [tilespmem:s11+$0xFFFFFFA0];
	[tilespmem:s11+$0xFFFFFF00] =	vst v49  }
0x12e: {  	v52 =	vmul.f32 v52, v59;
	v49 =	vld [tilespmem:s11+$0xFFFFFFB0];
	[tilespmem:s11+$0xFFFFFF10] =	vst v50  }
0x12f: {  	v60 =	vbroadcast v43, $0x0;
	v54 =	vmul.f32 v54, v46;
	v50 =	vld [tilespmem:s11+$0xFFFFFFC0];
	[tilespmem:s11+$0xFFFFFF20] =	vst v51  }
0x130: {  	v46 =	vmul.f32 v55, v46;
	v51 =	vld [tilespmem:s11+$0xFFFFFFD0];
	[tilespmem:s11+$0xFFFFFF30] =	vst v52  }
0x131: {  	v61 =	vbroadcast v43, $0x1;
	v48 =	vmul.f32 v63, v60;
	v52 =	vld [tilespmem:s11+$0xFFFFFFE0];
	[tilespmem:s11+$0xFFFFFF40] =	vst v54  }
0x132: {  	v62 =	vmul.f32 v60, v57;
	v54 =	vld [tilespmem:s11+$0x0];
	[tilespmem:s11+$0xFFFFFF50] =	vst v46  }
0x133: {  	v63 =	vbroadcast v43, $0x2;
	v46 =	vld [tilespmem:s11+$0x10];
	[tilespmem:s11+$0xFFFFFF80] =	vst v48;
	v47 =	vmul.f32 v47, v61  }
0x134: {  	v43 =	vbroadcast v43, $0x3;
	v55 =	vld [tilespmem:s11+$0x70];
	[tilespmem:s11+$0xFFFFFF70] =	vst v62;
	v44 =	vmul.f32 v44, v61  }
0x135: {  	v60 =	vld [tilespmem:s11+$0x30];
	v62 =	vbroadcast v45, $0x1;
	v49 =	vmul.f32 v49, v63;
	[tilespmem:s11+$0xFFFFFF90] =	vst v47  }
0x136: {  	v50 =	vmul.f32 v50, v63;
	v61 =	vbroadcast v45, $0x0;
	v47 =	vld [tilespmem:s11+$0x40];
	[tilespmem:s11+$0xFFFFFFA0] =	vst v44  }
0x137: {  	v51 =	vmul.f32 v51, v43;
	v43 =	vmul.f32 v52, v43;
	v44 =	vld [tilespmem:s11+$0x50];
	[tilespmem:s11+$0xFFFFFFB0] =	vst v49  }
0x138: {  	v49 =	vld [tilespmem:s11+$0x60];
	v54 =	vmul.f32 v61, v54;
	[tilespmem:s11+$0xFFFFFFC0] =	vst v50;
	v46 =	vmul.f32 v46, v61  }
0x139: {  	v53 =	vld [tilespmem:s11+$0x90];
	[tilespmem:s11+$0xFFFFFFD0] =	vst v51;
	v51 =	vmul.f32 v56, v62;
	v61 =	vbroadcast v45, $0x3  }
0x13a: {  	v63 =	vbroadcast v45, $0x2;
	v52 =	vmul.f32 v60, v62;
	v60 =	vld [tilespmem:s11+$0xA0];
	[tilespmem:s11+$0xFFFFFFE0] =	vst v43  }
0x13b: {  	v45 =	vld [tilespmem:s11+$0xB0];
	[tilespmem:s11+$0x20] =	vst v51;
	v51 =	vmul.f32 v55, v61  }
0x13c: {  	[tilespmem:s11+$0x10] =	vst v46;
	v46 =	vld [tilespmem:s11+$0xC0];
	v62 =	vmul.f32 v47, v63;
	v48 =	vmul.f32 v44, v63  }
0x13d: {  	[tilespmem:s11+$0x30] =	vst v52;
	v63 =	vbroadcast v42, $0x0;
	v50 =	vmul.f32 v49, v61;
	v47 =	vld [tilespmem:s11+$0xD0]  }
0x13e: {  	[tilespmem:s11+$0x0] =	vst v54;
	v44 =	vbroadcast v42, $0x1;
	v42 =	vbroadcast v42, $0x2;
	v49 =	vld [tilespmem:s11+$0xE0]  }
0x13f: {  	s12 =	simm.s32 $0x0;
	s13 =	simm.s32 $0x1D00;
	v43 =	vld [tilespmem:s11+$0xF0];
	[tilespmem:s11+$0x40] =	vst v62;
	v53 =	vmul.f32 v63, v53;
	v52 =	vmul.f32 v60, v63  }
.LBB2_6:
0x140: {  	v54 =	vld [tilespmem:s13+$0x110];
	s12 =	sadd.s32 $0x4, s12;
	[tilespmem:s11+$0x50] =	vst v48;
	v45 =	vmul.f32 v45, v44  }
0x141: {  	v48 =	vld [tilespmem:s13+$0xFFFFFFF0];
	p0 =	slt.u32 s12, $0x4C;
	[tilespmem:s11+$0x60] =	vst v50;
	v44 =	vmul.f32 v46, v44  }
0x142: {  	v46 =	vld [tilespmem:s13+$0x100];
	[tilespmem:s11+$0x70] =	vst v51;
	v47 =	vmul.f32 v47, v42  }
0x143: {  	v50 =	vld [tilespmem:s13+$0x80];
	[tilespmem:s11+$0x90] =	vst v53;
	v42 =	vmul.f32 v49, v42  }
0x144: {  	v49 =	vld [tilespmem:s13+$0xFFFFFF60];
	[tilespmem:s11+$0xA0] =	vst v52;
	v51 =	vmul.f32 v43, v41  }
0x145: {  	v52 =	vld [tilespmem:s13+$0xFFFFFEE0];
	v43 =	vbroadcast v54, $0x0;
	v41 =	vbroadcast v54, $0x3;
	[tilespmem:s11+$0xB0] =	vst v45  }
0x146: {  	v45 =	vld [tilespmem:s13+$0xFFFFFEF0];
	v53 =	vbroadcast v48, $0x0;
	v55 =	vbroadcast v48, $0x1;
	[tilespmem:s11+$0xC0] =	vst v44  }
0x147: {  	v57 =	vbroadcast v48, $0x2;
	v56 =	vld [tilespmem:s13+$0xFFFFFF00];
	v44 =	vmul.f32 v46, v41;
	[tilespmem:s11+$0xD0] =	vst v47  }
0x148: {  	v47 =	vbroadcast v48, $0x3;
	v46 =	vld [tilespmem:s13+$0xFFFFFF10];
	v48 =	vbroadcast v50, $0x0;
	[tilespmem:s11+$0xE0] =	vst v42  }
0x149: {  	v58 =	vbroadcast v49, $0x0;
	v59 =	vbroadcast v49, $0x1;
	v60 =	vld [tilespmem:s13+$0xFFFFFF20];
	[tilespmem:s13+$0x100] =	vst v44  }
0x14a: {  	v61 =	vbroadcast v49, $0x2;
	v49 =	vbroadcast v49, $0x3;
	v62 =	vld [tilespmem:s13+$0xFFFFFF30];
	[tilespmem:s11+$0xF0] =	vst v51;
	s11 =	smov.u32 s13  }
0x14b: {  	v63 =	vbroadcast v50, $0x1;
	v0 =	vbroadcast v50, $0x2;
	v51 =	vld [tilespmem:s13+$0xFFFFFF40]  }
0x14c: {  	v6 =	vbroadcast v50, $0x3;
	v44 =	vbroadcast v54, $0x1;
	v4 =	vld [tilespmem:s13+$0xFFFFFF50]  }
0x14d: {  	v42 =	vbroadcast v54, $0x2;
	v50 =	vmul.f32 v58, v52;
	v52 =	vld [tilespmem:s13+$0xFFFFFF70]  }
0x14e: {  	v45 =	vmul.f32 v45, v58;
	v54 =	vmul.f32 v56, v59;
	v56 =	vld [tilespmem:s13+$0xFFFFFF80]  }
0x14f: {  	v46 =	vmul.f32 v46, v59;
	[tilespmem:s13+$0xFFFFFEE0] =	vst v50;
	v50 =	vmul.f32 v60, v61;
	v58 =	vld [tilespmem:s13+$0xFFFFFF90]  }
0x150: {  	[tilespmem:s13+$0xFFFFFEF0] =	vst v45;
	v45 =	vmul.f32 v62, v61;
	v51 =	vmul.f32 v51, v49;
	v59 =	vld [tilespmem:s13+$0xFFFFFFA0]  }
0x151: {  	[tilespmem:s13+$0xFFFFFF00] =	vst v54;
	v4 =	vmul.f32 v4, v49;
	v49 =	vld [tilespmem:s13+$0xFFFFFFB0]  }
0x152: {  	[tilespmem:s13+$0xFFFFFF10] =	vst v46;
	v46 =	vmul.f32 v53, v52;
	v52 =	vld [tilespmem:s13+$0xFFFFFFC0]  }
0x153: {  	[tilespmem:s13+$0xFFFFFF20] =	vst v50;
	v50 =	vmul.f32 v56, v53;
	v53 =	vld [tilespmem:s13+$0xFFFFFFD0]  }
0x154: {  	[tilespmem:s13+$0xFFFFFF30] =	vst v45;
	v45 =	vmul.f32 v58, v55;
	v54 =	vld [tilespmem:s13+$0xFFFFFFE0]  }
0x155: {  	[tilespmem:s13+$0xFFFFFF40] =	vst v51;
	v51 =	vmul.f32 v59, v55;
	v55 =	vld [tilespmem:s13+$0x0]  }
0x156: {  	[tilespmem:s13+$0xFFFFFF50] =	vst v4;
	v4 =	vmul.f32 v49, v57;
	v49 =	vld [tilespmem:s13+$0x10]  }
0x157: {  	[tilespmem:s13+$0xFFFFFF70] =	vst v46;
	v46 =	vmul.f32 v52, v57;
	v52 =	vld [tilespmem:s13+$0x20]  }
0x158: {  	[tilespmem:s13+$0xFFFFFF80] =	vst v50;
	v50 =	vmul.f32 v53, v47;
	v53 =	vld [tilespmem:s13+$0x30]  }
0x159: {  	[tilespmem:s13+$0xFFFFFF90] =	vst v45;
	v45 =	vmul.f32 v54, v47;
	v47 =	vld [tilespmem:s13+$0x40]  }
0x15a: {  	[tilespmem:s13+$0xFFFFFFA0] =	vst v51;
	v51 =	vmul.f32 v48, v55;
	v54 =	vld [tilespmem:s13+$0x50]  }
0x15b: {  	[tilespmem:s13+$0xFFFFFFB0] =	vst v4;
	v4 =	vmul.f32 v49, v48;
	v49 =	vld [tilespmem:s13+$0x60]  }
0x15c: {  	[tilespmem:s13+$0xFFFFFFC0] =	vst v46;
	v52 =	vmul.f32 v52, v63;
	v55 =	vld [tilespmem:s13+$0x70]  }
0x15d: {  	[tilespmem:s13+$0xFFFFFFD0] =	vst v50;
	v53 =	vmul.f32 v53, v63;
	v56 =	vld [tilespmem:s13+$0x90]  }
0x15e: {  	[tilespmem:s13+$0xFFFFFFE0] =	vst v45;
	v57 =	vmul.f32 v47, v0;
	v58 =	vld [tilespmem:s13+$0xA0]  }
.Ltmp1:
0x15f: {  	[tilespmem:s13+$0x0] =	vst v51;
	v48 =	vmul.f32 v54, v0;
	v45 =	vld [tilespmem:s13+$0xB0];
	(pc) =	sbr.rel @p0 .LBB2_6-.Ltmp1, $4  }
0x160: {  	[tilespmem:s13+$0x10] =	vst v4;
	v50 =	vmul.f32 v49, v6;
	v46 =	vld [tilespmem:s13+$0xC0]  }
0x161: {  	[tilespmem:s13+$0x20] =	vst v52;
	v51 =	vmul.f32 v55, v6;
	v47 =	vld [tilespmem:s13+$0xD0]  }
0x162: {  	[tilespmem:s13+$0x30] =	vst v53;
	v53 =	vmul.f32 v43, v56;
	v49 =	vld [tilespmem:s13+$0xE0]  }
0x163: {  	s13 =	sadd.s32 $0x240, s13;
	[tilespmem:s11+$0x40] =	vst v57;
	v52 =	vmul.f32 v58, v43;
	v43 =	vld [tilespmem:s11+$0xF0]  }
0x164: {  	[tilespmem:s11+$0x50] =	vst v48  }
0x165: {  	[tilespmem:s11+$0x60] =	vst v50  }
0x166: {  	[tilespmem:s11+$0x70] =	vst v51  }
0x167: {  	v0 =	vmul.f32 v45, v44;
	[tilespmem:s11+$0x90] =	vst v53  }
0x168: {  	v4 =	vmul.f32 v46, v44;
	[tilespmem:s11+$0xA0] =	vst v52  }
0x169: {  	v6 =	vmul.f32 v47, v42;
	[tilespmem:s11+$0xB0] =	vst v0  }
0x16a: {  	s12 =	smul.u32 $0x280, s10;
	v0 =	vmul.f32 v49, v42;
	[tilespmem:s11+$0xC0] =	vst v4  }
0x16b: {  	v4 =	vmul.f32 v43, v41;
	[tilespmem:s11+$0xD0] =	vst v6  }
0x16c: {  	s12 =	sshra.s32 s12, $0x2;
	[tilespmem:s11+$0xE0] =	vst v0  }
0x16d: {  	s14 =	sadd.s32 $0x7D0, s12;
	[tilespmem:s11+$0xF0] =	vst v4  }
0x16e: {  	[spmem:s3] =	stream.indirect.scatter.add.f32 [tilespmem:s19], [sflag:$0x5], $0x90, s14, s22, $0xb8;
	[tilespmem:$0x1D330] =	vst v63  }
0x16f: {  	s11 =	smul.u32 $0xA0, s10;
	_ =	swait.ge [sflag:s20], $0x2D00  }
0x170: {  	[sflag:s20] =	ssyncset.done $0x0  }
0x171: {  	s13 =	sadd.s32 $0xA0, s11;
	[sflag:s20] =	ssyncadd.s32 $0xFFFFD300  }
0x172: {  	[tilespmem:s19], [sflag:$0x1] =	stream.indirect.gather [hbm4b:s5+s22], $0x90, s13, s22, $0xb8;
	[tilespmem:$0x1D330] =	vst v63  }
0x173: {  	s15 =	sadd.s32 $0x870, s11  }
0x174: {  	[tilespmem:s23], [sflag:$0x3] =	stream.indirect.gather [hbm4b:s6+s22], $0x10, s15, s22, $0xb8;
	[tilespmem:$0x1D330] =	vst v63  }
0x175: {  	_ =	swait.ge [sflag:s30], $0x2D00  }
0x176: {  	[sflag:s30] =	ssyncset.done $0x0  }
0x177: {  	[sflag:s30] =	ssyncadd.s32 $0xFFFFD300  }
0x178: {  	_ =	swait.ge [sflag:s31], $0x500  }
0x179: {  	[sflag:s31] =	ssyncset.done $0x0  }
0x17a: {  	[sflag:s31] =	ssyncadd.s32 $0xFFFFFB00  }
0x17b: {  	v0 =	vld.idx.msk [tilespmem:v2+s24+$0x0], $0xffff  }
0x17c: {  	v4 =	vld.idx.msk [tilespmem:v8+s26+$0x0], $0xffff;
	_ =	sdelay $0x4  }
0x17d: {  	v0 =	vadd.f32 v4, v0;
	_ =	sdelay $0x1  }
0x17e: {  	v4 =	vmul.f32 $2.000000030e-01, v0  }
0x17f: {  	vm0 =	vgt.f32 v0, $0.0e+00  }
0x180: {  	v0 =	vsel vm0, v0, v4  }
0x181: {  	v0 =	vmul.f32 $1.442695020e+00, v0;
	_ =	sdelay $0x1  }
0x182: {  	(erf) = vpow2.f32 v0;
	_ =	sdelay $0x3  }
0x183: {  	v4 =	vld [tilespmem:$0x1FFD0];
	_ =	sdelay $0x4  }
0x184: {  	v0 =	vpop (erf)  }
0x185: {  	[tilespmem:v2+s24+$0x0] =	vst.idx.msk $0xffff, v0  }
0x186: {  	v0 =	vld.idx.msk [tilespmem:v3+s24+$0x0], $0xffff  }
0x187: {  	v4 =	vld.idx.msk [tilespmem:v4+s26+$0x0], $0xffff;
	_ =	sdelay $0x4  }
0x188: {  	v0 =	vadd.f32 v4, v0;
	_ =	sdelay $0x1  }
0x189: {  	v4 =	vmul.f32 $2.000000030e-01, v0  }
0x18a: {  	vm9 =	vgt.f32 v0, $0.0e+00  }
0x18b: {  	v0 =	vsel vm9, v0, v4  }
0x18c: {  	v0 =	vmul.f32 $1.442695020e+00, v0;
	_ =	sdelay $0x1  }
0x18d: {  	(erf) = vpow2.f32 v0;
	_ =	sdelay $0x3  }
0x18e: {  	v4 =	vld [tilespmem:$0x1FFE0];
	_ =	sdelay $0x4  }
0x18f: {  	v0 =	vpop (erf)  }
0x190: {  	[tilespmem:v3+s24+$0x0] =	vst.idx.msk $0xffff, v0  }
0x191: {  	v0 =	vld.idx.msk [tilespmem:v5+s24+$0x0], $0xffff  }
0x192: {  	v4 =	vld.idx.msk [tilespmem:v4+s26+$0x0], $0xffff;
	_ =	sdelay $0x4  }
0x193: {  	v0 =	vadd.f32 v4, v0;
	_ =	sdelay $0x1  }
0x194: {  	v4 =	vmul.f32 $2.000000030e-01, v0  }
0x195: {  	vm10 =	vgt.f32 v0, $0.0e+00  }
0x196: {  	v0 =	vsel vm10, v0, v4  }
0x197: {  	v0 =	vmul.f32 $1.442695020e+00, v0;
	_ =	sdelay $0x1  }
0x198: {  	(erf) = vpow2.f32 v0;
	_ =	sdelay $0x3  }
0x199: {  	v4 =	vld [tilespmem:$0x1FFF0];
	_ =	sdelay $0x4  }
0x19a: {  	v0 =	vpop (erf)  }
0x19b: {  	v6 =	vld.idx.msk [tilespmem:v9+s24+$0x0], $0xffff;
	[tilespmem:v5+s24+$0x0] =	vst.idx.msk $0xffff, v0  }
0x19c: {  	v0 =	vld.idx.msk [tilespmem:v7+s24+$0x0], $0xffff  }
0x19d: {  	v4 =	vld.idx.msk [tilespmem:v4+s26+$0x0], $0xffff  }
0x19e: {  	v59 =	vld.idx.msk [tilespmem:v10+s26+$0x0], $0xffff;
	_ =	sdelay $0x3  }
0x19f: {  	v0 =	vadd.f32 v4, v0  }
0x1a0: {  	v4 =	vadd.f32 v59, v6  }
0x1a1: {  	v6 =	vmul.f32 $2.000000030e-01, v0  }
0x1a2: {  	vm11 =	vgt.f32 v0, $0.0e+00;
	v41 =	vmul.f32 $2.000000030e-01, v4  }
0x1a3: {  	vm12 =	vgt.f32 v4, $0.0e+00;
	v0 =	vsel vm11, v0, v6  }
0x1a4: {  	v4 =	vsel vm12, v4, v41;
	v0 =	vmul.f32 $1.442695020e+00, v0  }
0x1a5: {  	v4 =	vmul.f32 $1.442695020e+00, v4  }
0x1a6: {  	(erf) = vpow2.f32 v0  }
0x1a7: {  	(erf) = vpow2.f32 v4;
	_ =	sdelay $0x7  }
0x1a8: {  	v60 =	vpop (erf)  }
0x1a9: {  	v0 =	vpop (erf)  }
0x1aa: {  	[tilespmem:v9+s24+$0x0] =	vst.idx.msk $0xffff, v0  }
0x1ab: {  	v0 =	vld.idx.msk [tilespmem:v11+s24+$0x0], $0xffff  }
0x1ac: {  	v4 =	vld.idx.msk [tilespmem:v12+s26+$0x0], $0xffff;
	_ =	sdelay $0x4  }
0x1ad: {  	v0 =	vadd.f32 v4, v0;
	_ =	sdelay $0x1  }
0x1ae: {  	v4 =	vmul.f32 $2.000000030e-01, v0  }
0x1af: {  	vm13 =	vgt.f32 v0, $0.0e+00  }
0x1b0: {  	v0 =	vsel vm13, v0, v4  }
0x1b1: {  	v0 =	vmul.f32 $1.442695020e+00, v0;
	_ =	sdelay $0x1  }
0x1b2: {  	(erf) = vpow2.f32 v0;
	_ =	sdelay $0x8  }
0x1b3: {  	v0 =	vpop (erf)  }
0x1b4: {  	[tilespmem:v11+s24+$0x0] =	vst.idx.msk $0xffff, v0  }
0x1b5: {  	v0 =	vld.idx.msk [tilespmem:v13+s24+$0x0], $0xffff  }
0x1b6: {  	v4 =	vld.idx.msk [tilespmem:v14+s26+$0x0], $0xffff;
	_ =	sdelay $0x4  }
0x1b7: {  	v0 =	vadd.f32 v4, v0;
	_ =	sdelay $0x1  }
0x1b8: {  	v4 =	vmul.f32 $2.000000030e-01, v0  }
0x1b9: {  	vm14 =	vgt.f32 v0, $0.0e+00  }
0x1ba: {  	v0 =	vsel vm14, v0, v4  }
0x1bb: {  	v0 =	vmul.f32 $1.442695020e+00, v0;
	_ =	sdelay $0x1  }
0x1bc: {  	(erf) = vpow2.f32 v0;
	_ =	sdelay $0x8  }
0x1bd: {  	v0 =	vpop (erf)  }
0x1be: {  	v61 =	vld.idx.msk [tilespmem:v18+s26+$0x0], $0xffff;
	[tilespmem:v13+s24+$0x0] =	vst.idx.msk $0xffff, v0  }
0x1bf: {  	v0 =	vld.idx.msk [tilespmem:v15+s24+$0x0], $0xffff  }
0x1c0: {  	v4 =	vld.idx.msk [tilespmem:v16+s26+$0x0], $0xffff  }
0x1c1: {  	v6 =	vld.idx.msk [tilespmem:v17+s24+$0x0], $0xffff;
	_ =	sdelay $0x3  }
0x1c2: {  	v0 =	vadd.f32 v4, v0  }
0x1c3: {  	v4 =	vadd.f32 v61, v6  }
0x1c4: {  	v6 =	vmul.f32 $2.000000030e-01, v0  }
0x1c5: {  	vm15 =	vgt.f32 v0, $0.0e+00;
	v42 =	vmul.f32 $2.000000030e-01, v4  }
0x1c6: {  	vm4 =	vgt.f32 v4, $0.0e+00;
	v0 =	vsel vm15, v0, v6  }
0x1c7: {  	v4 =	vsel vm4, v4, v42;
	v0 =	vmul.f32 $1.442695020e+00, v0  }
0x1c8: {  	v4 =	vmul.f32 $1.442695020e+00, v4  }
0x1c9: {  	(erf) = vpow2.f32 v0  }
0x1ca: {  	(erf) = vpow2.f32 v4;
	_ =	sdelay $0x7  }
0x1cb: {  	v0 =	vpop (erf)  }
0x1cc: {  	v4 =	vpop (erf)  }
0x1cd: {  	[tilespmem:v17+s24+$0x0] =	vst.idx.msk $0xffff, v4  }
0x1ce: {  	v4 =	vld.idx.msk [tilespmem:v19+s24+$0x0], $0xffff  }
0x1cf: {  	v6 =	vld.idx.msk [tilespmem:v20+s26+$0x0], $0xffff;
	_ =	sdelay $0x4  }
0x1d0: {  	v4 =	vadd.f32 v6, v4;
	_ =	sdelay $0x1  }
0x1d1: {  	v6 =	vmul.f32 $2.000000030e-01, v4  }
0x1d2: {  	vm5 =	vgt.f32 v4, $0.0e+00  }
0x1d3: {  	v4 =	vsel vm5, v4, v6  }
0x1d4: {  	v4 =	vmul.f32 $1.442695020e+00, v4;
	_ =	sdelay $0x1  }
0x1d5: {  	(erf) = vpow2.f32 v4;
	_ =	sdelay $0x8  }
0x1d6: {  	v4 =	vpop (erf)  }
0x1d7: {  	[tilespmem:v19+s24+$0x0] =	vst.idx.msk $0xffff, v4  }
0x1d8: {  	v4 =	vld.idx.msk [tilespmem:v21+s24+$0x0], $0xffff  }
0x1d9: {  	v6 =	vld.idx.msk [tilespmem:v22+s26+$0x0], $0xffff;
	_ =	sdelay $0x4  }
0x1da: {  	v4 =	vadd.f32 v6, v4;
	_ =	sdelay $0x1  }
0x1db: {  	v6 =	vmul.f32 $2.000000030e-01, v4  }
0x1dc: {  	vm6 =	vgt.f32 v4, $0.0e+00  }
0x1dd: {  	v4 =	vsel vm6, v4, v6  }
0x1de: {  	v4 =	vmul.f32 $1.442695020e+00, v4;
	_ =	sdelay $0x1  }
0x1df: {  	(erf) = vpow2.f32 v4;
	_ =	sdelay $0x8  }
0x1e0: {  	v4 =	vpop (erf)  }
0x1e1: {  	v62 =	vld.idx.msk [tilespmem:v25+s24+$0x0], $0xffff;
	[tilespmem:v21+s24+$0x0] =	vst.idx.msk $0xffff, v4  }
0x1e2: {  	v4 =	vld.idx.msk [tilespmem:v23+s24+$0x0], $0xffff  }
0x1e3: {  	v6 =	vld.idx.msk [tilespmem:v24+s26+$0x0], $0xffff  }
0x1e4: {  	v63 =	vld.idx.msk [tilespmem:v26+s26+$0x0], $0xffff;
	_ =	sdelay $0x3  }
0x1e5: {  	v4 =	vadd.f32 v6, v4  }
0x1e6: {  	v6 =	vadd.f32 v63, v62  }
0x1e7: {  	v45 =	vmul.f32 $2.000000030e-01, v4  }
0x1e8: {  	vm7 =	vgt.f32 v4, $0.0e+00;
	v43 =	vmul.f32 $2.000000030e-01, v6  }
0x1e9: {  	vm8 =	vgt.f32 v6, $0.0e+00;
	v4 =	vsel vm7, v4, v45  }
0x1ea: {  	v6 =	vsel vm8, v6, v43;
	v4 =	vmul.f32 $1.442695020e+00, v4  }
0x1eb: {  	v6 =	vmul.f32 $1.442695020e+00, v6  }
0x1ec: {  	(erf) = vpow2.f32 v4  }
0x1ed: {  	(erf) = vpow2.f32 v6;
	_ =	sdelay $0x7  }
0x1ee: {  	v4 =	vpop (erf)  }
0x1ef: {  	v6 =	vpop (erf)  }
0x1f0: {  	[tilespmem:v25+s24+$0x0] =	vst.idx.msk $0xffff, v6  }
0x1f1: {  	v6 =	vld.idx.msk [tilespmem:v27+s24+$0x0], $0xffff  }
0x1f2: {  	v46 =	vld.idx.msk [tilespmem:v28+s26+$0x0], $0xffff;
	_ =	sdelay $0x4  }
0x1f3: {  	v6 =	vadd.f32 v46, v6;
	_ =	sdelay $0x1  }
0x1f4: {  	v42 =	vmul.f32 $2.000000030e-01, v6  }
0x1f5: {  	vm9 =	vgt.f32 v6, $0.0e+00  }
0x1f6: {  	v6 =	vsel vm9, v6, v42  }
0x1f7: {  	v6 =	vmul.f32 $1.442695020e+00, v6;
	_ =	sdelay $0x1  }
0x1f8: {  	(erf) = vpow2.f32 v6;
	_ =	sdelay $0x8  }
0x1f9: {  	v6 =	vpop (erf)  }
0x1fa: {  	[tilespmem:v27+s24+$0x0] =	vst.idx.msk $0xffff, v6  }
0x1fb: {  	v6 =	vld.idx.msk [tilespmem:v29+s24+$0x0], $0xffff  }
0x1fc: {  	v47 =	vld.idx.msk [tilespmem:v30+s26+$0x0], $0xffff;
	_ =	sdelay $0x4  }
0x1fd: {  	v6 =	vadd.f32 v47, v6;
	_ =	sdelay $0x1  }
0x1fe: {  	v42 =	vmul.f32 $2.000000030e-01, v6  }
0x1ff: {  	vm10 =	vgt.f32 v6, $0.0e+00  }
0x200: {  	v6 =	vsel vm10, v6, v42  }
0x201: {  	v6 =	vmul.f32 $1.442695020e+00, v6;
	_ =	sdelay $0x1  }
0x202: {  	(erf) = vpow2.f32 v6;
	_ =	sdelay $0x8  }
0x203: {  	v6 =	vpop (erf)  }
0x204: {  	v49 =	vld.idx.msk [tilespmem:v33+s24+$0x0], $0xffff;
	[tilespmem:v29+s24+$0x0] =	vst.idx.msk $0xffff, v6  }
0x205: {  	v6 =	vld.idx.msk [tilespmem:v31+s24+$0x0], $0xffff  }
0x206: {  	v48 =	vld.idx.msk [tilespmem:v32+s26+$0x0], $0xffff  }
0x207: {  	v50 =	vld.idx.msk [tilespmem:v34+s26+$0x0], $0xffff;
	_ =	sdelay $0x3  }
0x208: {  	v6 =	vadd.f32 v48, v6  }
0x209: {  	v51 =	vadd.f32 v50, v49  }
0x20a: {  	v52 =	vmul.f32 $2.000000030e-01, v6  }
0x20b: {  	v44 =	vmul.f32 $2.000000030e-01, v51;
	vm11 =	vgt.f32 v6, $0.0e+00  }
0x20c: {  	vm12 =	vgt.f32 v51, $0.0e+00;
	v6 =	vsel vm11, v6, v52  }
0x20d: {  	v42 =	vsel vm12, v51, v44;
	v6 =	vmul.f32 $1.442695020e+00, v6  }
0x20e: {  	v42 =	vmul.f32 $1.442695020e+00, v42  }
0x20f: {  	(erf) = vpow2.f32 v6  }
0x210: {  	(erf) = vpow2.f32 v42;
	_ =	sdelay $0x7  }
0x211: {  	v6 =	vpop (erf)  }
0x212: {  	v42 =	vpop (erf)  }
0x213: {  	[tilespmem:v33+s24+$0x0] =	vst.idx.msk $0xffff, v42  }
0x214: {  	v42 =	vld.idx.msk [tilespmem:v35+s24+$0x0], $0xffff  }
0x215: {  	v53 =	vld.idx.msk [tilespmem:v36+s26+$0x0], $0xffff;
	_ =	sdelay $0x4  }
0x216: {  	v42 =	vadd.f32 v53, v42;
	_ =	sdelay $0x1  }
0x217: {  	v43 =	vmul.f32 $2.000000030e-01, v42  }
0x218: {  	vm13 =	vgt.f32 v42, $0.0e+00  }
0x219: {  	v42 =	vsel vm13, v42, v43  }
0x21a: {  	v42 =	vmul.f32 $1.442695020e+00, v42;
	_ =	sdelay $0x1  }
0x21b: {  	(erf) = vpow2.f32 v42;
	_ =	sdelay $0x8  }
0x21c: {  	v42 =	vpop (erf)  }
0x21d: {  	[tilespmem:v35+s24+$0x0] =	vst.idx.msk $0xffff, v42  }
0x21e: {  	v42 =	vld.idx.msk [tilespmem:v37+s24+$0x0], $0xffff  }
0x21f: {  	v54 =	vld.idx.msk [tilespmem:v38+s26+$0x0], $0xffff;
	_ =	sdelay $0x4  }
0x220: {  	v42 =	vadd.f32 v54, v42;
	_ =	sdelay $0x1  }
0x221: {  	v43 =	vmul.f32 $2.000000030e-01, v42  }
0x222: {  	vm14 =	vgt.f32 v42, $0.0e+00  }
0x223: {  	v42 =	vsel vm14, v42, v43  }
0x224: {  	v42 =	vmul.f32 $1.442695020e+00, v42;
	_ =	sdelay $0x1  }
0x225: {  	(erf) = vpow2.f32 v42;
	_ =	sdelay $0x8  }
0x226: {  	v42 =	vpop (erf)  }
0x227: {  	[tilespmem:v37+s24+$0x0] =	vst.idx.msk $0xffff, v42  }
0x228: {  	v42 =	vld.idx.msk [tilespmem:v39+s24+$0x0], $0xffff  }
0x229: {  	v55 =	vld.idx.msk [tilespmem:v40+s26+$0x0], $0xffff;
	_ =	sdelay $0x4  }
0x22a: {  	v42 =	vadd.f32 v55, v42;
	_ =	sdelay $0x1  }
0x22b: {  	v43 =	vmul.f32 $2.000000030e-01, v42  }
0x22c: {  	vm15 =	vgt.f32 v42, $0.0e+00  }
0x22d: {  	v42 =	vsel vm15, v42, v43  }
0x22e: {  	v42 =	vmul.f32 $1.442695020e+00, v42;
	_ =	sdelay $0x1  }
0x22f: {  	(erf) = vpow2.f32 v42;
	_ =	sdelay $0x5  }
0x230: {  	[tilespmem:v7+s24+$0x0] =	vst.idx.msk $0xffff, v60  }
0x231: {  	[tilespmem:v15+s24+$0x0] =	vst.idx.msk $0xffff, v0  }
0x232: {  	[tilespmem:v23+s24+$0x0] =	vst.idx.msk $0xffff, v4  }
0x233: {  	[tilespmem:v31+s24+$0x0] =	vst.idx.msk $0xffff, v6;
	v0 =	vpop (erf)  }
0x234: {  	s13 =	simm.s32 $0x47C0;
	[tilespmem:v39+s24+$0x0] =	vst.idx.msk $0xffff, v0  }
0x235: {  	v0 =	vld [tilespmem:s13+$0x110]  }
0x236: {  	v4 =	vld [tilespmem:s13+$0xFFFFFFF0]  }
0x237: {  	v6 =	vld [tilespmem:s13+$0x100]  }
0x238: {  	v42 =	vld [tilespmem:s13+$0x80]  }
0x239: {  	v43 =	vld [tilespmem:s13+$0xFFFFFF60]  }
0x23a: {  	v56 =	vld [tilespmem:s13+$0xFFFFFEE0]  }
0x23b: {  	v63 =	vld [tilespmem:s13+$0xFFFFFEF0]  }
0x23c: {  	v46 =	vld [tilespmem:s13+$0xFFFFFF00]  }
0x23d: {  	v47 =	vld [tilespmem:s13+$0xFFFFFF10]  }
0x23e: {  	v57 =	vld [tilespmem:s13+$0xFFFFFF20]  }
0x23f: {  	v60 =	vld [tilespmem:s13+$0xFFFFFF40];
	v41 =	vbroadcast v0, $0x3  }
0x240: {  	v61 =	vld [tilespmem:s13+$0xFFFFFF50];
	v59 =	vbroadcast v43, $0x0;
	v62 =	vbroadcast v43, $0x1  }
0x241: {  	v58 =	vld [tilespmem:s13+$0xFFFFFF30];
	v55 =	vbroadcast v43, $0x2;
	v6 =	vmul.f32 v6, v41  }
0x242: {  	v54 =	vld [tilespmem:s13+$0xFFFFFF70];
	v43 =	vbroadcast v43, $0x3;
	v44 =	vmul.f32 v59, v56  }
0x243: {  	v46 =	vmul.f32 v46, v62;
	v56 =	vld [tilespmem:s13+$0xFFFFFF90];
	[tilespmem:s13+$0x100] =	vst v6  }
0x244: {  	v47 =	vmul.f32 v47, v62;
	v51 =	vmul.f32 v60, v43;
	v60 =	vld [tilespmem:s13+$0x0];
	[tilespmem:s13+$0xFFFFFEE0] =	vst v44  }
0x245: {  	v48 =	vmul.f32 v57, v55;
	v43 =	vmul.f32 v61, v43;
	v61 =	vld [tilespmem:s13+$0x10];
	[tilespmem:s13+$0xFFFFFF00] =	vst v46  }
0x246: {  	v49 =	vmul.f32 v58, v55;
	v6 =	vmul.f32 v63, v59;
	v63 =	vld [tilespmem:s13+$0xFFFFFF80];
	[tilespmem:s13+$0xFFFFFF10] =	vst v47  }
0x247: {  	v46 =	vld [tilespmem:s13+$0xFFFFFFB0];
	[tilespmem:s13+$0xFFFFFF20] =	vst v48  }
0x248: {  	v57 =	vbroadcast v4, $0x0;
	v47 =	vld [tilespmem:s13+$0xFFFFFFC0];
	[tilespmem:s13+$0xFFFFFF30] =	vst v49  }
0x249: {  	v58 =	vbroadcast v4, $0x1;
	v48 =	vld [tilespmem:s13+$0xFFFFFFD0];
	[tilespmem:s13+$0xFFFFFF40] =	vst v51  }
0x24a: {  	v59 =	vmul.f32 v57, v54;
	[tilespmem:s13+$0xFFFFFEF0] =	vst v6;
	v6 =	vld [tilespmem:s13+$0xFFFFFFA0]  }
0x24b: {  	v62 =	vbroadcast v4, $0x2;
	v49 =	vld [tilespmem:s13+$0xFFFFFFE0];
	[tilespmem:s13+$0xFFFFFF50] =	vst v43;
	v44 =	vmul.f32 v56, v58  }
0x24c: {  	[tilespmem:s13+$0xFFFFFF70] =	vst v59;
	v56 =	vld [tilespmem:s13+$0x30];
	v45 =	vmul.f32 v63, v57  }
0x24d: {  	v63 =	vld [tilespmem:s13+$0x20];
	v46 =	vmul.f32 v46, v62;
	[tilespmem:s13+$0xFFFFFF90] =	vst v44  }
0x24e: {  	v4 =	vbroadcast v4, $0x3;
	v44 =	vld [tilespmem:s13+$0x40];
	v47 =	vmul.f32 v47, v62;
	[tilespmem:s13+$0xFFFFFF80] =	vst v45  }
0x24f: {  	v57 =	vbroadcast v42, $0x0;
	v62 =	vld [tilespmem:s13+$0x90];
	v6 =	vmul.f32 v6, v58;
	[tilespmem:s13+$0xFFFFFFB0] =	vst v46  }
0x250: {  	v59 =	vbroadcast v42, $0x1;
	v48 =	vmul.f32 v48, v4;
	v58 =	vld [tilespmem:s13+$0x60];
	[tilespmem:s13+$0xFFFFFFC0] =	vst v47  }
0x251: {  	v4 =	vmul.f32 v49, v4;
	v51 =	vmul.f32 v57, v60;
	[tilespmem:s13+$0xFFFFFFA0] =	vst v6;
	v6 =	vld [tilespmem:s13+$0x50]  }
0x252: {  	v60 =	vld [tilespmem:s13+$0x70];
	v43 =	vmul.f32 v61, v57;
	v61 =	vbroadcast v42, $0x2;
	[tilespmem:s13+$0xFFFFFFD0] =	vst v48  }
0x253: {  	[tilespmem:s13+$0xFFFFFFE0] =	vst v4;
	v4 =	vld [tilespmem:s13+$0xA0];
	v42 =	vbroadcast v42, $0x3;
	v53 =	vmul.f32 v63, v59  }
0x254: {  	v45 =	vld [tilespmem:s13+$0xB0];
	[tilespmem:s13+$0x0] =	vst v51;
	v63 =	vmul.f32 v56, v59;
	v55 =	vmul.f32 v44, v61  }
0x255: {  	v46 =	vld [tilespmem:s13+$0xC0];
	[tilespmem:s13+$0x10] =	vst v43;
	v44 =	vbroadcast v0, $0x1;
	v50 =	vmul.f32 v58, v42  }
0x256: {  	v47 =	vld [tilespmem:s13+$0xD0];
	[tilespmem:s13+$0x20] =	vst v53;
	v48 =	vmul.f32 v6, v61;
	v6 =	vbroadcast v0, $0x0  }
0x257: {  	v49 =	vld [tilespmem:s13+$0xE0];
	v51 =	vmul.f32 v60, v42;
	v42 =	vbroadcast v0, $0x2;
	[tilespmem:s13+$0x30] =	vst v63  }
0x258: {  	s14 =	simm.s32 $0x0;
	s15 =	simm.s32 $0x4A00;
	v43 =	vld [tilespmem:s13+$0xF0];
	[tilespmem:s13+$0x40] =	vst v55;
	v53 =	vmul.f32 v6, v62;
	v52 =	vmul.f32 v4, v6  }
.LBB2_8:
0x259: {  	v0 =	vld [tilespmem:s15+$0x110];
	s14 =	sadd.s32 $0x4, s14;
	[tilespmem:s13+$0x50] =	vst v48;
	v4 =	vmul.f32 v45, v44  }
0x25a: {  	v6 =	vld [tilespmem:s15+$0xFFFFFFF0];
	p0 =	slt.u32 s14, $0x4C;
	[tilespmem:s13+$0x60] =	vst v50;
	v44 =	vmul.f32 v46, v44  }
0x25b: {  	v45 =	vld [tilespmem:s15+$0x100];
	[tilespmem:s13+$0x70] =	vst v51;
	v46 =	vmul.f32 v47, v42  }
0x25c: {  	v47 =	vld [tilespmem:s15+$0x80];
	[tilespmem:s13+$0x90] =	vst v53;
	v42 =	vmul.f32 v49, v42  }
0x25d: {  	v48 =	vld [tilespmem:s15+$0xFFFFFF60];
	[tilespmem:s13+$0xA0] =	vst v52;
	v49 =	vmul.f32 v43, v41  }
0x25e: {  	v50 =	vld [tilespmem:s15+$0xFFFFFEE0];
	v43 =	vbroadcast v0, $0x0;
	v41 =	vbroadcast v0, $0x3;
	[tilespmem:s13+$0xB0] =	vst v4  }
0x25f: {  	v4 =	vld [tilespmem:s15+$0xFFFFFEF0];
	v51 =	vbroadcast v6, $0x0;
	v52 =	vbroadcast v6, $0x1;
	[tilespmem:s13+$0xC0] =	vst v44  }
0x260: {  	v54 =	vbroadcast v6, $0x2;
	v53 =	vld [tilespmem:s15+$0xFFFFFF00];
	v44 =	vmul.f32 v45, v41;
	[tilespmem:s13+$0xD0] =	vst v46  }
0x261: {  	v6 =	vbroadcast v6, $0x3;
	v45 =	vld [tilespmem:s15+$0xFFFFFF10];
	v46 =	vbroadcast v47, $0x0;
	[tilespmem:s13+$0xE0] =	vst v42  }
0x262: {  	v55 =	vbroadcast v48, $0x0;
	v56 =	vbroadcast v48, $0x1;
	v57 =	vld [tilespmem:s15+$0xFFFFFF20];
	[tilespmem:s15+$0x100] =	vst v44  }
0x263: {  	v58 =	vbroadcast v48, $0x2;
	v48 =	vbroadcast v48, $0x3;
	v59 =	vld [tilespmem:s15+$0xFFFFFF30];
	[tilespmem:s13+$0xF0] =	vst v49;
	s13 =	smov.u32 s15  }
0x264: {  	v60 =	vbroadcast v47, $0x1;
	v61 =	vbroadcast v47, $0x2;
	v49 =	vld [tilespmem:s15+$0xFFFFFF40]  }
0x265: {  	v47 =	vbroadcast v47, $0x3;
	v44 =	vbroadcast v0, $0x1;
	v62 =	vld [tilespmem:s15+$0xFFFFFF50]  }
0x266: {  	v42 =	vbroadcast v0, $0x2;
	v50 =	vmul.f32 v55, v50;
	v63 =	vld [tilespmem:s15+$0xFFFFFF70]  }
0x267: {  	v0 =	vmul.f32 v4, v55;
	v4 =	vmul.f32 v53, v56;
	v53 =	vld [tilespmem:s15+$0xFFFFFF80]  }
0x268: {  	v45 =	vmul.f32 v45, v56;
	[tilespmem:s15+$0xFFFFFEE0] =	vst v50;
	v50 =	vmul.f32 v57, v58;
	v55 =	vld [tilespmem:s15+$0xFFFFFF90]  }
0x269: {  	[tilespmem:s15+$0xFFFFFEF0] =	vst v0;
	v0 =	vmul.f32 v59, v58;
	v49 =	vmul.f32 v49, v48;
	v56 =	vld [tilespmem:s15+$0xFFFFFFA0]  }
0x26a: {  	[tilespmem:s15+$0xFFFFFF00] =	vst v4;
	v4 =	vmul.f32 v62, v48;
	v48 =	vld [tilespmem:s15+$0xFFFFFFB0]  }
0x26b: {  	[tilespmem:s15+$0xFFFFFF10] =	vst v45;
	v45 =	vmul.f32 v51, v63;
	v57 =	vld [tilespmem:s15+$0xFFFFFFC0]  }
0x26c: {  	[tilespmem:s15+$0xFFFFFF20] =	vst v50;
	v50 =	vmul.f32 v53, v51;
	v51 =	vld [tilespmem:s15+$0xFFFFFFD0]  }
0x26d: {  	[tilespmem:s15+$0xFFFFFF30] =	vst v0;
	v0 =	vmul.f32 v55, v52;
	v53 =	vld [tilespmem:s15+$0xFFFFFFE0]  }
0x26e: {  	[tilespmem:s15+$0xFFFFFF40] =	vst v49;
	v49 =	vmul.f32 v56, v52;
	v52 =	vld [tilespmem:s15+$0x0]  }
0x26f: {  	[tilespmem:s15+$0xFFFFFF50] =	vst v4;
	v4 =	vmul.f32 v48, v54;
	v48 =	vld [tilespmem:s15+$0x10]  }
0x270: {  	[tilespmem:s15+$0xFFFFFF70] =	vst v45;
	v45 =	vmul.f32 v57, v54;
	v54 =	vld [tilespmem:s15+$0x20]  }
0x271: {  	[tilespmem:s15+$0xFFFFFF80] =	vst v50;
	v50 =	vmul.f32 v51, v6;
	v51 =	vld [tilespmem:s15+$0x30]  }
0x272: {  	[tilespmem:s15+$0xFFFFFF90] =	vst v0;
	v0 =	vmul.f32 v53, v6;
	v6 =	vld [tilespmem:s15+$0x40]  }
0x273: {  	[tilespmem:s15+$0xFFFFFFA0] =	vst v49;
	v49 =	vmul.f32 v46, v52;
	v52 =	vld [tilespmem:s15+$0x50]  }
0x274: {  	[tilespmem:s15+$0xFFFFFFB0] =	vst v4;
	v4 =	vmul.f32 v48, v46;
	v46 =	vld [tilespmem:s15+$0x60]  }
0x275: {  	[tilespmem:s15+$0xFFFFFFC0] =	vst v45;
	v53 =	vmul.f32 v54, v60;
	v54 =	vld [tilespmem:s15+$0x70]  }
0x276: {  	[tilespmem:s15+$0xFFFFFFD0] =	vst v50;
	v55 =	vmul.f32 v51, v60;
	v56 =	vld [tilespmem:s15+$0x90]  }
0x277: {  	[tilespmem:s15+$0xFFFFFFE0] =	vst v0;
	v0 =	vmul.f32 v6, v61;
	v6 =	vld [tilespmem:s15+$0xA0]  }
.Ltmp2:
0x278: {  	[tilespmem:s15+$0x0] =	vst v49;
	v48 =	vmul.f32 v52, v61;
	v45 =	vld [tilespmem:s15+$0xB0];
	(pc) =	sbr.rel @p0 .LBB2_8-.Ltmp2, $4  }
0x279: {  	[tilespmem:s15+$0x10] =	vst v4;
	v50 =	vmul.f32 v46, v47;
	v46 =	vld [tilespmem:s15+$0xC0]  }
0x27a: {  	[tilespmem:s15+$0x20] =	vst v53;
	v51 =	vmul.f32 v54, v47;
	v47 =	vld [tilespmem:s15+$0xD0]  }
0x27b: {  	[tilespmem:s15+$0x30] =	vst v55;
	v53 =	vmul.f32 v43, v56;
	v49 =	vld [tilespmem:s15+$0xE0]  }
0x27c: {  	s15 =	sadd.s32 $0x240, s15;
	[tilespmem:s13+$0x40] =	vst v0;
	v52 =	vmul.f32 v6, v43;
	v43 =	vld [tilespmem:s13+$0xF0]  }
0x27d: {  	[tilespmem:s13+$0x50] =	vst v48  }
0x27e: {  	[tilespmem:s13+$0x60] =	vst v50  }
0x27f: {  	[tilespmem:s13+$0x70] =	vst v51  }
0x280: {  	v0 =	vmul.f32 v45, v44;
	[tilespmem:s13+$0x90] =	vst v53  }
0x281: {  	v4 =	vmul.f32 v46, v44;
	[tilespmem:s13+$0xA0] =	vst v52  }
0x282: {  	v6 =	vmul.f32 v47, v42;
	[tilespmem:s13+$0xB0] =	vst v0  }
0x283: {  	v0 =	vmul.f32 v49, v42;
	[tilespmem:s13+$0xC0] =	vst v4  }
0x284: {  	v4 =	vmul.f32 v43, v41;
	[tilespmem:s13+$0xD0] =	vst v6  }
0x285: {  	p0 =	seq.s32 s10, $0xB;
	[tilespmem:s13+$0xE0] =	vst v0  }
.Ltmp3:
0x286: {  	s12 =	sadd.s32 $0x820, s12;
	[tilespmem:s13+$0xF0] =	vst v4;
	(pc) =	sbr.rel @p0 .LBB2_11-.Ltmp3, $4  }
0x287: {  	[spmem:s3] =	stream.indirect.scatter.add.f32 [tilespmem:s24], [sflag:$0x5], $0x90, s12, s22, $0xb8;
	[tilespmem:$0x1D330] =	vst v63  }
0x288: {  	_ =	swait.ge [sflag:s20], $0x2D00  }
0x289: {  	[sflag:s20] =	ssyncset.done $0x0  }
0x28a: {  	[sflag:s20] =	ssyncadd.s32 $0xFFFFD300  }
.Ltmp4:
0x28b: {  	(pc) =	sbr.rel .LBB2_5-.Ltmp4, $4  }
0x28c: {  	s12 =	sadd.s32 $0xF0, s11  }
0x28d: {  	[tilespmem:s24], [sflag:$0x2] =	stream.indirect.gather [hbm4b:s5+s22], $0x90, s12, s22, $0xb8;
	[tilespmem:$0x1D330] =	vst v63  }
0x28e: {  	s15 =	sadd.s32 $0x8C0, s11;
	s10 =	sadd.s32 $0x1, s10  }
0x28f: {  	[tilespmem:s26], [sflag:$0x4] =	stream.indirect.gather [hbm4b:s6+s22], $0x10, s15, s22, $0xb8;
	[tilespmem:$0x1D330] =	vst v63  }
.LBB2_11:
0x290: {  	_ =	swait.ge [sflag:s28], $0x2D00  }
0x291: {  	[sflag:s28] =	ssyncset.done $0x0  }
0x292: {  	[sflag:s28] =	ssyncadd.s32 $0xFFFFD300  }
0x293: {  	_ =	swait.ge [sflag:s29], $0x500  }
0x294: {  	[sflag:s29] =	ssyncset.done $0x0  }
0x295: {  	[sflag:s29] =	ssyncadd.s32 $0xFFFFFB00  }
0x296: {  	v0 =	vld.idx.msk [tilespmem:v2+s19+$0x0], $0xffff  }
0x297: {  	v4 =	vld.idx.msk [tilespmem:v8+s23+$0x0], $0xffff;
	_ =	sdelay $0x4  }
0x298: {  	v0 =	vadd.f32 v4, v0;
	_ =	sdelay $0x1  }
0x299: {  	v4 =	vmul.f32 $2.000000030e-01, v0  }
0x29a: {  	vm0 =	vgt.f32 v0, $0.0e+00  }
0x29b: {  	v0 =	vsel vm0, v0, v4  }
0x29c: {  	v0 =	vmul.f32 $1.442695020e+00, v0;
	_ =	sdelay $0x1  }
0x29d: {  	(erf) = vpow2.f32 v0;
	_ =	sdelay $0x3  }
0x29e: {  	v4 =	vld [tilespmem:$0x1FFD0];
	_ =	sdelay $0x4  }
0x29f: {  	v0 =	vpop (erf)  }
0x2a0: {  	[tilespmem:v2+s19+$0x0] =	vst.idx.msk $0xffff, v0  }
0x2a1: {  	v0 =	vld.idx.msk [tilespmem:v3+s19+$0x0], $0xffff  }
0x2a2: {  	v4 =	vld.idx.msk [tilespmem:v4+s23+$0x0], $0xffff;
	_ =	sdelay $0x4  }
0x2a3: {  	v0 =	vadd.f32 v4, v0;
	_ =	sdelay $0x1  }
0x2a4: {  	v4 =	vmul.f32 $2.000000030e-01, v0  }
0x2a5: {  	vm9 =	vgt.f32 v0, $0.0e+00  }
0x2a6: {  	v0 =	vsel vm9, v0, v4  }
0x2a7: {  	v0 =	vmul.f32 $1.442695020e+00, v0;
	_ =	sdelay $0x1  }
0x2a8: {  	(erf) = vpow2.f32 v0;
	_ =	sdelay $0x3  }
0x2a9: {  	v4 =	vld [tilespmem:$0x1FFE0];
	_ =	sdelay $0x4  }
0x2aa: {  	v0 =	vpop (erf)  }
0x2ab: {  	[tilespmem:v3+s19+$0x0] =	vst.idx.msk $0xffff, v0  }
0x2ac: {  	v0 =	vld.idx.msk [tilespmem:v5+s19+$0x0], $0xffff  }
0x2ad: {  	v4 =	vld.idx.msk [tilespmem:v4+s23+$0x0], $0xffff;
	_ =	sdelay $0x4  }
0x2ae: {  	v0 =	vadd.f32 v4, v0;
	_ =	sdelay $0x1  }
0x2af: {  	v4 =	vmul.f32 $2.000000030e-01, v0  }
0x2b0: {  	vm10 =	vgt.f32 v0, $0.0e+00  }
0x2b1: {  	v0 =	vsel vm10, v0, v4  }
0x2b2: {  	v0 =	vmul.f32 $1.442695020e+00, v0;
	_ =	sdelay $0x1  }
0x2b3: {  	(erf) = vpow2.f32 v0;
	_ =	sdelay $0x3  }
0x2b4: {  	v4 =	vld [tilespmem:$0x1FFF0];
	_ =	sdelay $0x4  }
0x2b5: {  	v0 =	vpop (erf)  }
0x2b6: {  	v6 =	vld.idx.msk [tilespmem:v9+s19+$0x0], $0xffff;
	[tilespmem:v5+s19+$0x0] =	vst.idx.msk $0xffff, v0  }
0x2b7: {  	v0 =	vld.idx.msk [tilespmem:v7+s19+$0x0], $0xffff  }
0x2b8: {  	v4 =	vld.idx.msk [tilespmem:v4+s23+$0x0], $0xffff  }
0x2b9: {  	v41 =	vld.idx.msk [tilespmem:v10+s23+$0x0], $0xffff;
	_ =	sdelay $0x3  }
0x2ba: {  	v0 =	vadd.f32 v4, v0  }
0x2bb: {  	v4 =	vadd.f32 v41, v6  }
0x2bc: {  	v6 =	vmul.f32 $2.000000030e-01, v0  }
0x2bd: {  	vm11 =	vgt.f32 v0, $0.0e+00;
	v41 =	vmul.f32 $2.000000030e-01, v4  }
0x2be: {  	vm12 =	vgt.f32 v4, $0.0e+00;
	v0 =	vsel vm11, v0, v6  }
0x2bf: {  	v4 =	vsel vm12, v4, v41;
	v0 =	vmul.f32 $1.442695020e+00, v0  }
0x2c0: {  	v4 =	vmul.f32 $1.442695020e+00, v4  }
0x2c1: {  	(erf) = vpow2.f32 v0  }
0x2c2: {  	(erf) = vpow2.f32 v4;
	_ =	sdelay $0x7  }
0x2c3: {  	v49 =	vpop (erf)  }
0x2c4: {  	v0 =	vpop (erf)  }
0x2c5: {  	[tilespmem:v9+s19+$0x0] =	vst.idx.msk $0xffff, v0  }
0x2c6: {  	v0 =	vld.idx.msk [tilespmem:v11+s19+$0x0], $0xffff  }
0x2c7: {  	v4 =	vld.idx.msk [tilespmem:v12+s23+$0x0], $0xffff;
	_ =	sdelay $0x4  }
0x2c8: {  	v0 =	vadd.f32 v4, v0;
	_ =	sdelay $0x1  }
0x2c9: {  	v4 =	vmul.f32 $2.000000030e-01, v0  }
0x2ca: {  	vm13 =	vgt.f32 v0, $0.0e+00  }
0x2cb: {  	v0 =	vsel vm13, v0, v4  }
0x2cc: {  	v0 =	vmul.f32 $1.442695020e+00, v0;
	_ =	sdelay $0x1  }
0x2cd: {  	(erf) = vpow2.f32 v0;
	_ =	sdelay $0x8  }
0x2ce: {  	v0 =	vpop (erf)  }
0x2cf: {  	[tilespmem:v11+s19+$0x0] =	vst.idx.msk $0xffff, v0  }
0x2d0: {  	v0 =	vld.idx.msk [tilespmem:v13+s19+$0x0], $0xffff  }
0x2d1: {  	v4 =	vld.idx.msk [tilespmem:v14+s23+$0x0], $0xffff;
	_ =	sdelay $0x4  }
0x2d2: {  	v0 =	vadd.f32 v4, v0;
	_ =	sdelay $0x1  }
0x2d3: {  	v4 =	vmul.f32 $2.000000030e-01, v0  }
0x2d4: {  	vm14 =	vgt.f32 v0, $0.0e+00  }
0x2d5: {  	v0 =	vsel vm14, v0, v4  }
0x2d6: {  	v0 =	vmul.f32 $1.442695020e+00, v0;
	_ =	sdelay $0x1  }
0x2d7: {  	(erf) = vpow2.f32 v0;
	_ =	sdelay $0x8  }
0x2d8: {  	v0 =	vpop (erf)  }
0x2d9: {  	v42 =	vld.idx.msk [tilespmem:v18+s23+$0x0], $0xffff;
	[tilespmem:v13+s19+$0x0] =	vst.idx.msk $0xffff, v0  }
0x2da: {  	v0 =	vld.idx.msk [tilespmem:v15+s19+$0x0], $0xffff  }
0x2db: {  	v4 =	vld.idx.msk [tilespmem:v16+s23+$0x0], $0xffff  }
0x2dc: {  	v6 =	vld.idx.msk [tilespmem:v17+s19+$0x0], $0xffff;
	_ =	sdelay $0x3  }
0x2dd: {  	v0 =	vadd.f32 v4, v0  }
0x2de: {  	v4 =	vadd.f32 v42, v6  }
0x2df: {  	v6 =	vmul.f32 $2.000000030e-01, v0  }
0x2e0: {  	vm15 =	vgt.f32 v0, $0.0e+00;
	v42 =	vmul.f32 $2.000000030e-01, v4  }
0x2e1: {  	vm4 =	vgt.f32 v4, $0.0e+00;
	v0 =	vsel vm15, v0, v6  }
0x2e2: {  	v4 =	vsel vm4, v4, v42;
	v0 =	vmul.f32 $1.442695020e+00, v0  }
0x2e3: {  	v4 =	vmul.f32 $1.442695020e+00, v4  }
0x2e4: {  	(erf) = vpow2.f32 v0  }
0x2e5: {  	(erf) = vpow2.f32 v4;
	_ =	sdelay $0x7  }
0x2e6: {  	v0 =	vpop (erf)  }
0x2e7: {  	v4 =	vpop (erf)  }
0x2e8: {  	[tilespmem:v17+s19+$0x0] =	vst.idx.msk $0xffff, v4  }
0x2e9: {  	v4 =	vld.idx.msk [tilespmem:v19+s19+$0x0], $0xffff  }
0x2ea: {  	v6 =	vld.idx.msk [tilespmem:v20+s23+$0x0], $0xffff;
	_ =	sdelay $0x4  }
0x2eb: {  	v4 =	vadd.f32 v6, v4;
	_ =	sdelay $0x1  }
0x2ec: {  	v6 =	vmul.f32 $2.000000030e-01, v4  }
0x2ed: {  	vm5 =	vgt.f32 v4, $0.0e+00  }
0x2ee: {  	v4 =	vsel vm5, v4, v6  }
0x2ef: {  	v4 =	vmul.f32 $1.442695020e+00, v4;
	_ =	sdelay $0x1  }
0x2f0: {  	(erf) = vpow2.f32 v4;
	_ =	sdelay $0x8  }
0x2f1: {  	v4 =	vpop (erf)  }
0x2f2: {  	[tilespmem:v19+s19+$0x0] =	vst.idx.msk $0xffff, v4  }
0x2f3: {  	v4 =	vld.idx.msk [tilespmem:v21+s19+$0x0], $0xffff  }
0x2f4: {  	v6 =	vld.idx.msk [tilespmem:v22+s23+$0x0], $0xffff;
	_ =	sdelay $0x4  }
0x2f5: {  	v4 =	vadd.f32 v6, v4;
	_ =	sdelay $0x1  }
0x2f6: {  	v6 =	vmul.f32 $2.000000030e-01, v4  }
0x2f7: {  	vm6 =	vgt.f32 v4, $0.0e+00  }
0x2f8: {  	v4 =	vsel vm6, v4, v6  }
0x2f9: {  	v4 =	vmul.f32 $1.442695020e+00, v4;
	_ =	sdelay $0x1  }
0x2fa: {  	(erf) = vpow2.f32 v4;
	_ =	sdelay $0x8  }
0x2fb: {  	v4 =	vpop (erf)  }
0x2fc: {  	v50 =	vld.idx.msk [tilespmem:v25+s19+$0x0], $0xffff;
	[tilespmem:v21+s19+$0x0] =	vst.idx.msk $0xffff, v4  }
0x2fd: {  	v4 =	vld.idx.msk [tilespmem:v23+s19+$0x0], $0xffff  }
0x2fe: {  	v6 =	vld.idx.msk [tilespmem:v24+s23+$0x0], $0xffff  }
0x2ff: {  	v43 =	vld.idx.msk [tilespmem:v26+s23+$0x0], $0xffff;
	_ =	sdelay $0x3  }
0x300: {  	v4 =	vadd.f32 v6, v4  }
0x301: {  	v6 =	vadd.f32 v43, v50  }
0x302: {  	v51 =	vmul.f32 $2.000000030e-01, v4  }
0x303: {  	vm7 =	vgt.f32 v4, $0.0e+00;
	v43 =	vmul.f32 $2.000000030e-01, v6  }
0x304: {  	vm8 =	vgt.f32 v6, $0.0e+00;
	v4 =	vsel vm7, v4, v51  }
0x305: {  	v6 =	vsel vm8, v6, v43;
	v4 =	vmul.f32 $1.442695020e+00, v4  }
0x306: {  	v6 =	vmul.f32 $1.442695020e+00, v6  }
0x307: {  	(erf) = vpow2.f32 v4  }
0x308: {  	(erf) = vpow2.f32 v6;
	_ =	sdelay $0x7  }
0x309: {  	v4 =	vpop (erf)  }
0x30a: {  	v6 =	vpop (erf)  }
0x30b: {  	[tilespmem:v25+s19+$0x0] =	vst.idx.msk $0xffff, v6  }
0x30c: {  	v6 =	vld.idx.msk [tilespmem:v27+s19+$0x0], $0xffff  }
0x30d: {  	v52 =	vld.idx.msk [tilespmem:v28+s23+$0x0], $0xffff;
	_ =	sdelay $0x4  }
0x30e: {  	v6 =	vadd.f32 v52, v6;
	_ =	sdelay $0x1  }
0x30f: {  	v42 =	vmul.f32 $2.000000030e-01, v6  }
0x310: {  	vm9 =	vgt.f32 v6, $0.0e+00  }
0x311: {  	v6 =	vsel vm9, v6, v42  }
0x312: {  	v6 =	vmul.f32 $1.442695020e+00, v6;
	_ =	sdelay $0x1  }
0x313: {  	(erf) = vpow2.f32 v6;
	_ =	sdelay $0x8  }
0x314: {  	v6 =	vpop (erf)  }
0x315: {  	[tilespmem:v27+s19+$0x0] =	vst.idx.msk $0xffff, v6  }
0x316: {  	v6 =	vld.idx.msk [tilespmem:v29+s19+$0x0], $0xffff  }
0x317: {  	v53 =	vld.idx.msk [tilespmem:v30+s23+$0x0], $0xffff;
	_ =	sdelay $0x4  }
0x318: {  	v6 =	vadd.f32 v53, v6;
	_ =	sdelay $0x1  }
0x319: {  	v42 =	vmul.f32 $2.000000030e-01, v6  }
0x31a: {  	vm10 =	vgt.f32 v6, $0.0e+00  }
0x31b: {  	v6 =	vsel vm10, v6, v42  }
0x31c: {  	v6 =	vmul.f32 $1.442695020e+00, v6;
	_ =	sdelay $0x1  }
0x31d: {  	(erf) = vpow2.f32 v6;
	_ =	sdelay $0x8  }
0x31e: {  	v6 =	vpop (erf)  }
0x31f: {  	v55 =	vld.idx.msk [tilespmem:v33+s19+$0x0], $0xffff;
	[tilespmem:v29+s19+$0x0] =	vst.idx.msk $0xffff, v6  }
0x320: {  	v6 =	vld.idx.msk [tilespmem:v31+s19+$0x0], $0xffff  }
0x321: {  	v54 =	vld.idx.msk [tilespmem:v32+s23+$0x0], $0xffff  }
0x322: {  	v44 =	vld.idx.msk [tilespmem:v34+s23+$0x0], $0xffff;
	_ =	sdelay $0x3  }
0x323: {  	v6 =	vadd.f32 v54, v6  }
0x324: {  	v56 =	vadd.f32 v44, v55  }
0x325: {  	v57 =	vmul.f32 $2.000000030e-01, v6  }
0x326: {  	v44 =	vmul.f32 $2.000000030e-01, v56;
	vm11 =	vgt.f32 v6, $0.0e+00  }
0x327: {  	vm12 =	vgt.f32 v56, $0.0e+00;
	v6 =	vsel vm11, v6, v57  }
0x328: {  	v42 =	vsel vm12, v56, v44;
	v6 =	vmul.f32 $1.442695020e+00, v6  }
0x329: {  	v42 =	vmul.f32 $1.442695020e+00, v42  }
0x32a: {  	(erf) = vpow2.f32 v6  }
0x32b: {  	(erf) = vpow2.f32 v42;
	_ =	sdelay $0x7  }
0x32c: {  	v6 =	vpop (erf)  }
0x32d: {  	v42 =	vpop (erf)  }
0x32e: {  	[tilespmem:v33+s19+$0x0] =	vst.idx.msk $0xffff, v42  }
0x32f: {  	v42 =	vld.idx.msk [tilespmem:v35+s19+$0x0], $0xffff  }
0x330: {  	v58 =	vld.idx.msk [tilespmem:v36+s23+$0x0], $0xffff;
	_ =	sdelay $0x4  }
0x331: {  	v42 =	vadd.f32 v58, v42;
	_ =	sdelay $0x1  }
0x332: {  	v43 =	vmul.f32 $2.000000030e-01, v42  }
0x333: {  	vm13 =	vgt.f32 v42, $0.0e+00  }
0x334: {  	v42 =	vsel vm13, v42, v43  }
0x335: {  	v42 =	vmul.f32 $1.442695020e+00, v42;
	_ =	sdelay $0x1  }
0x336: {  	(erf) = vpow2.f32 v42;
	_ =	sdelay $0x8  }
0x337: {  	v42 =	vpop (erf)  }
0x338: {  	[tilespmem:v35+s19+$0x0] =	vst.idx.msk $0xffff, v42  }
0x339: {  	v42 =	vld.idx.msk [tilespmem:v37+s19+$0x0], $0xffff  }
0x33a: {  	v59 =	vld.idx.msk [tilespmem:v38+s23+$0x0], $0xffff;
	_ =	sdelay $0x4  }
0x33b: {  	v42 =	vadd.f32 v59, v42;
	_ =	sdelay $0x1  }
0x33c: {  	v43 =	vmul.f32 $2.000000030e-01, v42  }
0x33d: {  	vm14 =	vgt.f32 v42, $0.0e+00  }
0x33e: {  	v42 =	vsel vm14, v42, v43  }
0x33f: {  	v42 =	vmul.f32 $1.442695020e+00, v42;
	_ =	sdelay $0x1  }
0x340: {  	(erf) = vpow2.f32 v42;
	_ =	sdelay $0x8  }
0x341: {  	v42 =	vpop (erf)  }
0x342: {  	[tilespmem:v37+s19+$0x0] =	vst.idx.msk $0xffff, v42  }
0x343: {  	v42 =	vld.idx.msk [tilespmem:v39+s19+$0x0], $0xffff  }
0x344: {  	v60 =	vld.idx.msk [tilespmem:v40+s23+$0x0], $0xffff;
	_ =	sdelay $0x4  }
0x345: {  	v42 =	vadd.f32 v60, v42;
	_ =	sdelay $0x1  }
0x346: {  	v43 =	vmul.f32 $2.000000030e-01, v42  }
0x347: {  	vm15 =	vgt.f32 v42, $0.0e+00  }
0x348: {  	v42 =	vsel vm15, v42, v43  }
0x349: {  	v42 =	vmul.f32 $1.442695020e+00, v42;
	_ =	sdelay $0x1  }
0x34a: {  	(erf) = vpow2.f32 v42;
	_ =	sdelay $0x5  }
0x34b: {  	[tilespmem:v7+s19+$0x0] =	vst.idx.msk $0xffff, v49  }
0x34c: {  	[tilespmem:v15+s19+$0x0] =	vst.idx.msk $0xffff, v0  }
0x34d: {  	[tilespmem:v23+s19+$0x0] =	vst.idx.msk $0xffff, v4  }
0x34e: {  	[tilespmem:v31+s19+$0x0] =	vst.idx.msk $0xffff, v6;
	v0 =	vpop (erf)  }
0x34f: {  	s10 =	simm.s32 $0x1AC0;
	[tilespmem:v39+s19+$0x0] =	vst.idx.msk $0xffff, v0  }
0x350: {  	v0 =	vld [tilespmem:s10+$0x110]  }
0x351: {  	v4 =	vld [tilespmem:s10+$0xFFFFFFF0]  }
0x352: {  	v6 =	vld [tilespmem:s10+$0x100]  }
0x353: {  	v42 =	vld [tilespmem:s10+$0x80]  }
0x354: {  	v61 =	vld [tilespmem:s10+$0xFFFFFF60]  }
0x355: {  	v62 =	vld [tilespmem:s10+$0xFFFFFEE0]  }
0x356: {  	v45 =	vld [tilespmem:s10+$0xFFFFFEF0]  }
0x357: {  	v46 =	vld [tilespmem:s10+$0xFFFFFF00]  }
0x358: {  	v47 =	vld [tilespmem:s10+$0xFFFFFF10]  }
0x359: {  	v48 =	vld [tilespmem:s10+$0xFFFFFF20]  }
0x35a: {  	v49 =	vld [tilespmem:s10+$0xFFFFFF30];
	v41 =	vbroadcast v0, $0x3  }
0x35b: {  	v51 =	vld [tilespmem:s10+$0xFFFFFF40];
	v50 =	vbroadcast v61, $0x0  }
0x35c: {  	v52 =	vld [tilespmem:s10+$0xFFFFFF50];
	v53 =	vbroadcast v61, $0x1;
	v6 =	vmul.f32 v6, v41  }
0x35d: {  	v54 =	vld [tilespmem:s10+$0xFFFFFF70];
	v44 =	vmul.f32 v50, v62  }
0x35e: {  	v63 =	vld [tilespmem:s10+$0xFFFFFF80];
	v55 =	vbroadcast v61, $0x2;
	v46 =	vmul.f32 v46, v53;
	[tilespmem:s10+$0x100] =	vst v6  }
0x35f: {  	v56 =	vld [tilespmem:s10+$0xFFFFFF90];
	v47 =	vmul.f32 v47, v53;
	[tilespmem:s10+$0xFFFFFEE0] =	vst v44  }
0x360: {  	v60 =	vld [tilespmem:s10+$0x0];
	v43 =	vbroadcast v61, $0x3;
	v48 =	vmul.f32 v48, v55;
	[tilespmem:s10+$0xFFFFFF00] =	vst v46  }
0x361: {  	v61 =	vld [tilespmem:s10+$0x10];
	v49 =	vmul.f32 v49, v55;
	[tilespmem:s10+$0xFFFFFF10] =	vst v47  }
0x362: {  	v51 =	vmul.f32 v51, v43;
	v46 =	vld [tilespmem:s10+$0xFFFFFFB0];
	[tilespmem:s10+$0xFFFFFF20] =	vst v48  }
0x363: {  	v57 =	vbroadcast v4, $0x0;
	v6 =	vmul.f32 v45, v50;
	v47 =	vld [tilespmem:s10+$0xFFFFFFC0];
	[tilespmem:s10+$0xFFFFFF30] =	vst v49  }
0x364: {  	v43 =	vmul.f32 v52, v43;
	v48 =	vld [tilespmem:s10+$0xFFFFFFD0];
	[tilespmem:s10+$0xFFFFFF40] =	vst v51  }
0x365: {  	v58 =	vbroadcast v4, $0x1;
	v59 =	vmul.f32 v57, v54;
	[tilespmem:s10+$0xFFFFFEF0] =	vst v6;
	v6 =	vld [tilespmem:s10+$0xFFFFFFA0]  }
0x366: {  	v49 =	vld [tilespmem:s10+$0xFFFFFFE0];
	v45 =	vmul.f32 v63, v57;
	[tilespmem:s10+$0xFFFFFF50] =	vst v43;
	v57 =	vbroadcast v42, $0x0  }
0x367: {  	v44 =	vmul.f32 v56, v58;
	[tilespmem:s10+$0xFFFFFF70] =	vst v59;
	v63 =	vld [tilespmem:s10+$0x20]  }
0x368: {  	v62 =	vbroadcast v4, $0x2;
	v56 =	vld [tilespmem:s10+$0x30];
	[tilespmem:s10+$0xFFFFFF80] =	vst v45;
	v51 =	vmul.f32 v57, v60  }
0x369: {  	v4 =	vbroadcast v4, $0x3;
	[tilespmem:s10+$0xFFFFFF90] =	vst v44;
	v44 =	vld [tilespmem:s10+$0x40];
	v43 =	vmul.f32 v61, v57  }
0x36a: {  	v59 =	vbroadcast v42, $0x1;
	v60 =	vld [tilespmem:s10+$0x70];
	[tilespmem:s10+$0x0] =	vst v51;
	v6 =	vmul.f32 v6, v58  }
0x36b: {  	[tilespmem:s10+$0x10] =	vst v43;
	v46 =	vmul.f32 v46, v62;
	v47 =	vmul.f32 v47, v62;
	v62 =	vld [tilespmem:s10+$0x90]  }
0x36c: {  	v48 =	vmul.f32 v48, v4;
	v4 =	vmul.f32 v49, v4;
	[tilespmem:s10+$0xFFFFFFA0] =	vst v6;
	v6 =	vld [tilespmem:s10+$0x50]  }
0x36d: {  	v61 =	vbroadcast v42, $0x2;
	[tilespmem:s10+$0xFFFFFFB0] =	vst v46;
	v58 =	vld [tilespmem:s10+$0x60]  }
0x36e: {  	v42 =	vbroadcast v42, $0x3;
	v53 =	vmul.f32 v63, v59;
	[tilespmem:s10+$0xFFFFFFE0] =	vst v4;
	v4 =	vld [tilespmem:s10+$0xA0]  }
0x36f: {  	v45 =	vld [tilespmem:s10+$0xB0];
	v63 =	vmul.f32 v56, v59;
	[tilespmem:s10+$0xFFFFFFC0] =	vst v47;
	v55 =	vmul.f32 v44, v61  }
0x370: {  	[tilespmem:s10+$0xFFFFFFD0] =	vst v48;
	v46 =	vld [tilespmem:s10+$0xC0];
	v51 =	vmul.f32 v60, v42;
	v44 =	vbroadcast v0, $0x1  }
0x371: {  	[tilespmem:s10+$0x20] =	vst v53;
	v47 =	vld [tilespmem:s10+$0xD0];
	v48 =	vmul.f32 v6, v61;
	v6 =	vbroadcast v0, $0x0  }
0x372: {  	v49 =	vld [tilespmem:s10+$0xE0];
	[tilespmem:s10+$0x30] =	vst v63;
	v50 =	vmul.f32 v58, v42;
	v42 =	vbroadcast v0, $0x2  }
0x373: {  	s11 =	simm.s32 $0x0;
	s12 =	simm.s32 $0x1D00;
	v43 =	vld [tilespmem:s10+$0xF0];
	[tilespmem:s10+$0x40] =	vst v55;
	v53 =	vmul.f32 v6, v62;
	v52 =	vmul.f32 v4, v6  }
.LBB2_12:
0x374: {  	v0 =	vld [tilespmem:s12+$0x110];
	s11 =	sadd.s32 $0x4, s11;
	[tilespmem:s10+$0x50] =	vst v48;
	v4 =	vmul.f32 v45, v44  }
0x375: {  	v6 =	vld [tilespmem:s12+$0xFFFFFFF0];
	p0 =	slt.u32 s11, $0x4C;
	[tilespmem:s10+$0x60] =	vst v50;
	v44 =	vmul.f32 v46, v44  }
0x376: {  	v45 =	vld [tilespmem:s12+$0x100];
	[tilespmem:s10+$0x70] =	vst v51;
	v46 =	vmul.f32 v47, v42  }
0x377: {  	v47 =	vld [tilespmem:s12+$0x80];
	[tilespmem:s10+$0x90] =	vst v53;
	v42 =	vmul.f32 v49, v42  }
0x378: {  	v48 =	vld [tilespmem:s12+$0xFFFFFF60];
	[tilespmem:s10+$0xA0] =	vst v52;
	v49 =	vmul.f32 v43, v41  }
0x379: {  	v50 =	vld [tilespmem:s12+$0xFFFFFEE0];
	v43 =	vbroadcast v0, $0x0;
	v41 =	vbroadcast v0, $0x3;
	[tilespmem:s10+$0xB0] =	vst v4  }
0x37a: {  	v4 =	vld [tilespmem:s12+$0xFFFFFEF0];
	v51 =	vbroadcast v6, $0x0;
	v52 =	vbroadcast v6, $0x1;
	[tilespmem:s10+$0xC0] =	vst v44  }
0x37b: {  	v54 =	vbroadcast v6, $0x2;
	v53 =	vld [tilespmem:s12+$0xFFFFFF00];
	v44 =	vmul.f32 v45, v41;
	[tilespmem:s10+$0xD0] =	vst v46  }
0x37c: {  	v6 =	vbroadcast v6, $0x3;
	v45 =	vld [tilespmem:s12+$0xFFFFFF10];
	v46 =	vbroadcast v47, $0x0;
	[tilespmem:s10+$0xE0] =	vst v42  }
0x37d: {  	v55 =	vbroadcast v48, $0x0;
	v56 =	vbroadcast v48, $0x1;
	v57 =	vld [tilespmem:s12+$0xFFFFFF20];
	[tilespmem:s12+$0x100] =	vst v44  }
0x37e: {  	v58 =	vbroadcast v48, $0x2;
	v48 =	vbroadcast v48, $0x3;
	v59 =	vld [tilespmem:s12+$0xFFFFFF30];
	[tilespmem:s10+$0xF0] =	vst v49;
	s10 =	smov.u32 s12  }
0x37f: {  	v60 =	vbroadcast v47, $0x1;
	v61 =	vbroadcast v47, $0x2;
	v49 =	vld [tilespmem:s12+$0xFFFFFF40]  }
0x380: {  	v47 =	vbroadcast v47, $0x3;
	v44 =	vbroadcast v0, $0x1;
	v62 =	vld [tilespmem:s12+$0xFFFFFF50]  }
0x381: {  	v42 =	vbroadcast v0, $0x2;
	v50 =	vmul.f32 v55, v50;
	v63 =	vld [tilespmem:s12+$0xFFFFFF70]  }
0x382: {  	v0 =	vmul.f32 v4, v55;
	v4 =	vmul.f32 v53, v56;
	v53 =	vld [tilespmem:s12+$0xFFFFFF80]  }
0x383: {  	v45 =	vmul.f32 v45, v56;
	[tilespmem:s12+$0xFFFFFEE0] =	vst v50;
	v50 =	vmul.f32 v57, v58;
	v55 =	vld [tilespmem:s12+$0xFFFFFF90]  }
0x384: {  	[tilespmem:s12+$0xFFFFFEF0] =	vst v0;
	v0 =	vmul.f32 v59, v58;
	v49 =	vmul.f32 v49, v48;
	v56 =	vld [tilespmem:s12+$0xFFFFFFA0]  }
0x385: {  	[tilespmem:s12+$0xFFFFFF00] =	vst v4;
	v4 =	vmul.f32 v62, v48;
	v48 =	vld [tilespmem:s12+$0xFFFFFFB0]  }
0x386: {  	[tilespmem:s12+$0xFFFFFF10] =	vst v45;
	v45 =	vmul.f32 v51, v63;
	v57 =	vld [tilespmem:s12+$0xFFFFFFC0]  }
0x387: {  	[tilespmem:s12+$0xFFFFFF20] =	vst v50;
	v50 =	vmul.f32 v53, v51;
	v51 =	vld [tilespmem:s12+$0xFFFFFFD0]  }
0x388: {  	[tilespmem:s12+$0xFFFFFF30] =	vst v0;
	v0 =	vmul.f32 v55, v52;
	v53 =	vld [tilespmem:s12+$0xFFFFFFE0]  }
0x389: {  	[tilespmem:s12+$0xFFFFFF40] =	vst v49;
	v49 =	vmul.f32 v56, v52;
	v52 =	vld [tilespmem:s12+$0x0]  }
0x38a: {  	[tilespmem:s12+$0xFFFFFF50] =	vst v4;
	v4 =	vmul.f32 v48, v54;
	v48 =	vld [tilespmem:s12+$0x10]  }
0x38b: {  	[tilespmem:s12+$0xFFFFFF70] =	vst v45;
	v45 =	vmul.f32 v57, v54;
	v54 =	vld [tilespmem:s12+$0x20]  }
0x38c: {  	[tilespmem:s12+$0xFFFFFF80] =	vst v50;
	v50 =	vmul.f32 v51, v6;
	v51 =	vld [tilespmem:s12+$0x30]  }
0x38d: {  	[tilespmem:s12+$0xFFFFFF90] =	vst v0;
	v0 =	vmul.f32 v53, v6;
	v6 =	vld [tilespmem:s12+$0x40]  }
0x38e: {  	[tilespmem:s12+$0xFFFFFFA0] =	vst v49;
	v49 =	vmul.f32 v46, v52;
	v52 =	vld [tilespmem:s12+$0x50]  }
0x38f: {  	[tilespmem:s12+$0xFFFFFFB0] =	vst v4;
	v4 =	vmul.f32 v48, v46;
	v46 =	vld [tilespmem:s12+$0x60]  }
0x390: {  	[tilespmem:s12+$0xFFFFFFC0] =	vst v45;
	v53 =	vmul.f32 v54, v60;
	v54 =	vld [tilespmem:s12+$0x70]  }
0x391: {  	[tilespmem:s12+$0xFFFFFFD0] =	vst v50;
	v55 =	vmul.f32 v51, v60;
	v56 =	vld [tilespmem:s12+$0x90]  }
0x392: {  	[tilespmem:s12+$0xFFFFFFE0] =	vst v0;
	v0 =	vmul.f32 v6, v61;
	v6 =	vld [tilespmem:s12+$0xA0]  }
.Ltmp5:
0x393: {  	[tilespmem:s12+$0x0] =	vst v49;
	v48 =	vmul.f32 v52, v61;
	v45 =	vld [tilespmem:s12+$0xB0];
	(pc) =	sbr.rel @p0 .LBB2_12-.Ltmp5, $4  }
0x394: {  	[tilespmem:s12+$0x10] =	vst v4;
	v50 =	vmul.f32 v46, v47;
	v46 =	vld [tilespmem:s12+$0xC0]  }
0x395: {  	[tilespmem:s12+$0x20] =	vst v53;
	v51 =	vmul.f32 v54, v47;
	v47 =	vld [tilespmem:s12+$0xD0]  }
0x396: {  	[tilespmem:s12+$0x30] =	vst v55;
	v53 =	vmul.f32 v43, v56;
	v49 =	vld [tilespmem:s12+$0xE0]  }
0x397: {  	s12 =	sadd.s32 $0x240, s12;
	[tilespmem:s10+$0x40] =	vst v0;
	v52 =	vmul.f32 v6, v43;
	v43 =	vld [tilespmem:s10+$0xF0]  }
0x398: {  	[tilespmem:s10+$0x50] =	vst v48  }
0x399: {  	[tilespmem:s10+$0x60] =	vst v50  }
0x39a: {  	[tilespmem:s10+$0x70] =	vst v51  }
0x39b: {  	v0 =	vmul.f32 v45, v44;
	[tilespmem:s10+$0x90] =	vst v53  }
0x39c: {  	v4 =	vmul.f32 v46, v44;
	[tilespmem:s10+$0xA0] =	vst v52  }
0x39d: {  	v6 =	vmul.f32 v47, v42;
	[tilespmem:s10+$0xB0] =	vst v0  }
0x39e: {  	v0 =	vmul.f32 v49, v42;
	[tilespmem:s10+$0xC0] =	vst v4  }
0x39f: {  	s9 =	sadd.s32 $0x1, s9;
	v4 =	vmul.f32 v43, v41;
	[tilespmem:s10+$0xD0] =	vst v6  }
0x3a0: {  	p0 =	sne.s32 s9, $0x5;
	[tilespmem:s10+$0xE0] =	vst v0  }
.Ltmp6:
0x3a1: {  	[tilespmem:s10+$0xF0] =	vst v4;
	(pc) =	sbr.rel @p0 .LBB2_4-.Ltmp6, $4  }
0x3a2: {  	[spmem:s3] =	stream.indirect.scatter.add.f32 [tilespmem:s19], [sflag:$0x5], $0x90, s2, s22, $0xb8;
	[tilespmem:$0x1D330] =	vst v63  }
0x3a3: {  	_ =	swait.ge [sflag:s20], $0x2D00  }
0x3a4: {  	[sflag:s20] =	ssyncset.done $0x0  }
0x3a5: {  	[sflag:s20] =	ssyncadd.s32 $0xFFFFD300  }
0x3a6: {  	s0 =	stileid.u32;
	s4 =	sadd.s32 $0x1, s4  }
0x3a7: {  	[bflag:$0x0] =	sbarrier.arrive $0xFFFF;
	s0 =	sshll.u32 s0, $0x6;
	p0 =	sne.s32 s4, s18  }
.Ltmp7:
0x3a8: {  	s9 =	sshrl.u32 s8, $0x3;
	s0 =	sor.u32 $0x1C05, s0;
	(pc) =	sbr.rel @p0 .LBB2_1-.Ltmp7, $4  }
0x3a9: {  	[hbm:s17], [sflag:s0] =	dma.local [spmem:s9], $0x2BF2  }
0x3aa: {  	_ =	swait.ge [sflag:s20], $0x2BF2  }
0x3ab: {  	[sflag:s20] =	ssyncset.done $0x0  }
0x3ac: {  	[sflag:s20] =	ssyncadd.s32 $0xFFFFD40E  }
0x3ad: {  	_ =	sfence.sel $0x180000  }
0x3ae: {  	[bflag:$0x0] =	sbarrier.arrive $0xFFFF  }
0x3af: {  	_ =	strace $0x90000047  }
0x3b0: {  	s0 =	stileid.u32;
	[bflag:$0x2] =	sbarrier.arrive $0xFFFF  }
0x3b1: {  	p0 =	sne.s32 s0, $0x0;
	s0 =	rddreg [dreg:$0x3]  }
0x3b2: {  	s0 =	sadd.s32 @!p0 $0x100000, s0  }
0x3b3: {  	[sflag:s0] =	ssyncadd.tile.s32 @!p0 $0x1;
	_ =	shalt  }
.Lfunc_end2:
_tile_overlayer_lowered:
.L_overlay_start_2:
0x3b4: {  	(tag) =	ssettag $0x2  }
0x3b5: {  	s0 =	rddreg [dreg:$0x0];
	s2 =	stileid.u32  }
0x3b6: {  	s1 =	rddreg [dreg:$0x1];
	p0 =	sne.s32 s2, $0x0  }
0x3b7: {  	s3 =	rddreg [dreg:$0x2];
	[bflag:$0x3] =	sbarrier.arrive $0xFFFF;
	s2 =	simm.s32 @!p0 $0x1C05  }
0x3b8: {  	[timem:s3], [sflag:s2] =	dma.local @!p0 [hbm:s0], s1  }
0x3b9: {  	s0 =	simm.s32 @!p0 $0x5  }
0x3ba: {  	_ =	swait.ge @!p0 [sflag:s0], s1  }
0x3bb: {  	s1 =	ssub.s32 @!p0 $0x0, s1;
	[sflag:s0] =	ssyncset.done @!p0 $0x0  }
0x3bc: {  	[sflag:s0] =	ssyncadd.s32 @!p0 s1  }
0x3bd: {  	[bflag:$0x3] =	sbarrier.arrive $0xFFFF  }
0x3be: {  	_ =	shalt  }

</sc_bundles>
